<compile_context>
chip_gen: v7x
topology: tpu7x:2x2x1
jax: 0.10.2.dev20260603
libtpu: 0.0.44.dev20260713+nightly
codegen_flags: <defaults>
</compile_context>

<pallas_src>
import jax
import jax.numpy as jnp
import numpy as np
from jax import lax
from jax.experimental import pallas as pl
from jax.experimental.pallas import tpu as pltpu
from jax.experimental.pallas import tpu_sc as plsc

N = 10000
E = 160000
F = 256
H = 128
NC = 2
NS = 16
CH = 128
EPW = 10240
E_PAD = NS * EPW
NCH = EPW // CH
CPS = 40
N_PAD = 10240
RPS = N_PAD // NS
BLK = 1000
_TAIL_REAL = E - (NS - 1) * EPW - (NCH // CPS - 1) * CPS * CH

_MESH = plsc.VectorSubcoreMesh(core_axis_name="c", subcore_axis_name="s",
                               num_cores=NC, num_subcores=NS)


def _sc_agg_body(edges_hbm, dst_hbm, t0_hbm, t1_hbm, out_hbm,
                 src_v, dst_v, buf0, buf1, acc,
                 gsem0, gsem1, ssem0, ssem1):
    c = lax.axis_index("c")
    s = lax.axis_index("s")

    zero16 = jnp.zeros((16,), jnp.float32)

    def _zb(i, _):
        for k in range(8):
            buf0[i, pl.ds(k * 16, 16)] = zero16
        return _

    lax.fori_loop(0, CH, _zb, None)
    for k in range(RPS // CH):
        pltpu.sync_copy(buf0, acc.at[pl.ds(s * RPS + k * CH, CH)])

    plsc.subcore_barrier()

    def _pipeline(table_hbm):
        def _gstart(jj, buf, sem):
            pltpu.async_copy(
                table_hbm.at[src_v.at[pl.ds(jj * CH, CH)]], buf, sem)

        def _gwait(jj, buf, sem):
            pltpu.make_async_copy(
                table_hbm.at[src_v.at[pl.ds(jj * CH, CH)]], buf, sem).wait()

        def _swait(jj, buf, sem):
            pltpu.make_async_copy(buf, acc.at[dst_v.at[jj]], sem).wait()

        def _stage(st, _):
            base = s * EPW + st * (CPS * CH)
            tail = jnp.logical_and(s == NS - 1, st == (NCH // CPS) - 1)

            @pl.when(jnp.logical_not(tail))
            def _():
                pltpu.sync_copy(edges_hbm.at[0, pl.ds(base, CPS * CH)],
                                src_v)

            @pl.when(tail)
            def _():
                pltpu.sync_copy(edges_hbm.at[0, pl.ds(base, _TAIL_REAL)],
                                src_v.at[pl.ds(0, _TAIL_REAL)])
                iota16 = lax.iota(jnp.int32, 16)

                def _fill(i, _):
                    src_v[pl.ds(_TAIL_REAL + i * 16, 16)] = (
                        iota16 + (i % 8) * 16)
                    return _

                lax.fori_loop(0, (CPS * CH - _TAIL_REAL) // 16, _fill, None)

            pltpu.sync_copy(dst_hbm.at[s, pl.ds(st * CPS, CPS)], dst_v)

            _gstart(0, buf0, gsem0)

            def _step(t, _):
                jj = 2 * t

                @pl.when(jj > 0)
                def _():
                    _swait(jj - 1, buf1, ssem1)

                _gstart(jj + 1, buf1, gsem1)
                _gwait(jj, buf0, gsem0)
                pltpu.async_copy(buf0, acc.at[dst_v.at[jj]], ssem0, add=True)

                @pl.when(jj + 2 < CPS)
                def _():
                    _swait(jj, buf0, ssem0)
                    _gstart(jj + 2, buf0, gsem0)

                _gwait(jj + 1, buf1, gsem1)
                pltpu.async_copy(buf1, acc.at[dst_v.at[jj + 1]], ssem1,
                                 add=True)
                return _

            lax.fori_loop(0, CPS // 2, _step, None)
            _swait(CPS - 2, buf0, ssem0)
            _swait(CPS - 1, buf1, ssem1)
            return _

        lax.fori_loop(0, NCH // CPS, _stage, None)

    @pl.when(c == 0)
    def _():
        _pipeline(t0_hbm)

    @pl.when(c == 1)
    def _():
        _pipeline(t1_hbm)

    plsc.subcore_barrier()

    pltpu.sync_copy(acc.at[pl.ds(s * RPS, RPS)],
                    out_hbm.at[c, pl.ds(s * RPS, RPS)])


_sc_agg = pl.kernel(
    _sc_agg_body,
    out_type=jax.ShapeDtypeStruct((NC, N_PAD, H), jnp.float32),
    mesh=_MESH,
    scratch_types=[
        pltpu.VMEM((CPS * CH,), jnp.int32),
        pltpu.VMEM((CPS, CH), jnp.int32),
        pltpu.VMEM((CH, H), jnp.float32),
        pltpu.VMEM((CH, H), jnp.float32),
        pltpu.VMEM_SHARED((N_PAD, H), jnp.float32),
        pltpu.SemaphoreType.DMA,
        pltpu.SemaphoreType.DMA,
        pltpu.SemaphoreType.DMA,
        pltpu.SemaphoreType.DMA,
    ],
)


def _sc_deg_body(dst_hbm, deg_hbm, dst_v, ones_v, dz_v, dacc, dsem):
    c = lax.axis_index("c")
    s = lax.axis_index("s")

    one16 = jnp.ones((16,), jnp.float32)
    zero16 = jnp.zeros((16,), jnp.float32)

    def _ob(i, _):
        ones_v[pl.ds(i * 16, 16)] = one16
        return _

    lax.fori_loop(0, CH // 16, _ob, None)

    def _dz(i, _):
        dz_v[pl.ds(i * 16, 16)] = zero16
        return _

    lax.fori_loop(0, RPS // 16, _dz, None)
    pltpu.sync_copy(dz_v, dacc.at[pl.ds(s * RPS, RPS)])
    plsc.subcore_barrier()

    pltpu.sync_copy(dst_hbm.at[s, pl.ds(c * CPS, CPS)], dst_v)

    def _step(jj, _):
        pltpu.async_copy(ones_v, dacc.at[dst_v.at[jj]], dsem, add=True)
        return _

    lax.fori_loop(0, CPS, _step, None)

    def _ddrain(jj, _):
        pltpu.make_async_copy(ones_v, dacc.at[dst_v.at[jj]], dsem).wait()
        return _

    lax.fori_loop(0, CPS, _ddrain, None)
    plsc.subcore_barrier()

    pltpu.sync_copy(dacc.at[pl.ds(s * RPS, RPS)],
                    deg_hbm.at[c, pl.ds(s * RPS, RPS)])


def _sc_deg(dst_w):
    return pl.kernel(
        _sc_deg_body,
        out_type=jax.ShapeDtypeStruct((NC, N_PAD), jnp.float32),
        mesh=_MESH,
        scratch_types=[
            pltpu.VMEM((CPS, CH), jnp.int32),
            pltpu.VMEM((CH,), jnp.float32),
            pltpu.VMEM((RPS,), jnp.float32),
            pltpu.VMEM_SHARED((N_PAD,), jnp.float32),
            pltpu.SemaphoreType.DMA,
        ],
    )(dst_w)


def _preB_body(x_ref, wn_ref, b0_ref, b1_ref):
    bf = jnp.dot(x_ref[...], wn_ref[...], preferred_element_type=jnp.float32)
    b0_ref[...] = bf[:, :H]
    b1_ref[...] = bf[:, H:]


def _preA_body(x_ref, ws_ref, b_ref, a_ref):
    a_ref[...] = (jnp.dot(x_ref[...], ws_ref[...],
                          preferred_element_type=jnp.float32) + b_ref[...])


def _agg_h(a_ref, s_ref, deg_ref):
    rdeg = 1.0 / jnp.maximum(deg_ref[...], 1.0)
    agg = jnp.concatenate([s_ref[0], s_ref[1]], axis=-1) * rdeg
    return jnp.maximum(a_ref[...] + agg, 0.0)


def _midB_body(a1_ref, s_ref, deg_ref, wn_ref, b0_ref, b1_ref):
    h = _agg_h(a1_ref, s_ref, deg_ref)
    bf = jnp.dot(h, wn_ref[...], preferred_element_type=jnp.float32)
    b0_ref[...] = bf[:, :H]
    b1_ref[...] = bf[:, H:]


def _midA_body(a1_ref, s_ref, deg_ref, ws_ref, b_ref, a2_ref):
    h = _agg_h(a1_ref, s_ref, deg_ref)
    a2_ref[...] = (jnp.dot(h, ws_ref[...],
                           preferred_element_type=jnp.float32) + b_ref[...])


def _post_body(a2_ref, s_ref, deg_ref, out_ref):
    out_ref[...] = _agg_h(a2_ref, s_ref, deg_ref)


_W_SPEC = pl.BlockSpec((F, F), lambda i: (0, 0))
_B_SPEC = pl.BlockSpec((1, F), lambda i: (0, 0))
_ROW_SPEC = pl.BlockSpec((BLK, F), lambda i: (i, 0))
_SPLIT_SPEC = pl.BlockSpec((NC, BLK, H), lambda i: (0, i, 0))
_DEG_SPEC = pl.BlockSpec((BLK, 1), lambda i: (i, 0))

_ROW_SHAPE = jax.ShapeDtypeStruct((N, F), jnp.float32)
_HALF_SPEC = pl.BlockSpec((BLK, H), lambda i: (i, 0))
_HALF_SHAPE = jax.ShapeDtypeStruct((N, H), jnp.float32)

_preB = pl.pallas_call(
    _preB_body, grid=(N // BLK,),
    in_specs=[_ROW_SPEC, _W_SPEC],
    out_specs=[_HALF_SPEC, _HALF_SPEC],
    out_shape=[_HALF_SHAPE, _HALF_SHAPE],
)

_preA = pl.pallas_call(
    _preA_body, grid=(N // BLK,),
    in_specs=[_ROW_SPEC, _W_SPEC, _B_SPEC],
    out_specs=_ROW_SPEC, out_shape=_ROW_SHAPE,
)

_midB = pl.pallas_call(
    _midB_body, grid=(N // BLK,),
    in_specs=[_ROW_SPEC, _SPLIT_SPEC, _DEG_SPEC, _W_SPEC],
    out_specs=[_HALF_SPEC, _HALF_SPEC],
    out_shape=[_HALF_SHAPE, _HALF_SHAPE],
)

_midA = pl.pallas_call(
    _midA_body, grid=(N // BLK,),
    in_specs=[_ROW_SPEC, _SPLIT_SPEC, _DEG_SPEC, _W_SPEC, _B_SPEC],
    out_specs=_ROW_SPEC, out_shape=_ROW_SHAPE,
)

_post = pl.pallas_call(
    _post_body, grid=(N // BLK,),
    in_specs=[_ROW_SPEC, _SPLIT_SPEC, _DEG_SPEC],
    out_specs=_ROW_SPEC, out_shape=_ROW_SHAPE,
)


_PAD_N = E_PAD - E
_PAD_DST2 = (N + np.arange(_PAD_N, dtype=np.int32)
             % (N_PAD - N)).reshape(-1, CH)


def kernel(x, edge_index, W1_self, W1_neigh, b1, W2_self, W2_neigh, b2):
    ei = edge_index.astype(jnp.int32)
    dst_p = jnp.concatenate([ei.reshape(2, E // CH, CH)[1],
                             jnp.asarray(_PAD_DST2)], axis=0)
    dst3 = dst_p.reshape(NS, NCH, CH)

    degm = _sc_deg(dst3)
    deg2 = (degm[0, :N] + degm[1, :N]).reshape(N, 1)

    b10, b11 = _preB(x, W1_neigh)
    s1 = _sc_agg(ei, dst3, b10, b11)
    a1 = _preA(x, W1_self, b1.reshape(1, F))

    b20, b21 = _midB(a1, s1, deg2, W2_neigh)
    s2 = _sc_agg(ei, dst3, b20, b21)
    a2 = _midA(a1, s1, deg2, W2_self, b2.reshape(1, F))

    return _post(a2, s2, deg2)

# --- scband reference (transcript-rebuilt; emitter-appended) ---
"""Pipeline reference for scband-graph-sage-44435731644801 (READ-ONLY COPY).

The authoritative reference and input builder live on the scoring server;
editing this copy changes nothing except your own understanding.
"""

import jax, jax.numpy as jnp
import numpy as np

N_NODES = 10000
N_EDGES = 160000
IN_FEATS = 256
HIDDEN_FEATS = 256
OUT_FEATS = 256


def setup_inputs(seed: int = 0) -> dict:
    key = jax.random.key(seed)
    ks = jax.random.split(key, 9)
    x = jax.random.normal(ks[0], (N_NODES, IN_FEATS), dtype=jnp.float32)
    edge_index = jax.random.randint(ks[1], (2, N_EDGES), 0, N_NODES, dtype=jnp.int64)
    s1 = 1.0 / np.sqrt(IN_FEATS)
    s2 = 1.0 / np.sqrt(HIDDEN_FEATS)
    W1_self = jax.random.uniform(ks[2], (IN_FEATS, HIDDEN_FEATS), jnp.float32, -s1, s1)
    W1_neigh = jax.random.uniform(ks[3], (IN_FEATS, HIDDEN_FEATS), jnp.float32, -s1, s1)
    b1 = jnp.zeros((HIDDEN_FEATS,), jnp.float32)
    W2_self = jax.random.uniform(ks[4], (HIDDEN_FEATS, OUT_FEATS), jnp.float32, -s2, s2)
    W2_neigh = jax.random.uniform(ks[5], (HIDDEN_FEATS, OUT_FEATS), jnp.float32, -s2, s2)
    b2 = jnp.zeros((OUT_FEATS,), jnp.float32)
    return {"x": x, "edge_index": edge_index,
            "W1_self": W1_self, "W1_neigh": W1_neigh, "b1": b1,
            "W2_self": W2_self, "W2_neigh": W2_neigh, "b2": b2}


def _sage_conv(x, edge_index, W_self, W_neigh, b):
    # SAGEConv with aggregator_type='mean' (dropout=0.0):
    # h_dst = x_dst @ W_self + mean_{src in N(dst)}(x_src) @ W_neigh + b
    src = edge_index[0]
    dst = edge_index[1]
    msg = jnp.take(x, src, axis=0)
    agg = jax.ops.segment_sum(msg, dst, num_segments=x.shape[0])
    deg = jax.ops.segment_sum(jnp.ones((src.shape[0],), jnp.float32), dst,
                              num_segments=x.shape[0])
    agg = agg / jnp.maximum(deg, 1.0)[:, None]
    return x @ W_self + agg @ W_neigh + b


def reference(x, edge_index, W1_self, W1_neigh, b1, W2_self, W2_neigh, b2):
    # input layer over the single edge type 'rel'
    h = jax.nn.relu(_sage_conv(x, edge_index, W1_self, W1_neigh, b1))
    # output layer
    h = jax.nn.relu(_sage_conv(h, edge_index, W2_self, W2_neigh, b2))
    # pooling: mean over the stack of per-etype features; with one etype it is identity
    pooled = jnp.mean(jnp.stack([h], axis=0), axis=0)
    return pooled

if __name__ == "__main__":
    import jax
    _d = setup_inputs()
    print(jax.jit(kernel)(*tuple(_d.values())))

</pallas_src>

<mosaic_0001>
#map = affine_map<(d0, d1) -> (0, 0, 0)>
#map1 = affine_map<(d0, d1) -> (0, 0)>
module attributes {stable_mosaic.version = 14 : i64} {
  func.func @_sc_deg_body(%arg0: i32, %arg1: i32, %arg2: memref<16x80x128xi32, #tpu.memory_space<hbm>>, %arg3: memref<2x10240xf32, #tpu.memory_space<hbm>>, %arg4: memref<40x128xi32, #tpu.memory_space<vmem>>, %arg5: memref<128xf32, #tpu.memory_space<vmem>>, %arg6: memref<640xf32, #tpu.memory_space<vmem>>, %arg7: memref<10240xf32, #tpu.memory_space<vmem_shared>>, %arg8: memref<!tpu.dma_semaphore, #tpu.memory_space<semaphore_mem>>) attributes {dimension_semantics = [#tpu.dimension_semantics<core_parallel>, #tpu.dimension_semantics<subcore_parallel>], iteration_bounds = array<i64: 2, 16>, scalar_prefetch = 0 : i64, scratch_operands = 5 : i64, tpu.core_type = #tpu.core_type<sc_vector_subcore>, window_params = [{transform_indices = #map}, {transform_indices = #map1}]} {
    %broadcast_in_dim3A = arith.constant 1.000000e+00 : f32
    %broadcast_in_dim3A_0 = vector.broadcast %broadcast_in_dim3A : f32 to vector<16xf32>
    %broadcast_in_dim3A_1 = arith.constant 0.000000e+00 : f32
    %broadcast_in_dim3A_2 = vector.broadcast %broadcast_in_dim3A_1 : f32 to vector<16xf32>
    %scan3A = arith.constant 0 : i32
    %scan3A_3 = arith.constant 8 : i32
    %scan3A_4 = arith.addi %scan3A, %scan3A_3 : i32
    %scan3A_5 = arith.constant 1 : i32
    scf.for %scan3A_30 = %scan3A to %scan3A_4 step %scan3A_5  : i32 {
      %mul3A_31 = arith.constant 16 : i32
      %mul3A_32 = arith.muli %scan3A_30, %mul3A_31 : i32
      %swap3A = arith.index_cast %mul3A_32 : i32 to index
      %swap3A_33 = tpu.vector_load %arg5[%swap3A] {strides = array<i32>} : memref<128xf32, #tpu.memory_space<vmem>>, vector<16xf32>,
      %swap3A_34 = vector.shape_cast %swap3A_33 : vector<16xf32> to vector<16xf32>
      %swap3A_35 = vector.shape_cast %broadcast_in_dim3A_0 : vector<16xf32> to vector<16xf32>
      tpu.vector_store %arg5[%swap3A], %swap3A_35 {strides = array<i32>} : memref<128xf32, #tpu.memory_space<vmem>>, vector<16xf32>,
    }
    %scan3A_6 = arith.constant 8 : i32
    %scan3A_7 = arith.constant 0 : i32
    %scan3A_8 = arith.constant 40 : i32
    %scan3A_9 = arith.addi %scan3A_7, %scan3A_8 : i32
    %scan3A_10 = arith.constant 1 : i32
    scf.for %scan3A_30 = %scan3A_7 to %scan3A_9 step %scan3A_10  : i32 {
      %mul3A_31 = arith.constant 16 : i32
      %mul3A_32 = arith.muli %scan3A_30, %mul3A_31 : i32
      %swap3A = arith.index_cast %mul3A_32 : i32 to index
      %swap3A_33 = tpu.vector_load %arg6[%swap3A] {strides = array<i32>} : memref<640xf32, #tpu.memory_space<vmem>>, vector<16xf32>,
      %swap3A_34 = vector.shape_cast %swap3A_33 : vector<16xf32> to vector<16xf32>
      %swap3A_35 = vector.shape_cast %broadcast_in_dim3A_2 : vector<16xf32> to vector<16xf32>
      tpu.vector_store %arg6[%swap3A], %swap3A_35 {strides = array<i32>} : memref<640xf32, #tpu.memory_space<vmem>>, vector<16xf32>,
    }
    %scan3A_11 = arith.constant 40 : i32
    %mul3A = arith.constant 640 : i32
    %mul3A_12 = arith.muli %arg1, %mul3A : i32
    "tpu.region"() ({
      %run_scoped3A = tpu.sem_alloc : memref<!tpu.dma_semaphore, #tpu.memory_space<semaphore_mem>>
      %dma_start3A = tpu.memref_slice %arg7[%mul3A_12] : memref<10240xf32, #tpu.memory_space<vmem_shared>> -> memref<640xf32, #tpu.memory_space<vmem_shared>>
      %dma_start3A_30 = tpu.memref_slice %arg7[%mul3A_12] : memref<10240xf32, #tpu.memory_space<vmem_shared>> -> memref<640xf32, #tpu.memory_space<vmem_shared>>
      tpu.enqueue_dma source(%arg6 : memref<640xf32, #tpu.memory_space<vmem>>) target(%dma_start3A_30 : memref<640xf32, #tpu.memory_space<vmem_shared>>) target_semaphore(%run_scoped3A : memref<!tpu.dma_semaphore, #tpu.memory_space<semaphore_mem>>)
      %dma_wait3A = tpu.memref_slice %arg7[%mul3A_12] : memref<10240xf32, #tpu.memory_space<vmem_shared>> -> memref<640xf32, #tpu.memory_space<vmem_shared>>
      %dma_wait3A_31 = tpu.memref_slice %arg7[%mul3A_12] : memref<10240xf32, #tpu.memory_space<vmem_shared>> -> memref<640xf32, #tpu.memory_space<vmem_shared>>
      tpu.wait_dma2 semaphore(%run_scoped3A : memref<!tpu.dma_semaphore, #tpu.memory_space<semaphore_mem>>) src(%arg6 : memref<640xf32, #tpu.memory_space<vmem>>) dst(%dma_wait3A_31 : memref<640xf32, #tpu.memory_space<vmem_shared>>)
      tpu.yield
    }) : () -> ()
    %barrier3A = arith.constant 0 : index
    tpu.barrier barrier_id(%barrier3A)
    %mul3A_13 = arith.constant 40 : i32
    %mul3A_14 = arith.muli %arg0, %mul3A_13 : i32
    "tpu.region"() ({
      %run_scoped3A = tpu.sem_alloc : memref<!tpu.dma_semaphore, #tpu.memory_space<semaphore_mem>>
      %dma_start3A = arith.constant 0 : i32
      %dma_start3A_30 = tpu.memref_slice %arg2[%arg1, %mul3A_14, %dma_start3A] : memref<16x80x128xi32, #tpu.memory_space<hbm>> -> memref<1x40x128xi32, #tpu.memory_space<hbm>>
      %dma_start3A_31 = tpu.memref_squeeze %dma_start3A_30 : memref<1x40x128xi32, #tpu.memory_space<hbm>> -> memref<40x128xi32, #tpu.memory_space<hbm>>
      %dma_start3A_32 = arith.constant 0 : i32
      %dma_start3A_33 = tpu.memref_slice %arg2[%arg1, %mul3A_14, %dma_start3A_32] : memref<16x80x128xi32, #tpu.memory_space<hbm>> -> memref<1x40x128xi32, #tpu.memory_space<hbm>>
      %dma_start3A_34 = tpu.memref_squeeze %dma_start3A_33 : memref<1x40x128xi32, #tpu.memory_space<hbm>> -> memref<40x128xi32, #tpu.memory_space<hbm>>
      tpu.enqueue_dma source(%dma_start3A_34 : memref<40x128xi32, #tpu.memory_space<hbm>>) target(%arg4 : memref<40x128xi32, #tpu.memory_space<vmem>>) target_semaphore(%run_scoped3A : memref<!tpu.dma_semaphore, #tpu.memory_space<semaphore_mem>>)
      %dma_wait3A = arith.constant 0 : i32
      %dma_wait3A_35 = tpu.memref_slice %arg2[%arg1, %mul3A_14, %dma_wait3A] : memref<16x80x128xi32, #tpu.memory_space<hbm>> -> memref<1x40x128xi32, #tpu.memory_space<hbm>>
      %dma_wait3A_36 = tpu.memref_squeeze %dma_wait3A_35 : memref<1x40x128xi32, #tpu.memory_space<hbm>> -> memref<40x128xi32, #tpu.memory_space<hbm>>
      %dma_wait3A_37 = arith.constant 0 : i32
      %dma_wait3A_38 = tpu.memref_slice %arg2[%arg1, %mul3A_14, %dma_wait3A_37] : memref<16x80x128xi32, #tpu.memory_space<hbm>> -> memref<1x40x128xi32, #tpu.memory_space<hbm>>
      %dma_wait3A_39 = tpu.memref_squeeze %dma_wait3A_38 : memref<1x40x128xi32, #tpu.memory_space<hbm>> -> memref<40x128xi32, #tpu.memory_space<hbm>>
      tpu.wait_dma2 semaphore(%run_scoped3A : memref<!tpu.dma_semaphore, #tpu.memory_space<semaphore_mem>>) src(%dma_wait3A_39 : memref<40x128xi32, #tpu.memory_space<hbm>>) dst(%arg4 : memref<40x128xi32, #tpu.memory_space<vmem>>)
      tpu.yield
    }) : () -> ()
    %scan3A_15 = arith.constant 0 : i32
    %scan3A_16 = arith.constant 40 : i32
    %scan3A_17 = arith.addi %scan3A_15, %scan3A_16 : i32
    %scan3A_18 = arith.constant 1 : i32
    scf.for %scan3A_30 = %scan3A_15 to %scan3A_17 step %scan3A_18  : i32 {
      %dma_start3A = arith.constant 0 : i32
      %dma_start3A_31 = tpu.memref_slice %arg4[%scan3A_30, %dma_start3A] : memref<40x128xi32, #tpu.memory_space<vmem>> -> memref<1x128xi32, #tpu.memory_space<vmem>>
      %dma_start3A_32 = tpu.memref_squeeze %dma_start3A_31 : memref<1x128xi32, #tpu.memory_space<vmem>> -> memref<128xi32, #tpu.memory_space<vmem>>
      %dma_start3A_33 = arith.constant 0 : i32
      %dma_start3A_34 = tpu.memref_slice %arg7[%dma_start3A_33] : memref<10240xf32, #tpu.memory_space<vmem_shared>> -> memref<10240xf32, #tpu.memory_space<vmem_shared>>
      tpu.enqueue_indirect_dma source(%arg5 : memref<128xf32, #tpu.memory_space<vmem>>) target(%dma_start3A_34 : memref<10240xf32, #tpu.memory_space<vmem_shared>>) offsets(%dma_start3A_32 : memref<128xi32, #tpu.memory_space<vmem>>) semaphore(%arg8 : memref<!tpu.dma_semaphore, #tpu.memory_space<semaphore_mem>>) {add = true}
    }
    %scan3A_19 = arith.constant 40 : i32
    %scan3A_20 = arith.constant 0 : i32
    %scan3A_21 = arith.constant 40 : i32
    %scan3A_22 = arith.addi %scan3A_20, %scan3A_21 : i32
    %scan3A_23 = arith.constant 1 : i32
    scf.for %scan3A_30 = %scan3A_20 to %scan3A_22 step %scan3A_23  : i32 {
      %dma_wait3A = arith.constant 0 : i32
      %dma_wait3A_31 = tpu.memref_slice %arg4[%scan3A_30, %dma_wait3A] : memref<40x128xi32, #tpu.memory_space<vmem>> -> memref<1x128xi32, #tpu.memory_space<vmem>>
      %dma_wait3A_32 = tpu.memref_squeeze %dma_wait3A_31 : memref<1x128xi32, #tpu.memory_space<vmem>> -> memref<128xi32, #tpu.memory_space<vmem>>
      %dma_wait3A_33 = arith.constant 0 : i32
      %dma_wait3A_34 = tpu.memref_slice %arg7[%dma_wait3A_33] : memref<10240xf32, #tpu.memory_space<vmem_shared>> -> memref<10240xf32, #tpu.memory_space<vmem_shared>>
      tpu.wait_indirect_dma semaphore(%arg8 : memref<!tpu.dma_semaphore, #tpu.memory_space<semaphore_mem>>) src(%arg5 : memref<128xf32, #tpu.memory_space<vmem>>) dst(%dma_wait3A_34 : memref<10240xf32, #tpu.memory_space<vmem_shared>>)
    }
    %scan3A_24 = arith.constant 40 : i32
    %barrier3A_25 = arith.constant 0 : index
    tpu.barrier barrier_id(%barrier3A_25)
    %mul3A_26 = arith.constant 640 : i32
    %mul3A_27 = arith.muli %arg1, %mul3A_26 : i32
    %mul3A_28 = arith.constant 640 : i32
    %mul3A_29 = arith.muli %arg1, %mul3A_28 : i32
    "tpu.region"() ({
      %run_scoped3A = tpu.sem_alloc : memref<!tpu.dma_semaphore, #tpu.memory_space<semaphore_mem>>
      %dma_start3A = tpu.memref_slice %arg3[%arg0, %mul3A_29] : memref<2x10240xf32, #tpu.memory_space<hbm>> -> memref<1x640xf32, #tpu.memory_space<hbm>>
      %dma_start3A_30 = tpu.memref_squeeze %dma_start3A : memref<1x640xf32, #tpu.memory_space<hbm>> -> memref<640xf32, #tpu.memory_space<hbm>>
      %dma_start3A_31 = tpu.memref_slice %arg7[%mul3A_27] : memref<10240xf32, #tpu.memory_space<vmem_shared>> -> memref<640xf32, #tpu.memory_space<vmem_shared>>
      tpu.enqueue_dma source(%dma_start3A_31 : memref<640xf32, #tpu.memory_space<vmem_shared>>) target(%dma_start3A_30 : memref<640xf32, #tpu.memory_space<hbm>>) target_semaphore(%run_scoped3A : memref<!tpu.dma_semaphore, #tpu.memory_space<semaphore_mem>>)
      %dma_wait3A = tpu.memref_slice %arg3[%arg0, %mul3A_29] : memref<2x10240xf32, #tpu.memory_space<hbm>> -> memref<1x640xf32, #tpu.memory_space<hbm>>
      %dma_wait3A_32 = tpu.memref_squeeze %dma_wait3A : memref<1x640xf32, #tpu.memory_space<hbm>> -> memref<640xf32, #tpu.memory_space<hbm>>
      %dma_wait3A_33 = tpu.memref_slice %arg7[%mul3A_27] : memref<10240xf32, #tpu.memory_space<vmem_shared>> -> memref<640xf32, #tpu.memory_space<vmem_shared>>
      tpu.wait_dma2 semaphore(%run_scoped3A : memref<!tpu.dma_semaphore, #tpu.memory_space<semaphore_mem>>) src(%dma_wait3A_33 : memref<640xf32, #tpu.memory_space<vmem_shared>>) dst(%dma_wait3A_32 : memref<640xf32, #tpu.memory_space<hbm>>)
      tpu.yield
    }) : () -> ()
    return
  }
}

#map = affine_map<(d0, d1) -> (0, 0)>
#map1 = affine_map<(d0, d1) -> (0, 0, 0)>
module attributes {stable_mosaic.version = 14 : i64} {
  func.func @_sc_agg_body(%arg0: i32, %arg1: i32, %arg2: memref<2x160000xi32, #tpu.memory_space<hbm>>, %arg3: memref<16x80x128xi32, #tpu.memory_space<hbm>>, %arg4: memref<10000x128xf32, #tpu.memory_space<hbm>>, %arg5: memref<10000x128xf32, #tpu.memory_space<hbm>>, %arg6: memref<2x10240x128xf32, #tpu.memory_space<hbm>>, %arg7: memref<5120xi32, #tpu.memory_space<vmem>>, %arg8: memref<40x128xi32, #tpu.memory_space<vmem>>, %arg9: memref<128x128xf32, #tpu.memory_space<vmem>>, %arg10: memref<128x128xf32, #tpu.memory_space<vmem>>, %arg11: memref<10240x128xf32, #tpu.memory_space<vmem_shared>>, %arg12: memref<!tpu.dma_semaphore, #tpu.memory_space<semaphore_mem>>, %arg13: memref<!tpu.dma_semaphore, #tpu.memory_space<semaphore_mem>>, %arg14: memref<!tpu.dma_semaphore, #tpu.memory_space<semaphore_mem>>, %arg15: memref<!tpu.dma_semaphore, #tpu.memory_space<semaphore_mem>>) attributes {dimension_semantics = [#tpu.dimension_semantics<core_parallel>, #tpu.dimension_semantics<subcore_parallel>], iteration_bounds = array<i64: 2, 16>, scalar_prefetch = 0 : i64, scratch_operands = 9 : i64, tpu.core_type = #tpu.core_type<sc_vector_subcore>, window_params = [{transform_indices = #map}, {transform_indices = #map1}, {transform_indices = #map}, {transform_indices = #map}, {transform_indices = #map1}]} {
    %broadcast_in_dim3A = arith.constant 0.000000e+00 : f32
    %broadcast_in_dim3A_0 = vector.broadcast %broadcast_in_dim3A : f32 to vector<16xf32>
    %scan3A = arith.constant 0 : i32
    %scan3A_1 = arith.constant 128 : i32
    %scan3A_2 = arith.addi %scan3A, %scan3A_1 : i32
    %scan3A_3 = arith.constant 1 : i32
    scf.for %scan3A_35 = %scan3A to %scan3A_2 step %scan3A_3  : i32 {
      %swap3A = arith.index_cast %scan3A_35 : i32 to index
      %swap3A_36 = arith.constant 0 : index
      %swap3A_37 = tpu.vector_load %arg9[%swap3A, %swap3A_36] {strides = array<i32>} : memref<128x128xf32, #tpu.memory_space<vmem>>, vector<1x16xf32>,
      %swap3A_38 = vector.shape_cast %swap3A_37 : vector<1x16xf32> to vector<16xf32>
      %swap3A_39 = vector.shape_cast %broadcast_in_dim3A_0 : vector<16xf32> to vector<1x16xf32>
      tpu.vector_store %arg9[%swap3A, %swap3A_36], %swap3A_39 {strides = array<i32>} : memref<128x128xf32, #tpu.memory_space<vmem>>, vector<1x16xf32>,
      %swap3A_40 = arith.index_cast %scan3A_35 : i32 to index
      %swap3A_41 = arith.constant 16 : index
      %swap3A_42 = tpu.vector_load %arg9[%swap3A_40, %swap3A_41] {strides = array<i32>} : memref<128x128xf32, #tpu.memory_space<vmem>>, vector<1x16xf32>,
      %swap3A_43 = vector.shape_cast %swap3A_42 : vector<1x16xf32> to vector<16xf32>
      %swap3A_44 = vector.shape_cast %broadcast_in_dim3A_0 : vector<16xf32> to vector<1x16xf32>
      tpu.vector_store %arg9[%swap3A_40, %swap3A_41], %swap3A_44 {strides = array<i32>} : memref<128x128xf32, #tpu.memory_space<vmem>>, vector<1x16xf32>,
      %swap3A_45 = arith.index_cast %scan3A_35 : i32 to index
      %swap3A_46 = arith.constant 32 : index
      %swap3A_47 = tpu.vector_load %arg9[%swap3A_45, %swap3A_46] {strides = array<i32>} : memref<128x128xf32, #tpu.memory_space<vmem>>, vector<1x16xf32>,
      %swap3A_48 = vector.shape_cast %swap3A_47 : vector<1x16xf32> to vector<16xf32>
      %swap3A_49 = vector.shape_cast %broadcast_in_dim3A_0 : vector<16xf32> to vector<1x16xf32>
      tpu.vector_store %arg9[%swap3A_45, %swap3A_46], %swap3A_49 {strides = array<i32>} : memref<128x128xf32, #tpu.memory_space<vmem>>, vector<1x16xf32>,
      %swap3A_50 = arith.index_cast %scan3A_35 : i32 to index
      %swap3A_51 = arith.constant 48 : index
      %swap3A_52 = tpu.vector_load %arg9[%swap3A_50, %swap3A_51] {strides = array<i32>} : memref<128x128xf32, #tpu.memory_space<vmem>>, vector<1x16xf32>,
      %swap3A_53 = vector.shape_cast %swap3A_52 : vector<1x16xf32> to vector<16xf32>
      %swap3A_54 = vector.shape_cast %broadcast_in_dim3A_0 : vector<16xf32> to vector<1x16xf32>
      tpu.vector_store %arg9[%swap3A_50, %swap3A_51], %swap3A_54 {strides = array<i32>} : memref<128x128xf32, #tpu.memory_space<vmem>>, vector<1x16xf32>,
      %swap3A_55 = arith.index_cast %scan3A_35 : i32 to index
      %swap3A_56 = arith.constant 64 : index
      %swap3A_57 = tpu.vector_load %arg9[%swap3A_55, %swap3A_56] {strides = array<i32>} : memref<128x128xf32, #tpu.memory_space<vmem>>, vector<1x16xf32>,
      %swap3A_58 = vector.shape_cast %swap3A_57 : vector<1x16xf32> to vector<16xf32>
      %swap3A_59 = vector.shape_cast %broadcast_in_dim3A_0 : vector<16xf32> to vector<1x16xf32>
      tpu.vector_store %arg9[%swap3A_55, %swap3A_56], %swap3A_59 {strides = array<i32>} : memref<128x128xf32, #tpu.memory_space<vmem>>, vector<1x16xf32>,
      %swap3A_60 = arith.index_cast %scan3A_35 : i32 to index
      %swap3A_61 = arith.constant 80 : index
      %swap3A_62 = tpu.vector_load %arg9[%swap3A_60, %swap3A_61] {strides = array<i32>} : memref<128x128xf32, #tpu.memory_space<vmem>>, vector<1x16xf32>,
      %swap3A_63 = vector.shape_cast %swap3A_62 : vector<1x16xf32> to vector<16xf32>
      %swap3A_64 = vector.shape_cast %broadcast_in_dim3A_0 : vector<16xf32> to vector<1x16xf32>
      tpu.vector_store %arg9[%swap3A_60, %swap3A_61], %swap3A_64 {strides = array<i32>} : memref<128x128xf32, #tpu.memory_space<vmem>>, vector<1x16xf32>,
      %swap3A_65 = arith.index_cast %scan3A_35 : i32 to index
      %swap3A_66 = arith.constant 96 : index
      %swap3A_67 = tpu.vector_load %arg9[%swap3A_65, %swap3A_66] {strides = array<i32>} : memref<128x128xf32, #tpu.memory_space<vmem>>, vector<1x16xf32>,
      %swap3A_68 = vector.shape_cast %swap3A_67 : vector<1x16xf32> to vector<16xf32>
      %swap3A_69 = vector.shape_cast %broadcast_in_dim3A_0 : vector<16xf32> to vector<1x16xf32>
      tpu.vector_store %arg9[%swap3A_65, %swap3A_66], %swap3A_69 {strides = array<i32>} : memref<128x128xf32, #tpu.memory_space<vmem>>, vector<1x16xf32>,
      %swap3A_70 = arith.index_cast %scan3A_35 : i32 to index
      %swap3A_71 = arith.constant 112 : index
      %swap3A_72 = tpu.vector_load %arg9[%swap3A_70, %swap3A_71] {strides = array<i32>} : memref<128x128xf32, #tpu.memory_space<vmem>>, vector<1x16xf32>,
      %swap3A_73 = vector.shape_cast %swap3A_72 : vector<1x16xf32> to vector<16xf32>
      %swap3A_74 = vector.shape_cast %broadcast_in_dim3A_0 : vector<16xf32> to vector<1x16xf32>
      tpu.vector_store %arg9[%swap3A_70, %swap3A_71], %swap3A_74 {strides = array<i32>} : memref<128x128xf32, #tpu.memory_space<vmem>>, vector<1x16xf32>,
    }
    %scan3A_4 = arith.constant 128 : i32
    %mul3A = arith.constant 640 : i32
    %mul3A_5 = arith.muli %arg1, %mul3A : i32
    %add3A = arith.constant 0 : i32
    %add3A_6 = arith.addi %mul3A_5, %add3A : i32
    "tpu.region"() ({
      %run_scoped3A = tpu.sem_alloc : memref<!tpu.dma_semaphore, #tpu.memory_space<semaphore_mem>>
      %dma_start3A = arith.constant 0 : i32
      %dma_start3A_35 = tpu.memref_slice %arg11[%add3A_6, %dma_start3A] : memref<10240x128xf32, #tpu.memory_space<vmem_shared>> -> memref<128x128xf32, #tpu.memory_space<vmem_shared>>
      %dma_start3A_36 = arith.constant 0 : i32
      %dma_start3A_37 = tpu.memref_slice %arg11[%add3A_6, %dma_start3A_36] : memref<10240x128xf32, #tpu.memory_space<vmem_shared>> -> memref<128x128xf32, #tpu.memory_space<vmem_shared>>
      tpu.enqueue_dma source(%arg9 : memref<128x128xf32, #tpu.memory_space<vmem>>) target(%dma_start3A_37 : memref<128x128xf32, #tpu.memory_space<vmem_shared>>) target_semaphore(%run_scoped3A : memref<!tpu.dma_semaphore, #tpu.memory_space<semaphore_mem>>)
      %dma_wait3A = arith.constant 0 : i32
      %dma_wait3A_38 = tpu.memref_slice %arg11[%add3A_6, %dma_wait3A] : memref<10240x128xf32, #tpu.memory_space<vmem_shared>> -> memref<128x128xf32, #tpu.memory_space<vmem_shared>>
      %dma_wait3A_39 = arith.constant 0 : i32
      %dma_wait3A_40 = tpu.memref_slice %arg11[%add3A_6, %dma_wait3A_39] : memref<10240x128xf32, #tpu.memory_space<vmem_shared>> -> memref<128x128xf32, #tpu.memory_space<vmem_shared>>
      tpu.wait_dma2 semaphore(%run_scoped3A : memref<!tpu.dma_semaphore, #tpu.memory_space<semaphore_mem>>) src(%arg9 : memref<128x128xf32, #tpu.memory_space<vmem>>) dst(%dma_wait3A_40 : memref<128x128xf32, #tpu.memory_space<vmem_shared>>)
      tpu.yield
    }) : () -> ()
    %mul3A_7 = arith.constant 640 : i32
    %mul3A_8 = arith.muli %arg1, %mul3A_7 : i32
    %add3A_9 = arith.constant 128 : i32
    %add3A_10 = arith.addi %mul3A_8, %add3A_9 : i32
    "tpu.region"() ({
      %run_scoped3A = tpu.sem_alloc : memref<!tpu.dma_semaphore, #tpu.memory_space<semaphore_mem>>
      %dma_start3A = arith.constant 0 : i32
      %dma_start3A_35 = tpu.memref_slice %arg11[%add3A_10, %dma_start3A] : memref<10240x128xf32, #tpu.memory_space<vmem_shared>> -> memref<128x128xf32, #tpu.memory_space<vmem_shared>>
      %dma_start3A_36 = arith.constant 0 : i32
      %dma_start3A_37 = tpu.memref_slice %arg11[%add3A_10, %dma_start3A_36] : memref<10240x128xf32, #tpu.memory_space<vmem_shared>> -> memref<128x128xf32, #tpu.memory_space<vmem_shared>>
      tpu.enqueue_dma source(%arg9 : memref<128x128xf32, #tpu.memory_space<vmem>>) target(%dma_start3A_37 : memref<128x128xf32, #tpu.memory_space<vmem_shared>>) target_semaphore(%run_scoped3A : memref<!tpu.dma_semaphore, #tpu.memory_space<semaphore_mem>>)
      %dma_wait3A = arith.constant 0 : i32
      %dma_wait3A_38 = tpu.memref_slice %arg11[%add3A_10, %dma_wait3A] : memref<10240x128xf32, #tpu.memory_space<vmem_shared>> -> memref<128x128xf32, #tpu.memory_space<vmem_shared>>
      %dma_wait3A_39 = arith.constant 0 : i32
      %dma_wait3A_40 = tpu.memref_slice %arg11[%add3A_10, %dma_wait3A_39] : memref<10240x128xf32, #tpu.memory_space<vmem_shared>> -> memref<128x128xf32, #tpu.memory_space<vmem_shared>>
      tpu.wait_dma2 semaphore(%run_scoped3A : memref<!tpu.dma_semaphore, #tpu.memory_space<semaphore_mem>>) src(%arg9 : memref<128x128xf32, #tpu.memory_space<vmem>>) dst(%dma_wait3A_40 : memref<128x128xf32, #tpu.memory_space<vmem_shared>>)
      tpu.yield
    }) : () -> ()
    %mul3A_11 = arith.constant 640 : i32
    %mul3A_12 = arith.muli %arg1, %mul3A_11 : i32
    %add3A_13 = arith.constant 256 : i32
    %add3A_14 = arith.addi %mul3A_12, %add3A_13 : i32
    "tpu.region"() ({
      %run_scoped3A = tpu.sem_alloc : memref<!tpu.dma_semaphore, #tpu.memory_space<semaphore_mem>>
      %dma_start3A = arith.constant 0 : i32
      %dma_start3A_35 = tpu.memref_slice %arg11[%add3A_14, %dma_start3A] : memref<10240x128xf32, #tpu.memory_space<vmem_shared>> -> memref<128x128xf32, #tpu.memory_space<vmem_shared>>
      %dma_start3A_36 = arith.constant 0 : i32
      %dma_start3A_37 = tpu.memref_slice %arg11[%add3A_14, %dma_start3A_36] : memref<10240x128xf32, #tpu.memory_space<vmem_shared>> -> memref<128x128xf32, #tpu.memory_space<vmem_shared>>
      tpu.enqueue_dma source(%arg9 : memref<128x128xf32, #tpu.memory_space<vmem>>) target(%dma_start3A_37 : memref<128x128xf32, #tpu.memory_space<vmem_shared>>) target_semaphore(%run_scoped3A : memref<!tpu.dma_semaphore, #tpu.memory_space<semaphore_mem>>)
      %dma_wait3A = arith.constant 0 : i32
      %dma_wait3A_38 = tpu.memref_slice %arg11[%add3A_14, %dma_wait3A] : memref<10240x128xf32, #tpu.memory_space<vmem_shared>> -> memref<128x128xf32, #tpu.memory_space<vmem_shared>>
      %dma_wait3A_39 = arith.constant 0 : i32
      %dma_wait3A_40 = tpu.memref_slice %arg11[%add3A_14, %dma_wait3A_39] : memref<10240x128xf32, #tpu.memory_space<vmem_shared>> -> memref<128x128xf32, #tpu.memory_space<vmem_shared>>
      tpu.wait_dma2 semaphore(%run_scoped3A : memref<!tpu.dma_semaphore, #tpu.memory_space<semaphore_mem>>) src(%arg9 : memref<128x128xf32, #tpu.memory_space<vmem>>) dst(%dma_wait3A_40 : memref<128x128xf32, #tpu.memory_space<vmem_shared>>)
      tpu.yield
    }) : () -> ()
    %mul3A_15 = arith.constant 640 : i32
    %mul3A_16 = arith.muli %arg1, %mul3A_15 : i32
    %add3A_17 = arith.constant 384 : i32
    %add3A_18 = arith.addi %mul3A_16, %add3A_17 : i32
    "tpu.region"() ({
      %run_scoped3A = tpu.sem_alloc : memref<!tpu.dma_semaphore, #tpu.memory_space<semaphore_mem>>
      %dma_start3A = arith.constant 0 : i32
      %dma_start3A_35 = tpu.memref_slice %arg11[%add3A_18, %dma_start3A] : memref<10240x128xf32, #tpu.memory_space<vmem_shared>> -> memref<128x128xf32, #tpu.memory_space<vmem_shared>>
      %dma_start3A_36 = arith.constant 0 : i32
      %dma_start3A_37 = tpu.memref_slice %arg11[%add3A_18, %dma_start3A_36] : memref<10240x128xf32, #tpu.memory_space<vmem_shared>> -> memref<128x128xf32, #tpu.memory_space<vmem_shared>>
      tpu.enqueue_dma source(%arg9 : memref<128x128xf32, #tpu.memory_space<vmem>>) target(%dma_start3A_37 : memref<128x128xf32, #tpu.memory_space<vmem_shared>>) target_semaphore(%run_scoped3A : memref<!tpu.dma_semaphore, #tpu.memory_space<semaphore_mem>>)
      %dma_wait3A = arith.constant 0 : i32
      %dma_wait3A_38 = tpu.memref_slice %arg11[%add3A_18, %dma_wait3A] : memref<10240x128xf32, #tpu.memory_space<vmem_shared>> -> memref<128x128xf32, #tpu.memory_space<vmem_shared>>
      %dma_wait3A_39 = arith.constant 0 : i32
      %dma_wait3A_40 = tpu.memref_slice %arg11[%add3A_18, %dma_wait3A_39] : memref<10240x128xf32, #tpu.memory_space<vmem_shared>> -> memref<128x128xf32, #tpu.memory_space<vmem_shared>>
      tpu.wait_dma2 semaphore(%run_scoped3A : memref<!tpu.dma_semaphore, #tpu.memory_space<semaphore_mem>>) src(%arg9 : memref<128x128xf32, #tpu.memory_space<vmem>>) dst(%dma_wait3A_40 : memref<128x128xf32, #tpu.memory_space<vmem_shared>>)
      tpu.yield
    }) : () -> ()
    %mul3A_19 = arith.constant 640 : i32
    %mul3A_20 = arith.muli %arg1, %mul3A_19 : i32
    %add3A_21 = arith.constant 512 : i32
    %add3A_22 = arith.addi %mul3A_20, %add3A_21 : i32
    "tpu.region"() ({
      %run_scoped3A = tpu.sem_alloc : memref<!tpu.dma_semaphore, #tpu.memory_space<semaphore_mem>>
      %dma_start3A = arith.constant 0 : i32
      %dma_start3A_35 = tpu.memref_slice %arg11[%add3A_22, %dma_start3A] : memref<10240x128xf32, #tpu.memory_space<vmem_shared>> -> memref<128x128xf32, #tpu.memory_space<vmem_shared>>
      %dma_start3A_36 = arith.constant 0 : i32
      %dma_start3A_37 = tpu.memref_slice %arg11[%add3A_22, %dma_start3A_36] : memref<10240x128xf32, #tpu.memory_space<vmem_shared>> -> memref<128x128xf32, #tpu.memory_space<vmem_shared>>
      tpu.enqueue_dma source(%arg9 : memref<128x128xf32, #tpu.memory_space<vmem>>) target(%dma_start3A_37 : memref<128x128xf32, #tpu.memory_space<vmem_shared>>) target_semaphore(%run_scoped3A : memref<!tpu.dma_semaphore, #tpu.memory_space<semaphore_mem>>)
      %dma_wait3A = arith.constant 0 : i32
      %dma_wait3A_38 = tpu.memref_slice %arg11[%add3A_22, %dma_wait3A] : memref<10240x128xf32, #tpu.memory_space<vmem_shared>> -> memref<128x128xf32, #tpu.memory_space<vmem_shared>>
      %dma_wait3A_39 = arith.constant 0 : i32
      %dma_wait3A_40 = tpu.memref_slice %arg11[%add3A_22, %dma_wait3A_39] : memref<10240x128xf32, #tpu.memory_space<vmem_shared>> -> memref<128x128xf32, #tpu.memory_space<vmem_shared>>
      tpu.wait_dma2 semaphore(%run_scoped3A : memref<!tpu.dma_semaphore, #tpu.memory_space<semaphore_mem>>) src(%arg9 : memref<128x128xf32, #tpu.memory_space<vmem>>) dst(%dma_wait3A_40 : memref<128x128xf32, #tpu.memory_space<vmem_shared>>)
      tpu.yield
    }) : () -> ()
    %barrier3A = arith.constant 0 : index
    tpu.barrier barrier_id(%barrier3A)
    %eq3A = arith.constant 0 : i32
    %eq3A_23 = arith.cmpi eq, %arg0, %eq3A : i32
    %convert_element_type3A = arith.extui %eq3A_23 : i1 to i32
    %cond3A = arith.constant 0 : i32
    %cond3A_24 = arith.cmpi ne, %convert_element_type3A, %cond3A : i32
    scf.if %cond3A_24 {
      %scan3A_35 = arith.constant 0 : i32
      %scan3A_36 = arith.constant 2 : i32
      %scan3A_37 = arith.addi %scan3A_35, %scan3A_36 : i32
      %scan3A_38 = arith.constant 1 : i32
      scf.for %scan3A_40 = %scan3A_35 to %scan3A_37 step %scan3A_38  : i32 {
        %mul3A_41 = arith.constant 10240 : i32
        %mul3A_42 = arith.muli %arg1, %mul3A_41 : i32
        %mul3A_43 = arith.constant 5120 : i32
        %mul3A_44 = arith.muli %scan3A_40, %mul3A_43 : i32
        %add3A_45 = arith.addi %mul3A_42, %mul3A_44 : i32
        %eq3A_46 = arith.constant 15 : i32
        %eq3A_47 = arith.cmpi eq, %arg1, %eq3A_46 : i32
        %eq3A_48 = arith.constant 1 : i32
        %eq3A_49 = arith.cmpi eq, %scan3A_40, %eq3A_48 : i32
        %and3A = arith.andi %eq3A_47, %eq3A_49 : i1
        %not3A = arith.constant true
        %not3A_50 = arith.xori %and3A, %not3A : i1
        %convert_element_type3A_51 = arith.extui %not3A_50 : i1 to i32
        %cond3A_52 = arith.constant 0 : i32
        %cond3A_53 = arith.cmpi ne, %convert_element_type3A_51, %cond3A_52 : i32
        scf.if %cond3A_53 {
          %run_scoped3A = arith.constant 0 : i32
          "tpu.region"() ({
            %run_scoped3A_81 = tpu.sem_alloc : memref<!tpu.dma_semaphore, #tpu.memory_space<semaphore_mem>>
            %dma_start3A_82 = tpu.memref_slice %arg2[%run_scoped3A, %add3A_45] : memref<2x160000xi32, #tpu.memory_space<hbm>> -> memref<1x5120xi32, #tpu.memory_space<hbm>>
            %dma_start3A_83 = tpu.memref_squeeze %dma_start3A_82 : memref<1x5120xi32, #tpu.memory_space<hbm>> -> memref<5120xi32, #tpu.memory_space<hbm>>
            %dma_start3A_84 = tpu.memref_slice %arg2[%run_scoped3A, %add3A_45] : memref<2x160000xi32, #tpu.memory_space<hbm>> -> memref<1x5120xi32, #tpu.memory_space<hbm>>
            %dma_start3A_85 = tpu.memref_squeeze %dma_start3A_84 : memref<1x5120xi32, #tpu.memory_space<hbm>> -> memref<5120xi32, #tpu.memory_space<hbm>>
            tpu.enqueue_dma source(%dma_start3A_85 : memref<5120xi32, #tpu.memory_space<hbm>>) target(%arg7 : memref<5120xi32, #tpu.memory_space<vmem>>) target_semaphore(%run_scoped3A_81 : memref<!tpu.dma_semaphore, #tpu.memory_space<semaphore_mem>>)
            %dma_wait3A_86 = tpu.memref_slice %arg2[%run_scoped3A, %add3A_45] : memref<2x160000xi32, #tpu.memory_space<hbm>> -> memref<1x5120xi32, #tpu.memory_space<hbm>>
            %dma_wait3A_87 = tpu.memref_squeeze %dma_wait3A_86 : memref<1x5120xi32, #tpu.memory_space<hbm>> -> memref<5120xi32, #tpu.memory_space<hbm>>
            %dma_wait3A_88 = tpu.memref_slice %arg2[%run_scoped3A, %add3A_45] : memref<2x160000xi32, #tpu.memory_space<hbm>> -> memref<1x5120xi32, #tpu.memory_space<hbm>>
            %dma_wait3A_89 = tpu.memref_squeeze %dma_wait3A_88 : memref<1x5120xi32, #tpu.memory_space<hbm>> -> memref<5120xi32, #tpu.memory_space<hbm>>
            tpu.wait_dma2 semaphore(%run_scoped3A_81 : memref<!tpu.dma_semaphore, #tpu.memory_space<semaphore_mem>>) src(%dma_wait3A_89 : memref<5120xi32, #tpu.memory_space<hbm>>) dst(%arg7 : memref<5120xi32, #tpu.memory_space<vmem>>)
            tpu.yield
          }) : () -> ()
        } else {
        }
        %convert_element_type3A_54 = arith.extui %and3A : i1 to i32
        %cond3A_55 = arith.constant 0 : i32
        %cond3A_56 = arith.cmpi ne, %convert_element_type3A_54, %cond3A_55 : i32
        scf.if %cond3A_56 {
          %run_scoped3A = arith.constant 0 : i32
          "tpu.region"() ({
            %run_scoped3A_86 = tpu.sem_alloc : memref<!tpu.dma_semaphore, #tpu.memory_space<semaphore_mem>>
            %dma_start3A_87 = arith.constant 0 : i32
            %dma_start3A_88 = tpu.memref_slice %arg7[%dma_start3A_87] : memref<5120xi32, #tpu.memory_space<vmem>> -> memref<1280xi32, #tpu.memory_space<vmem>>
            %dma_start3A_89 = tpu.memref_slice %arg2[%run_scoped3A, %add3A_45] : memref<2x160000xi32, #tpu.memory_space<hbm>> -> memref<1x1280xi32, #tpu.memory_space<hbm>>
            %dma_start3A_90 = tpu.memref_squeeze %dma_start3A_89 : memref<1x1280xi32, #tpu.memory_space<hbm>> -> memref<1280xi32, #tpu.memory_space<hbm>>
            %dma_start3A_91 = arith.constant 0 : i32
            %dma_start3A_92 = tpu.memref_slice %arg7[%dma_start3A_91] : memref<5120xi32, #tpu.memory_space<vmem>> -> memref<1280xi32, #tpu.memory_space<vmem>>
            %dma_start3A_93 = tpu.memref_slice %arg2[%run_scoped3A, %add3A_45] : memref<2x160000xi32, #tpu.memory_space<hbm>> -> memref<1x1280xi32, #tpu.memory_space<hbm>>
            %dma_start3A_94 = tpu.memref_squeeze %dma_start3A_93 : memref<1x1280xi32, #tpu.memory_space<hbm>> -> memref<1280xi32, #tpu.memory_space<hbm>>
            tpu.enqueue_dma source(%dma_start3A_94 : memref<1280xi32, #tpu.memory_space<hbm>>) target(%dma_start3A_92 : memref<1280xi32, #tpu.memory_space<vmem>>) target_semaphore(%run_scoped3A_86 : memref<!tpu.dma_semaphore, #tpu.memory_space<semaphore_mem>>)
            %dma_wait3A_95 = arith.constant 0 : i32
            %dma_wait3A_96 = tpu.memref_slice %arg7[%dma_wait3A_95] : memref<5120xi32, #tpu.memory_space<vmem>> -> memref<1280xi32, #tpu.memory_space<vmem>>
            %dma_wait3A_97 = tpu.memref_slice %arg2[%run_scoped3A, %add3A_45] : memref<2x160000xi32, #tpu.memory_space<hbm>> -> memref<1x1280xi32, #tpu.memory_space<hbm>>
            %dma_wait3A_98 = tpu.memref_squeeze %dma_wait3A_97 : memref<1x1280xi32, #tpu.memory_space<hbm>> -> memref<1280xi32, #tpu.memory_space<hbm>>
            %dma_wait3A_99 = arith.constant 0 : i32
            %dma_wait3A_100 = tpu.memref_slice %arg7[%dma_wait3A_99] : memref<5120xi32, #tpu.memory_space<vmem>> -> memref<1280xi32, #tpu.memory_space<vmem>>
            %dma_wait3A_101 = tpu.memref_slice %arg2[%run_scoped3A, %add3A_45] : memref<2x160000xi32, #tpu.memory_space<hbm>> -> memref<1x1280xi32, #tpu.memory_space<hbm>>
            %dma_wait3A_102 = tpu.memref_squeeze %dma_wait3A_101 : memref<1x1280xi32, #tpu.memory_space<hbm>> -> memref<1280xi32, #tpu.memory_space<hbm>>
            tpu.wait_dma2 semaphore(%run_scoped3A_86 : memref<!tpu.dma_semaphore, #tpu.memory_space<semaphore_mem>>) src(%dma_wait3A_102 : memref<1280xi32, #tpu.memory_space<hbm>>) dst(%dma_wait3A_100 : memref<1280xi32, #tpu.memory_space<vmem>>)
            tpu.yield
          }) : () -> ()
          %iota3A = tpu.iota {dimensions = array<i32: 0>} : vector<16xi32>
          %scan3A_81 = arith.constant 0 : i32
          %scan3A_82 = arith.constant 240 : i32
          %scan3A_83 = arith.addi %scan3A_81, %scan3A_82 : i32
          %scan3A_84 = arith.constant 1 : i32
          scf.for %scan3A_86 = %scan3A_81 to %scan3A_83 step %scan3A_84  : i32 {
            %jit3A = arith.constant 8 : i32
            %eq3A_87 = arith.constant 0 : i32
            %eq3A_88 = arith.cmpi eq, %jit3A, %eq3A_87 : i32
            %jit3A_89 = arith.constant 1 : i32
            %select_n3A = arith.select %eq3A_88, %jit3A_89, %jit3A : i32
            %rem3A = arith.remsi %scan3A_86, %select_n3A : i32
            %ne3A = arith.constant 0 : i32
            %ne3A_90 = arith.cmpi ne, %rem3A, %ne3A : i32
            %lt3A = arith.constant 0 : i32
            %lt3A_91 = arith.cmpi slt, %rem3A, %lt3A : i32
            %lt3A_92 = arith.constant 0 : i32
            %lt3A_93 = arith.cmpi slt, %select_n3A, %lt3A_92 : i32
            %ne3A_94 = arith.xori %lt3A_91, %lt3A_93 : i1
            %and3A_95 = arith.andi %ne3A_94, %ne3A_90 : i1
            %add3A_96 = arith.addi %rem3A, %select_n3A : i32
            %select_n3A_97 = arith.select %and3A_95, %add3A_96, %rem3A : i32
            %mul3A_98 = arith.constant 16 : i32
            %mul3A_99 = arith.muli %select_n3A_97, %mul3A_98 : i32
            %add3A_100 = vector.broadcast %mul3A_99 : i32 to vector<16xi32>
            %add3A_101 = arith.addi %iota3A, %add3A_100 : vector<16xi32>
            %mul3A_102 = arith.constant 16 : i32
            %mul3A_103 = arith.muli %scan3A_86, %mul3A_102 : i32
            %add3A_104 = arith.constant 1280 : i32
            %add3A_105 = arith.addi %add3A_104, %mul3A_103 : i32
            %swap3A = arith.index_cast %add3A_105 : i32 to index
            %swap3A_106 = tpu.vector_load %arg7[%swap3A] {strides = array<i32>} : memref<5120xi32, #tpu.memory_space<vmem>>, vector<16xi32>,
            %swap3A_107 = vector.shape_cast %swap3A_106 : vector<16xi32> to vector<16xi32>
            %swap3A_108 = vector.shape_cast %add3A_101 : vector<16xi32> to vector<16xi32>
            tpu.vector_store %arg7[%swap3A], %swap3A_108 {strides = array<i32>} : memref<5120xi32, #tpu.memory_space<vmem>>, vector<16xi32>,
          }
          %scan3A_85 = arith.constant 240 : i32
        } else {
        }
        %mul3A_57 = arith.constant 40 : i32
        %mul3A_58 = arith.muli %scan3A_40, %mul3A_57 : i32
        "tpu.region"() ({
          %run_scoped3A = tpu.sem_alloc : memref<!tpu.dma_semaphore, #tpu.memory_space<semaphore_mem>>
          %dma_start3A_81 = arith.constant 0 : i32
          %dma_start3A_82 = tpu.memref_slice %arg3[%arg1, %mul3A_58, %dma_start3A_81] : memref<16x80x128xi32, #tpu.memory_space<hbm>> -> memref<1x40x128xi32, #tpu.memory_space<hbm>>
          %dma_start3A_83 = tpu.memref_squeeze %dma_start3A_82 : memref<1x40x128xi32, #tpu.memory_space<hbm>> -> memref<40x128xi32, #tpu.memory_space<hbm>>
          %dma_start3A_84 = arith.constant 0 : i32
          %dma_start3A_85 = tpu.memref_slice %arg3[%arg1, %mul3A_58, %dma_start3A_84] : memref<16x80x128xi32, #tpu.memory_space<hbm>> -> memref<1x40x128xi32, #tpu.memory_space<hbm>>
          %dma_start3A_86 = tpu.memref_squeeze %dma_start3A_85 : memref<1x40x128xi32, #tpu.memory_space<hbm>> -> memref<40x128xi32, #tpu.memory_space<hbm>>
          tpu.enqueue_dma source(%dma_start3A_86 : memref<40x128xi32, #tpu.memory_space<hbm>>) target(%arg8 : memref<40x128xi32, #tpu.memory_space<vmem>>) target_semaphore(%run_scoped3A : memref<!tpu.dma_semaphore, #tpu.memory_space<semaphore_mem>>)
          %dma_wait3A_87 = arith.constant 0 : i32
          %dma_wait3A_88 = tpu.memref_slice %arg3[%arg1, %mul3A_58, %dma_wait3A_87] : memref<16x80x128xi32, #tpu.memory_space<hbm>> -> memref<1x40x128xi32, #tpu.memory_space<hbm>>
          %dma_wait3A_89 = tpu.memref_squeeze %dma_wait3A_88 : memref<1x40x128xi32, #tpu.memory_space<hbm>> -> memref<40x128xi32, #tpu.memory_space<hbm>>
          %dma_wait3A_90 = arith.constant 0 : i32
          %dma_wait3A_91 = tpu.memref_slice %arg3[%arg1, %mul3A_58, %dma_wait3A_90] : memref<16x80x128xi32, #tpu.memory_space<hbm>> -> memref<1x40x128xi32, #tpu.memory_space<hbm>>
          %dma_wait3A_92 = tpu.memref_squeeze %dma_wait3A_91 : memref<1x40x128xi32, #tpu.memory_space<hbm>> -> memref<40x128xi32, #tpu.memory_space<hbm>>
          tpu.wait_dma2 semaphore(%run_scoped3A : memref<!tpu.dma_semaphore, #tpu.memory_space<semaphore_mem>>) src(%dma_wait3A_92 : memref<40x128xi32, #tpu.memory_space<hbm>>) dst(%arg8 : memref<40x128xi32, #tpu.memory_space<vmem>>)
          tpu.yield
        }) : () -> ()
        %dma_start3A = arith.constant 0 : i32
        %dma_start3A_59 = tpu.memref_slice %arg7[%dma_start3A] : memref<5120xi32, #tpu.memory_space<vmem>> -> memref<128xi32, #tpu.memory_space<vmem>>
        %dma_start3A_60 = arith.constant 0 : i32
        %dma_start3A_61 = arith.constant 0 : i32
        %dma_start3A_62 = tpu.memref_slice %arg4[%dma_start3A_60, %dma_start3A_61] : memref<10000x128xf32, #tpu.memory_space<hbm>> -> memref<10000x128xf32, #tpu.memory_space<hbm>>
        tpu.enqueue_indirect_dma source(%dma_start3A_62 : memref<10000x128xf32, #tpu.memory_space<hbm>>) target(%arg9 : memref<128x128xf32, #tpu.memory_space<vmem>>) offsets(%dma_start3A_59 : memref<128xi32, #tpu.memory_space<vmem>>) semaphore(%arg12 : memref<!tpu.dma_semaphore, #tpu.memory_space<semaphore_mem>>)
        %scan3A_63 = arith.constant 0 : i32
        %scan3A_64 = arith.constant 20 : i32
        %scan3A_65 = arith.addi %scan3A_63, %scan3A_64 : i32
        %scan3A_66 = arith.constant 1 : i32
        scf.for %scan3A_81 = %scan3A_63 to %scan3A_65 step %scan3A_66  : i32 {
          %mul3A_82 = arith.constant 2 : i32
          %mul3A_83 = arith.muli %mul3A_82, %scan3A_81 : i32
          %gt3A = arith.constant 0 : i32
          %gt3A_84 = arith.cmpi sgt, %mul3A_83, %gt3A : i32
          %convert_element_type3A_85 = arith.extui %gt3A_84 : i1 to i32
          %cond3A_86 = arith.constant 0 : i32
          %cond3A_87 = arith.cmpi ne, %convert_element_type3A_85, %cond3A_86 : i32
          scf.if %cond3A_87 {
            %sub3A = arith.constant 1 : i32
            %sub3A_130 = arith.subi %mul3A_83, %sub3A : i32
            %dma_wait3A_131 = arith.constant 0 : i32
            %dma_wait3A_132 = tpu.memref_slice %arg8[%sub3A_130, %dma_wait3A_131] : memref<40x128xi32, #tpu.memory_space<vmem>> -> memref<1x128xi32, #tpu.memory_space<vmem>>
            %dma_wait3A_133 = tpu.memref_squeeze %dma_wait3A_132 : memref<1x128xi32, #tpu.memory_space<vmem>> -> memref<128xi32, #tpu.memory_space<vmem>>
            %dma_wait3A_134 = arith.constant 0 : i32
            %dma_wait3A_135 = arith.constant 0 : i32
            %dma_wait3A_136 = tpu.memref_slice %arg11[%dma_wait3A_134, %dma_wait3A_135] : memref<10240x128xf32, #tpu.memory_space<vmem_shared>> -> memref<10240x128xf32, #tpu.memory_space<vmem_shared>>
            tpu.wait_indirect_dma semaphore(%arg15 : memref<!tpu.dma_semaphore, #tpu.memory_space<semaphore_mem>>) src(%arg10 : memref<128x128xf32, #tpu.memory_space<vmem>>) dst(%dma_wait3A_136 : memref<10240x128xf32, #tpu.memory_space<vmem_shared>>)
          } else {
          }
          %add3A_88 = arith.constant 1 : i32
          %add3A_89 = arith.addi %mul3A_83, %add3A_88 : i32
          %mul3A_90 = arith.constant 128 : i32
          %mul3A_91 = arith.muli %add3A_89, %mul3A_90 : i32
          %dma_start3A_92 = tpu.memref_slice %arg7[%mul3A_91] : memref<5120xi32, #tpu.memory_space<vmem>> -> memref<128xi32, #tpu.memory_space<vmem>>
          %dma_start3A_93 = arith.constant 0 : i32
          %dma_start3A_94 = arith.constant 0 : i32
          %dma_start3A_95 = tpu.memref_slice %arg4[%dma_start3A_93, %dma_start3A_94] : memref<10000x128xf32, #tpu.memory_space<hbm>> -> memref<10000x128xf32, #tpu.memory_space<hbm>>
          tpu.enqueue_indirect_dma source(%dma_start3A_95 : memref<10000x128xf32, #tpu.memory_space<hbm>>) target(%arg10 : memref<128x128xf32, #tpu.memory_space<vmem>>) offsets(%dma_start3A_92 : memref<128xi32, #tpu.memory_space<vmem>>) semaphore(%arg13 : memref<!tpu.dma_semaphore, #tpu.memory_space<semaphore_mem>>)
          %mul3A_96 = arith.constant 128 : i32
          %mul3A_97 = arith.muli %mul3A_83, %mul3A_96 : i32
          %dma_wait3A_98 = tpu.memref_slice %arg7[%mul3A_97] : memref<5120xi32, #tpu.memory_space<vmem>> -> memref<128xi32, #tpu.memory_space<vmem>>
          %dma_wait3A_99 = arith.constant 0 : i32
          %dma_wait3A_100 = arith.constant 0 : i32
          %dma_wait3A_101 = tpu.memref_slice %arg4[%dma_wait3A_99, %dma_wait3A_100] : memref<10000x128xf32, #tpu.memory_space<hbm>> -> memref<10000x128xf32, #tpu.memory_space<hbm>>
          tpu.wait_indirect_dma semaphore(%arg12 : memref<!tpu.dma_semaphore, #tpu.memory_space<semaphore_mem>>) src(%dma_wait3A_101 : memref<10000x128xf32, #tpu.memory_space<hbm>>) dst(%arg9 : memref<128x128xf32, #tpu.memory_space<vmem>>)
          %dma_start3A_102 = arith.constant 0 : i32
          %dma_start3A_103 = tpu.memref_slice %arg8[%mul3A_83, %dma_start3A_102] : memref<40x128xi32, #tpu.memory_space<vmem>> -> memref<1x128xi32, #tpu.memory_space<vmem>>
          %dma_start3A_104 = tpu.memref_squeeze %dma_start3A_103 : memref<1x128xi32, #tpu.memory_space<vmem>> -> memref<128xi32, #tpu.memory_space<vmem>>
          %dma_start3A_105 = arith.constant 0 : i32
          %dma_start3A_106 = arith.constant 0 : i32
          %dma_start3A_107 = tpu.memref_slice %arg11[%dma_start3A_105, %dma_start3A_106] : memref<10240x128xf32, #tpu.memory_space<vmem_shared>> -> memref<10240x128xf32, #tpu.memory_space<vmem_shared>>
          tpu.enqueue_indirect_dma source(%arg9 : memref<128x128xf32, #tpu.memory_space<vmem>>) target(%dma_start3A_107 : memref<10240x128xf32, #tpu.memory_space<vmem_shared>>) offsets(%dma_start3A_104 : memref<128xi32, #tpu.memory_space<vmem>>) semaphore(%arg14 : memref<!tpu.dma_semaphore, #tpu.memory_space<semaphore_mem>>) {add = true}
          %add3A_108 = arith.constant 2 : i32
          %add3A_109 = arith.addi %mul3A_83, %add3A_108 : i32
          %lt3A = arith.constant 40 : i32
          %lt3A_110 = arith.cmpi slt, %add3A_109, %lt3A : i32
          %convert_element_type3A_111 = arith.extui %lt3A_110 : i1 to i32
          %cond3A_112 = arith.constant 0 : i32
          %cond3A_113 = arith.cmpi ne, %convert_element_type3A_111, %cond3A_112 : i32
          scf.if %cond3A_113 {
            %dma_wait3A_130 = arith.constant 0 : i32
            %dma_wait3A_131 = tpu.memref_slice %arg8[%mul3A_83, %dma_wait3A_130] : memref<40x128xi32, #tpu.memory_space<vmem>> -> memref<1x128xi32, #tpu.memory_space<vmem>>
            %dma_wait3A_132 = tpu.memref_squeeze %dma_wait3A_131 : memref<1x128xi32, #tpu.memory_space<vmem>> -> memref<128xi32, #tpu.memory_space<vmem>>
            %dma_wait3A_133 = arith.constant 0 : i32
            %dma_wait3A_134 = arith.constant 0 : i32
            %dma_wait3A_135 = tpu.memref_slice %arg11[%dma_wait3A_133, %dma_wait3A_134] : memref<10240x128xf32, #tpu.memory_space<vmem_shared>> -> memref<10240x128xf32, #tpu.memory_space<vmem_shared>>
            tpu.wait_indirect_dma semaphore(%arg14 : memref<!tpu.dma_semaphore, #tpu.memory_space<semaphore_mem>>) src(%arg9 : memref<128x128xf32, #tpu.memory_space<vmem>>) dst(%dma_wait3A_135 : memref<10240x128xf32, #tpu.memory_space<vmem_shared>>)
            %add3A_136 = arith.constant 2 : i32
            %add3A_137 = arith.addi %mul3A_83, %add3A_136 : i32
            %mul3A_138 = arith.constant 128 : i32
            %mul3A_139 = arith.muli %add3A_137, %mul3A_138 : i32
            %dma_start3A_140 = tpu.memref_slice %arg7[%mul3A_139] : memref<5120xi32, #tpu.memory_space<vmem>> -> memref<128xi32, #tpu.memory_space<vmem>>
            %dma_start3A_141 = arith.constant 0 : i32
            %dma_start3A_142 = arith.constant 0 : i32
            %dma_start3A_143 = tpu.memref_slice %arg4[%dma_start3A_141, %dma_start3A_142] : memref<10000x128xf32, #tpu.memory_space<hbm>> -> memref<10000x128xf32, #tpu.memory_space<hbm>>
            tpu.enqueue_indirect_dma source(%dma_start3A_143 : memref<10000x128xf32, #tpu.memory_space<hbm>>) target(%arg9 : memref<128x128xf32, #tpu.memory_space<vmem>>) offsets(%dma_start3A_140 : memref<128xi32, #tpu.memory_space<vmem>>) semaphore(%arg12 : memref<!tpu.dma_semaphore, #tpu.memory_space<semaphore_mem>>)
          } else {
          }
          %add3A_114 = arith.constant 1 : i32
          %add3A_115 = arith.addi %mul3A_83, %add3A_114 : i32
          %mul3A_116 = arith.constant 128 : i32
          %mul3A_117 = arith.muli %add3A_115, %mul3A_116 : i32
          %dma_wait3A_118 = tpu.memref_slice %arg7[%mul3A_117] : memref<5120xi32, #tpu.memory_space<vmem>> -> memref<128xi32, #tpu.memory_space<vmem>>
          %dma_wait3A_119 = arith.constant 0 : i32
          %dma_wait3A_120 = arith.constant 0 : i32
          %dma_wait3A_121 = tpu.memref_slice %arg4[%dma_wait3A_119, %dma_wait3A_120] : memref<10000x128xf32, #tpu.memory_space<hbm>> -> memref<10000x128xf32, #tpu.memory_space<hbm>>
          tpu.wait_indirect_dma semaphore(%arg13 : memref<!tpu.dma_semaphore, #tpu.memory_space<semaphore_mem>>) src(%dma_wait3A_121 : memref<10000x128xf32, #tpu.memory_space<hbm>>) dst(%arg10 : memref<128x128xf32, #tpu.memory_space<vmem>>)
          %add3A_122 = arith.constant 1 : i32
          %add3A_123 = arith.addi %mul3A_83, %add3A_122 : i32
          %dma_start3A_124 = arith.constant 0 : i32
          %dma_start3A_125 = tpu.memref_slice %arg8[%add3A_123, %dma_start3A_124] : memref<40x128xi32, #tpu.memory_space<vmem>> -> memref<1x128xi32, #tpu.memory_space<vmem>>
          %dma_start3A_126 = tpu.memref_squeeze %dma_start3A_125 : memref<1x128xi32, #tpu.memory_space<vmem>> -> memref<128xi32, #tpu.memory_space<vmem>>
          %dma_start3A_127 = arith.constant 0 : i32
          %dma_start3A_128 = arith.constant 0 : i32
          %dma_start3A_129 = tpu.memref_slice %arg11[%dma_start3A_127, %dma_start3A_128] : memref<10240x128xf32, #tpu.memory_space<vmem_shared>> -> memref<10240x128xf32, #tpu.memory_space<vmem_shared>>
          tpu.enqueue_indirect_dma source(%arg10 : memref<128x128xf32, #tpu.memory_space<vmem>>) target(%dma_start3A_129 : memref<10240x128xf32, #tpu.memory_space<vmem_shared>>) offsets(%dma_start3A_126 : memref<128xi32, #tpu.memory_space<vmem>>) semaphore(%arg15 : memref<!tpu.dma_semaphore, #tpu.memory_space<semaphore_mem>>) {add = true}
        }
        %scan3A_67 = arith.constant 20 : i32
        %dma_wait3A = arith.constant 38 : i32
        %dma_wait3A_68 = arith.constant 0 : i32
        %dma_wait3A_69 = tpu.memref_slice %arg8[%dma_wait3A, %dma_wait3A_68] : memref<40x128xi32, #tpu.memory_space<vmem>> -> memref<1x128xi32, #tpu.memory_space<vmem>>
        %dma_wait3A_70 = tpu.memref_squeeze %dma_wait3A_69 : memref<1x128xi32, #tpu.memory_space<vmem>> -> memref<128xi32, #tpu.memory_space<vmem>>
        %dma_wait3A_71 = arith.constant 0 : i32
        %dma_wait3A_72 = arith.constant 0 : i32
        %dma_wait3A_73 = tpu.memref_slice %arg11[%dma_wait3A_71, %dma_wait3A_72] : memref<10240x128xf32, #tpu.memory_space<vmem_shared>> -> memref<10240x128xf32, #tpu.memory_space<vmem_shared>>
        tpu.wait_indirect_dma semaphore(%arg14 : memref<!tpu.dma_semaphore, #tpu.memory_space<semaphore_mem>>) src(%arg9 : memref<128x128xf32, #tpu.memory_space<vmem>>) dst(%dma_wait3A_73 : memref<10240x128xf32, #tpu.memory_space<vmem_shared>>)
        %dma_wait3A_74 = arith.constant 39 : i32
        %dma_wait3A_75 = arith.constant 0 : i32
        %dma_wait3A_76 = tpu.memref_slice %arg8[%dma_wait3A_74, %dma_wait3A_75] : memref<40x128xi32, #tpu.memory_space<vmem>> -> memref<1x128xi32, #tpu.memory_space<vmem>>
        %dma_wait3A_77 = tpu.memref_squeeze %dma_wait3A_76 : memref<1x128xi32, #tpu.memory_space<vmem>> -> memref<128xi32, #tpu.memory_space<vmem>>
        %dma_wait3A_78 = arith.constant 0 : i32
        %dma_wait3A_79 = arith.constant 0 : i32
        %dma_wait3A_80 = tpu.memref_slice %arg11[%dma_wait3A_78, %dma_wait3A_79] : memref<10240x128xf32, #tpu.memory_space<vmem_shared>> -> memref<10240x128xf32, #tpu.memory_space<vmem_shared>>
        tpu.wait_indirect_dma semaphore(%arg15 : memref<!tpu.dma_semaphore, #tpu.memory_space<semaphore_mem>>) src(%arg10 : memref<128x128xf32, #tpu.memory_space<vmem>>) dst(%dma_wait3A_80 : memref<10240x128xf32, #tpu.memory_space<vmem_shared>>)
      }
      %scan3A_39 = arith.constant 2 : i32
    } else {
    }
    %eq3A_25 = arith.constant 1 : i32
    %eq3A_26 = arith.cmpi eq, %arg0, %eq3A_25 : i32
    %convert_element_type3A_27 = arith.extui %eq3A_26 : i1 to i32
    %cond3A_28 = arith.constant 0 : i32
    %cond3A_29 = arith.cmpi ne, %convert_element_type3A_27, %cond3A_28 : i32
    scf.if %cond3A_29 {
      %scan3A_35 = arith.constant 0 : i32
      %scan3A_36 = arith.constant 2 : i32
      %scan3A_37 = arith.addi %scan3A_35, %scan3A_36 : i32
      %scan3A_38 = arith.constant 1 : i32
      scf.for %scan3A_40 = %scan3A_35 to %scan3A_37 step %scan3A_38  : i32 {
        %mul3A_41 = arith.constant 10240 : i32
        %mul3A_42 = arith.muli %arg1, %mul3A_41 : i32
        %mul3A_43 = arith.constant 5120 : i32
        %mul3A_44 = arith.muli %scan3A_40, %mul3A_43 : i32
        %add3A_45 = arith.addi %mul3A_42, %mul3A_44 : i32
        %eq3A_46 = arith.constant 15 : i32
        %eq3A_47 = arith.cmpi eq, %arg1, %eq3A_46 : i32
        %eq3A_48 = arith.constant 1 : i32
        %eq3A_49 = arith.cmpi eq, %scan3A_40, %eq3A_48 : i32
        %and3A = arith.andi %eq3A_47, %eq3A_49 : i1
        %not3A = arith.constant true
        %not3A_50 = arith.xori %and3A, %not3A : i1
        %convert_element_type3A_51 = arith.extui %not3A_50 : i1 to i32
        %cond3A_52 = arith.constant 0 : i32
        %cond3A_53 = arith.cmpi ne, %convert_element_type3A_51, %cond3A_52 : i32
        scf.if %cond3A_53 {
          %run_scoped3A = arith.constant 0 : i32
          "tpu.region"() ({
            %run_scoped3A_81 = tpu.sem_alloc : memref<!tpu.dma_semaphore, #tpu.memory_space<semaphore_mem>>
            %dma_start3A_82 = tpu.memref_slice %arg2[%run_scoped3A, %add3A_45] : memref<2x160000xi32, #tpu.memory_space<hbm>> -> memref<1x5120xi32, #tpu.memory_space<hbm>>
            %dma_start3A_83 = tpu.memref_squeeze %dma_start3A_82 : memref<1x5120xi32, #tpu.memory_space<hbm>> -> memref<5120xi32, #tpu.memory_space<hbm>>
            %dma_start3A_84 = tpu.memref_slice %arg2[%run_scoped3A, %add3A_45] : memref<2x160000xi32, #tpu.memory_space<hbm>> -> memref<1x5120xi32, #tpu.memory_space<hbm>>
            %dma_start3A_85 = tpu.memref_squeeze %dma_start3A_84 : memref<1x5120xi32, #tpu.memory_space<hbm>> -> memref<5120xi32, #tpu.memory_space<hbm>>
            tpu.enqueue_dma source(%dma_start3A_85 : memref<5120xi32, #tpu.memory_space<hbm>>) target(%arg7 : memref<5120xi32, #tpu.memory_space<vmem>>) target_semaphore(%run_scoped3A_81 : memref<!tpu.dma_semaphore, #tpu.memory_space<semaphore_mem>>)
            %dma_wait3A_86 = tpu.memref_slice %arg2[%run_scoped3A, %add3A_45] : memref<2x160000xi32, #tpu.memory_space<hbm>> -> memref<1x5120xi32, #tpu.memory_space<hbm>>
            %dma_wait3A_87 = tpu.memref_squeeze %dma_wait3A_86 : memref<1x5120xi32, #tpu.memory_space<hbm>> -> memref<5120xi32, #tpu.memory_space<hbm>>
            %dma_wait3A_88 = tpu.memref_slice %arg2[%run_scoped3A, %add3A_45] : memref<2x160000xi32, #tpu.memory_space<hbm>> -> memref<1x5120xi32, #tpu.memory_space<hbm>>
            %dma_wait3A_89 = tpu.memref_squeeze %dma_wait3A_88 : memref<1x5120xi32, #tpu.memory_space<hbm>> -> memref<5120xi32, #tpu.memory_space<hbm>>
            tpu.wait_dma2 semaphore(%run_scoped3A_81 : memref<!tpu.dma_semaphore, #tpu.memory_space<semaphore_mem>>) src(%dma_wait3A_89 : memref<5120xi32, #tpu.memory_space<hbm>>) dst(%arg7 : memref<5120xi32, #tpu.memory_space<vmem>>)
            tpu.yield
          }) : () -> ()
        } else {
        }
        %convert_element_type3A_54 = arith.extui %and3A : i1 to i32
        %cond3A_55 = arith.constant 0 : i32
        %cond3A_56 = arith.cmpi ne, %convert_element_type3A_54, %cond3A_55 : i32
        scf.if %cond3A_56 {
          %run_scoped3A = arith.constant 0 : i32
          "tpu.region"() ({
            %run_scoped3A_86 = tpu.sem_alloc : memref<!tpu.dma_semaphore, #tpu.memory_space<semaphore_mem>>
            %dma_start3A_87 = arith.constant 0 : i32
            %dma_start3A_88 = tpu.memref_slice %arg7[%dma_start3A_87] : memref<5120xi32, #tpu.memory_space<vmem>> -> memref<1280xi32, #tpu.memory_space<vmem>>
            %dma_start3A_89 = tpu.memref_slice %arg2[%run_scoped3A, %add3A_45] : memref<2x160000xi32, #tpu.memory_space<hbm>> -> memref<1x1280xi32, #tpu.memory_space<hbm>>
            %dma_start3A_90 = tpu.memref_squeeze %dma_start3A_89 : memref<1x1280xi32, #tpu.memory_space<hbm>> -> memref<1280xi32, #tpu.memory_space<hbm>>
            %dma_start3A_91 = arith.constant 0 : i32
            %dma_start3A_92 = tpu.memref_slice %arg7[%dma_start3A_91] : memref<5120xi32, #tpu.memory_space<vmem>> -> memref<1280xi32, #tpu.memory_space<vmem>>
            %dma_start3A_93 = tpu.memref_slice %arg2[%run_scoped3A, %add3A_45] : memref<2x160000xi32, #tpu.memory_space<hbm>> -> memref<1x1280xi32, #tpu.memory_space<hbm>>
            %dma_start3A_94 = tpu.memref_squeeze %dma_start3A_93 : memref<1x1280xi32, #tpu.memory_space<hbm>> -> memref<1280xi32, #tpu.memory_space<hbm>>
            tpu.enqueue_dma source(%dma_start3A_94 : memref<1280xi32, #tpu.memory_space<hbm>>) target(%dma_start3A_92 : memref<1280xi32, #tpu.memory_space<vmem>>) target_semaphore(%run_scoped3A_86 : memref<!tpu.dma_semaphore, #tpu.memory_space<semaphore_mem>>)
            %dma_wait3A_95 = arith.constant 0 : i32
            %dma_wait3A_96 = tpu.memref_slice %arg7[%dma_wait3A_95] : memref<5120xi32, #tpu.memory_space<vmem>> -> memref<1280xi32, #tpu.memory_space<vmem>>
            %dma_wait3A_97 = tpu.memref_slice %arg2[%run_scoped3A, %add3A_45] : memref<2x160000xi32, #tpu.memory_space<hbm>> -> memref<1x1280xi32, #tpu.memory_space<hbm>>
            %dma_wait3A_98 = tpu.memref_squeeze %dma_wait3A_97 : memref<1x1280xi32, #tpu.memory_space<hbm>> -> memref<1280xi32, #tpu.memory_space<hbm>>
            %dma_wait3A_99 = arith.constant 0 : i32
            %dma_wait3A_100 = tpu.memref_slice %arg7[%dma_wait3A_99] : memref<5120xi32, #tpu.memory_space<vmem>> -> memref<1280xi32, #tpu.memory_space<vmem>>
            %dma_wait3A_101 = tpu.memref_slice %arg2[%run_scoped3A, %add3A_45] : memref<2x160000xi32, #tpu.memory_space<hbm>> -> memref<1x1280xi32, #tpu.memory_space<hbm>>
            %dma_wait3A_102 = tpu.memref_squeeze %dma_wait3A_101 : memref<1x1280xi32, #tpu.memory_space<hbm>> -> memref<1280xi32, #tpu.memory_space<hbm>>
            tpu.wait_dma2 semaphore(%run_scoped3A_86 : memref<!tpu.dma_semaphore, #tpu.memory_space<semaphore_mem>>) src(%dma_wait3A_102 : memref<1280xi32, #tpu.memory_space<hbm>>) dst(%dma_wait3A_100 : memref<1280xi32, #tpu.memory_space<vmem>>)
            tpu.yield
          }) : () -> ()
          %iota3A = tpu.iota {dimensions = array<i32: 0>} : vector<16xi32>
          %scan3A_81 = arith.constant 0 : i32
          %scan3A_82 = arith.constant 240 : i32
          %scan3A_83 = arith.addi %scan3A_81, %scan3A_82 : i32
          %scan3A_84 = arith.constant 1 : i32
          scf.for %scan3A_86 = %scan3A_81 to %scan3A_83 step %scan3A_84  : i32 {
            %jit3A = arith.constant 8 : i32
            %eq3A_87 = arith.constant 0 : i32
            %eq3A_88 = arith.cmpi eq, %jit3A, %eq3A_87 : i32
            %jit3A_89 = arith.constant 1 : i32
            %select_n3A = arith.select %eq3A_88, %jit3A_89, %jit3A : i32
            %rem3A = arith.remsi %scan3A_86, %select_n3A : i32
            %ne3A = arith.constant 0 : i32
            %ne3A_90 = arith.cmpi ne, %rem3A, %ne3A : i32
            %lt3A = arith.constant 0 : i32
            %lt3A_91 = arith.cmpi slt, %rem3A, %lt3A : i32
            %lt3A_92 = arith.constant 0 : i32
            %lt3A_93 = arith.cmpi slt, %select_n3A, %lt3A_92 : i32
            %ne3A_94 = arith.xori %lt3A_91, %lt3A_93 : i1
            %and3A_95 = arith.andi %ne3A_94, %ne3A_90 : i1
            %add3A_96 = arith.addi %rem3A, %select_n3A : i32
            %select_n3A_97 = arith.select %and3A_95, %add3A_96, %rem3A : i32
            %mul3A_98 = arith.constant 16 : i32
            %mul3A_99 = arith.muli %select_n3A_97, %mul3A_98 : i32
            %add3A_100 = vector.broadcast %mul3A_99 : i32 to vector<16xi32>
            %add3A_101 = arith.addi %iota3A, %add3A_100 : vector<16xi32>
            %mul3A_102 = arith.constant 16 : i32
            %mul3A_103 = arith.muli %scan3A_86, %mul3A_102 : i32
            %add3A_104 = arith.constant 1280 : i32
            %add3A_105 = arith.addi %add3A_104, %mul3A_103 : i32
            %swap3A = arith.index_cast %add3A_105 : i32 to index
            %swap3A_106 = tpu.vector_load %arg7[%swap3A] {strides = array<i32>} : memref<5120xi32, #tpu.memory_space<vmem>>, vector<16xi32>,
            %swap3A_107 = vector.shape_cast %swap3A_106 : vector<16xi32> to vector<16xi32>
            %swap3A_108 = vector.shape_cast %add3A_101 : vector<16xi32> to vector<16xi32>
            tpu.vector_store %arg7[%swap3A], %swap3A_108 {strides = array<i32>} : memref<5120xi32, #tpu.memory_space<vmem>>, vector<16xi32>,
          }
          %scan3A_85 = arith.constant 240 : i32
        } else {
        }
        %mul3A_57 = arith.constant 40 : i32
        %mul3A_58 = arith.muli %scan3A_40, %mul3A_57 : i32
        "tpu.region"() ({
          %run_scoped3A = tpu.sem_alloc : memref<!tpu.dma_semaphore, #tpu.memory_space<semaphore_mem>>
          %dma_start3A_81 = arith.constant 0 : i32
          %dma_start3A_82 = tpu.memref_slice %arg3[%arg1, %mul3A_58, %dma_start3A_81] : memref<16x80x128xi32, #tpu.memory_space<hbm>> -> memref<1x40x128xi32, #tpu.memory_space<hbm>>
          %dma_start3A_83 = tpu.memref_squeeze %dma_start3A_82 : memref<1x40x128xi32, #tpu.memory_space<hbm>> -> memref<40x128xi32, #tpu.memory_space<hbm>>
          %dma_start3A_84 = arith.constant 0 : i32
          %dma_start3A_85 = tpu.memref_slice %arg3[%arg1, %mul3A_58, %dma_start3A_84] : memref<16x80x128xi32, #tpu.memory_space<hbm>> -> memref<1x40x128xi32, #tpu.memory_space<hbm>>
          %dma_start3A_86 = tpu.memref_squeeze %dma_start3A_85 : memref<1x40x128xi32, #tpu.memory_space<hbm>> -> memref<40x128xi32, #tpu.memory_space<hbm>>
          tpu.enqueue_dma source(%dma_start3A_86 : memref<40x128xi32, #tpu.memory_space<hbm>>) target(%arg8 : memref<40x128xi32, #tpu.memory_space<vmem>>) target_semaphore(%run_scoped3A : memref<!tpu.dma_semaphore, #tpu.memory_space<semaphore_mem>>)
          %dma_wait3A_87 = arith.constant 0 : i32
          %dma_wait3A_88 = tpu.memref_slice %arg3[%arg1, %mul3A_58, %dma_wait3A_87] : memref<16x80x128xi32, #tpu.memory_space<hbm>> -> memref<1x40x128xi32, #tpu.memory_space<hbm>>
          %dma_wait3A_89 = tpu.memref_squeeze %dma_wait3A_88 : memref<1x40x128xi32, #tpu.memory_space<hbm>> -> memref<40x128xi32, #tpu.memory_space<hbm>>
          %dma_wait3A_90 = arith.constant 0 : i32
          %dma_wait3A_91 = tpu.memref_slice %arg3[%arg1, %mul3A_58, %dma_wait3A_90] : memref<16x80x128xi32, #tpu.memory_space<hbm>> -> memref<1x40x128xi32, #tpu.memory_space<hbm>>
          %dma_wait3A_92 = tpu.memref_squeeze %dma_wait3A_91 : memref<1x40x128xi32, #tpu.memory_space<hbm>> -> memref<40x128xi32, #tpu.memory_space<hbm>>
          tpu.wait_dma2 semaphore(%run_scoped3A : memref<!tpu.dma_semaphore, #tpu.memory_space<semaphore_mem>>) src(%dma_wait3A_92 : memref<40x128xi32, #tpu.memory_space<hbm>>) dst(%arg8 : memref<40x128xi32, #tpu.memory_space<vmem>>)
          tpu.yield
        }) : () -> ()
        %dma_start3A = arith.constant 0 : i32
        %dma_start3A_59 = tpu.memref_slice %arg7[%dma_start3A] : memref<5120xi32, #tpu.memory_space<vmem>> -> memref<128xi32, #tpu.memory_space<vmem>>
        %dma_start3A_60 = arith.constant 0 : i32
        %dma_start3A_61 = arith.constant 0 : i32
        %dma_start3A_62 = tpu.memref_slice %arg5[%dma_start3A_60, %dma_start3A_61] : memref<10000x128xf32, #tpu.memory_space<hbm>> -> memref<10000x128xf32, #tpu.memory_space<hbm>>
        tpu.enqueue_indirect_dma source(%dma_start3A_62 : memref<10000x128xf32, #tpu.memory_space<hbm>>) target(%arg9 : memref<128x128xf32, #tpu.memory_space<vmem>>) offsets(%dma_start3A_59 : memref<128xi32, #tpu.memory_space<vmem>>) semaphore(%arg12 : memref<!tpu.dma_semaphore, #tpu.memory_space<semaphore_mem>>)
        %scan3A_63 = arith.constant 0 : i32
        %scan3A_64 = arith.constant 20 : i32
        %scan3A_65 = arith.addi %scan3A_63, %scan3A_64 : i32
        %scan3A_66 = arith.constant 1 : i32
        scf.for %scan3A_81 = %scan3A_63 to %scan3A_65 step %scan3A_66  : i32 {
          %mul3A_82 = arith.constant 2 : i32
          %mul3A_83 = arith.muli %mul3A_82, %scan3A_81 : i32
          %gt3A = arith.constant 0 : i32
          %gt3A_84 = arith.cmpi sgt, %mul3A_83, %gt3A : i32
          %convert_element_type3A_85 = arith.extui %gt3A_84 : i1 to i32
          %cond3A_86 = arith.constant 0 : i32
          %cond3A_87 = arith.cmpi ne, %convert_element_type3A_85, %cond3A_86 : i32
          scf.if %cond3A_87 {
            %sub3A = arith.constant 1 : i32
            %sub3A_130 = arith.subi %mul3A_83, %sub3A : i32
            %dma_wait3A_131 = arith.constant 0 : i32
            %dma_wait3A_132 = tpu.memref_slice %arg8[%sub3A_130, %dma_wait3A_131] : memref<40x128xi32, #tpu.memory_space<vmem>> -> memref<1x128xi32, #tpu.memory_space<vmem>>
            %dma_wait3A_133 = tpu.memref_squeeze %dma_wait3A_132 : memref<1x128xi32, #tpu.memory_space<vmem>> -> memref<128xi32, #tpu.memory_space<vmem>>
            %dma_wait3A_134 = arith.constant 0 : i32
            %dma_wait3A_135 = arith.constant 0 : i32
            %dma_wait3A_136 = tpu.memref_slice %arg11[%dma_wait3A_134, %dma_wait3A_135] : memref<10240x128xf32, #tpu.memory_space<vmem_shared>> -> memref<10240x128xf32, #tpu.memory_space<vmem_shared>>
            tpu.wait_indirect_dma semaphore(%arg15 : memref<!tpu.dma_semaphore, #tpu.memory_space<semaphore_mem>>) src(%arg10 : memref<128x128xf32, #tpu.memory_space<vmem>>) dst(%dma_wait3A_136 : memref<10240x128xf32, #tpu.memory_space<vmem_shared>>)
          } else {
          }
          %add3A_88 = arith.constant 1 : i32
          %add3A_89 = arith.addi %mul3A_83, %add3A_88 : i32
          %mul3A_90 = arith.constant 128 : i32
          %mul3A_91 = arith.muli %add3A_89, %mul3A_90 : i32
          %dma_start3A_92 = tpu.memref_slice %arg7[%mul3A_91] : memref<5120xi32, #tpu.memory_space<vmem>> -> memref<128xi32, #tpu.memory_space<vmem>>
          %dma_start3A_93 = arith.constant 0 : i32
          %dma_start3A_94 = arith.constant 0 : i32
          %dma_start3A_95 = tpu.memref_slice %arg5[%dma_start3A_93, %dma_start3A_94] : memref<10000x128xf32, #tpu.memory_space<hbm>> -> memref<10000x128xf32, #tpu.memory_space<hbm>>
          tpu.enqueue_indirect_dma source(%dma_start3A_95 : memref<10000x128xf32, #tpu.memory_space<hbm>>) target(%arg10 : memref<128x128xf32, #tpu.memory_space<vmem>>) offsets(%dma_start3A_92 : memref<128xi32, #tpu.memory_space<vmem>>) semaphore(%arg13 : memref<!tpu.dma_semaphore, #tpu.memory_space<semaphore_mem>>)
          %mul3A_96 = arith.constant 128 : i32
          %mul3A_97 = arith.muli %mul3A_83, %mul3A_96 : i32
          %dma_wait3A_98 = tpu.memref_slice %arg7[%mul3A_97] : memref<5120xi32, #tpu.memory_space<vmem>> -> memref<128xi32, #tpu.memory_space<vmem>>
          %dma_wait3A_99 = arith.constant 0 : i32
          %dma_wait3A_100 = arith.constant 0 : i32
          %dma_wait3A_101 = tpu.memref_slice %arg5[%dma_wait3A_99, %dma_wait3A_100] : memref<10000x128xf32, #tpu.memory_space<hbm>> -> memref<10000x128xf32, #tpu.memory_space<hbm>>
          tpu.wait_indirect_dma semaphore(%arg12 : memref<!tpu.dma_semaphore, #tpu.memory_space<semaphore_mem>>) src(%dma_wait3A_101 : memref<10000x128xf32, #tpu.memory_space<hbm>>) dst(%arg9 : memref<128x128xf32, #tpu.memory_space<vmem>>)
          %dma_start3A_102 = arith.constant 0 : i32
          %dma_start3A_103 = tpu.memref_slice %arg8[%mul3A_83, %dma_start3A_102] : memref<40x128xi32, #tpu.memory_space<vmem>> -> memref<1x128xi32, #tpu.memory_space<vmem>>
          %dma_start3A_104 = tpu.memref_squeeze %dma_start3A_103 : memref<1x128xi32, #tpu.memory_space<vmem>> -> memref<128xi32, #tpu.memory_space<vmem>>
          %dma_start3A_105 = arith.constant 0 : i32
          %dma_start3A_106 = arith.constant 0 : i32
          %dma_start3A_107 = tpu.memref_slice %arg11[%dma_start3A_105, %dma_start3A_106] : memref<10240x128xf32, #tpu.memory_space<vmem_shared>> -> memref<10240x128xf32, #tpu.memory_space<vmem_shared>>
          tpu.enqueue_indirect_dma source(%arg9 : memref<128x128xf32, #tpu.memory_space<vmem>>) target(%dma_start3A_107 : memref<10240x128xf32, #tpu.memory_space<vmem_shared>>) offsets(%dma_start3A_104 : memref<128xi32, #tpu.memory_space<vmem>>) semaphore(%arg14 : memref<!tpu.dma_semaphore, #tpu.memory_space<semaphore_mem>>) {add = true}
          %add3A_108 = arith.constant 2 : i32
          %add3A_109 = arith.addi %mul3A_83, %add3A_108 : i32
          %lt3A = arith.constant 40 : i32
          %lt3A_110 = arith.cmpi slt, %add3A_109, %lt3A : i32
          %convert_element_type3A_111 = arith.extui %lt3A_110 : i1 to i32
          %cond3A_112 = arith.constant 0 : i32
          %cond3A_113 = arith.cmpi ne, %convert_element_type3A_111, %cond3A_112 : i32
          scf.if %cond3A_113 {
            %dma_wait3A_130 = arith.constant 0 : i32
            %dma_wait3A_131 = tpu.memref_slice %arg8[%mul3A_83, %dma_wait3A_130] : memref<40x128xi32, #tpu.memory_space<vmem>> -> memref<1x128xi32, #tpu.memory_space<vmem>>
            %dma_wait3A_132 = tpu.memref_squeeze %dma_wait3A_131 : memref<1x128xi32, #tpu.memory_space<vmem>> -> memref<128xi32, #tpu.memory_space<vmem>>
            %dma_wait3A_133 = arith.constant 0 : i32
            %dma_wait3A_134 = arith.constant 0 : i32
            %dma_wait3A_135 = tpu.memref_slice %arg11[%dma_wait3A_133, %dma_wait3A_134] : memref<10240x128xf32, #tpu.memory_space<vmem_shared>> -> memref<10240x128xf32, #tpu.memory_space<vmem_shared>>
            tpu.wait_indirect_dma semaphore(%arg14 : memref<!tpu.dma_semaphore, #tpu.memory_space<semaphore_mem>>) src(%arg9 : memref<128x128xf32, #tpu.memory_space<vmem>>) dst(%dma_wait3A_135 : memref<10240x128xf32, #tpu.memory_space<vmem_shared>>)
            %add3A_136 = arith.constant 2 : i32
            %add3A_137 = arith.addi %mul3A_83, %add3A_136 : i32
            %mul3A_138 = arith.constant 128 : i32
            %mul3A_139 = arith.muli %add3A_137, %mul3A_138 : i32
            %dma_start3A_140 = tpu.memref_slice %arg7[%mul3A_139] : memref<5120xi32, #tpu.memory_space<vmem>> -> memref<128xi32, #tpu.memory_space<vmem>>
            %dma_start3A_141 = arith.constant 0 : i32
            %dma_start3A_142 = arith.constant 0 : i32
            %dma_start3A_143 = tpu.memref_slice %arg5[%dma_start3A_141, %dma_start3A_142] : memref<10000x128xf32, #tpu.memory_space<hbm>> -> memref<10000x128xf32, #tpu.memory_space<hbm>>
            tpu.enqueue_indirect_dma source(%dma_start3A_143 : memref<10000x128xf32, #tpu.memory_space<hbm>>) target(%arg9 : memref<128x128xf32, #tpu.memory_space<vmem>>) offsets(%dma_start3A_140 : memref<128xi32, #tpu.memory_space<vmem>>) semaphore(%arg12 : memref<!tpu.dma_semaphore, #tpu.memory_space<semaphore_mem>>)
          } else {
          }
          %add3A_114 = arith.constant 1 : i32
          %add3A_115 = arith.addi %mul3A_83, %add3A_114 : i32
          %mul3A_116 = arith.constant 128 : i32
          %mul3A_117 = arith.muli %add3A_115, %mul3A_116 : i32
          %dma_wait3A_118 = tpu.memref_slice %arg7[%mul3A_117] : memref<5120xi32, #tpu.memory_space<vmem>> -> memref<128xi32, #tpu.memory_space<vmem>>
          %dma_wait3A_119 = arith.constant 0 : i32
          %dma_wait3A_120 = arith.constant 0 : i32
          %dma_wait3A_121 = tpu.memref_slice %arg5[%dma_wait3A_119, %dma_wait3A_120] : memref<10000x128xf32, #tpu.memory_space<hbm>> -> memref<10000x128xf32, #tpu.memory_space<hbm>>
          tpu.wait_indirect_dma semaphore(%arg13 : memref<!tpu.dma_semaphore, #tpu.memory_space<semaphore_mem>>) src(%dma_wait3A_121 : memref<10000x128xf32, #tpu.memory_space<hbm>>) dst(%arg10 : memref<128x128xf32, #tpu.memory_space<vmem>>)
          %add3A_122 = arith.constant 1 : i32
          %add3A_123 = arith.addi %mul3A_83, %add3A_122 : i32
          %dma_start3A_124 = arith.constant 0 : i32
          %dma_start3A_125 = tpu.memref_slice %arg8[%add3A_123, %dma_start3A_124] : memref<40x128xi32, #tpu.memory_space<vmem>> -> memref<1x128xi32, #tpu.memory_space<vmem>>
          %dma_start3A_126 = tpu.memref_squeeze %dma_start3A_125 : memref<1x128xi32, #tpu.memory_space<vmem>> -> memref<128xi32, #tpu.memory_space<vmem>>
          %dma_start3A_127 = arith.constant 0 : i32
          %dma_start3A_128 = arith.constant 0 : i32
          %dma_start3A_129 = tpu.memref_slice %arg11[%dma_start3A_127, %dma_start3A_128] : memref<10240x128xf32, #tpu.memory_space<vmem_shared>> -> memref<10240x128xf32, #tpu.memory_space<vmem_shared>>
          tpu.enqueue_indirect_dma source(%arg10 : memref<128x128xf32, #tpu.memory_space<vmem>>) target(%dma_start3A_129 : memref<10240x128xf32, #tpu.memory_space<vmem_shared>>) offsets(%dma_start3A_126 : memref<128xi32, #tpu.memory_space<vmem>>) semaphore(%arg15 : memref<!tpu.dma_semaphore, #tpu.memory_space<semaphore_mem>>) {add = true}
        }
        %scan3A_67 = arith.constant 20 : i32
        %dma_wait3A = arith.constant 38 : i32
        %dma_wait3A_68 = arith.constant 0 : i32
        %dma_wait3A_69 = tpu.memref_slice %arg8[%dma_wait3A, %dma_wait3A_68] : memref<40x128xi32, #tpu.memory_space<vmem>> -> memref<1x128xi32, #tpu.memory_space<vmem>>
        %dma_wait3A_70 = tpu.memref_squeeze %dma_wait3A_69 : memref<1x128xi32, #tpu.memory_space<vmem>> -> memref<128xi32, #tpu.memory_space<vmem>>
        %dma_wait3A_71 = arith.constant 0 : i32
        %dma_wait3A_72 = arith.constant 0 : i32
        %dma_wait3A_73 = tpu.memref_slice %arg11[%dma_wait3A_71, %dma_wait3A_72] : memref<10240x128xf32, #tpu.memory_space<vmem_shared>> -> memref<10240x128xf32, #tpu.memory_space<vmem_shared>>
        tpu.wait_indirect_dma semaphore(%arg14 : memref<!tpu.dma_semaphore, #tpu.memory_space<semaphore_mem>>) src(%arg9 : memref<128x128xf32, #tpu.memory_space<vmem>>) dst(%dma_wait3A_73 : memref<10240x128xf32, #tpu.memory_space<vmem_shared>>)
        %dma_wait3A_74 = arith.constant 39 : i32
        %dma_wait3A_75 = arith.constant 0 : i32
        %dma_wait3A_76 = tpu.memref_slice %arg8[%dma_wait3A_74, %dma_wait3A_75] : memref<40x128xi32, #tpu.memory_space<vmem>> -> memref<1x128xi32, #tpu.memory_space<vmem>>
        %dma_wait3A_77 = tpu.memref_squeeze %dma_wait3A_76 : memref<1x128xi32, #tpu.memory_space<vmem>> -> memref<128xi32, #tpu.memory_space<vmem>>
        %dma_wait3A_78 = arith.constant 0 : i32
        %dma_wait3A_79 = arith.constant 0 : i32
        %dma_wait3A_80 = tpu.memref_slice %arg11[%dma_wait3A_78, %dma_wait3A_79] : memref<10240x128xf32, #tpu.memory_space<vmem_shared>> -> memref<10240x128xf32, #tpu.memory_space<vmem_shared>>
        tpu.wait_indirect_dma semaphore(%arg15 : memref<!tpu.dma_semaphore, #tpu.memory_space<semaphore_mem>>) src(%arg10 : memref<128x128xf32, #tpu.memory_space<vmem>>) dst(%dma_wait3A_80 : memref<10240x128xf32, #tpu.memory_space<vmem_shared>>)
      }
      %scan3A_39 = arith.constant 2 : i32
    } else {
    }
    %barrier3A_30 = arith.constant 0 : index
    tpu.barrier barrier_id(%barrier3A_30)
    %mul3A_31 = arith.constant 640 : i32
    %mul3A_32 = arith.muli %arg1, %mul3A_31 : i32
    %mul3A_33 = arith.constant 640 : i32
    %mul3A_34 = arith.muli %arg1, %mul3A_33 : i32
    "tpu.region"() ({
      %run_scoped3A = tpu.sem_alloc : memref<!tpu.dma_semaphore, #tpu.memory_space<semaphore_mem>>
      %dma_start3A = arith.constant 0 : i32
      %dma_start3A_35 = tpu.memref_slice %arg6[%arg0, %mul3A_34, %dma_start3A] : memref<2x10240x128xf32, #tpu.memory_space<hbm>> -> memref<1x640x128xf32, #tpu.memory_space<hbm>>
      %dma_start3A_36 = tpu.memref_squeeze %dma_start3A_35 : memref<1x640x128xf32, #tpu.memory_space<hbm>> -> memref<640x128xf32, #tpu.memory_space<hbm>>
      %dma_start3A_37 = arith.constant 0 : i32
      %dma_start3A_38 = tpu.memref_slice %arg11[%mul3A_32, %dma_start3A_37] : memref<10240x128xf32, #tpu.memory_space<vmem_shared>> -> memref<640x128xf32, #tpu.memory_space<vmem_shared>>
      tpu.enqueue_dma source(%dma_start3A_38 : memref<640x128xf32, #tpu.memory_space<vmem_shared>>) target(%dma_start3A_36 : memref<640x128xf32, #tpu.memory_space<hbm>>) target_semaphore(%run_scoped3A : memref<!tpu.dma_semaphore, #tpu.memory_space<semaphore_mem>>)
      %dma_wait3A = arith.constant 0 : i32
      %dma_wait3A_39 = tpu.memref_slice %arg6[%arg0, %mul3A_34, %dma_wait3A] : memref<2x10240x128xf32, #tpu.memory_space<hbm>> -> memref<1x640x128xf32, #tpu.memory_space<hbm>>
      %dma_wait3A_40 = tpu.memref_squeeze %dma_wait3A_39 : memref<1x640x128xf32, #tpu.memory_space<hbm>> -> memref<640x128xf32, #tpu.memory_space<hbm>>
      %dma_wait3A_41 = arith.constant 0 : i32
      %dma_wait3A_42 = tpu.memref_slice %arg11[%mul3A_32, %dma_wait3A_41] : memref<10240x128xf32, #tpu.memory_space<vmem_shared>> -> memref<640x128xf32, #tpu.memory_space<vmem_shared>>
      tpu.wait_dma2 semaphore(%run_scoped3A : memref<!tpu.dma_semaphore, #tpu.memory_space<semaphore_mem>>) src(%dma_wait3A_42 : memref<640x128xf32, #tpu.memory_space<vmem_shared>>) dst(%dma_wait3A_40 : memref<640x128xf32, #tpu.memory_space<hbm>>)
      tpu.yield
    }) : () -> ()
    return
  }
}

#map = affine_map<(d0, d1) -> (0, 0)>
#map1 = affine_map<(d0, d1) -> (0, 0, 0)>
module attributes {stable_mosaic.version = 14 : i64} {
  func.func @_sc_agg_body(%arg0: i32, %arg1: i32, %arg2: memref<2x160000xi32, #tpu.memory_space<hbm>>, %arg3: memref<16x80x128xi32, #tpu.memory_space<hbm>>, %arg4: memref<10000x128xf32, #tpu.memory_space<hbm>>, %arg5: memref<10000x128xf32, #tpu.memory_space<hbm>>, %arg6: memref<2x10240x128xf32, #tpu.memory_space<hbm>>, %arg7: memref<5120xi32, #tpu.memory_space<vmem>>, %arg8: memref<40x128xi32, #tpu.memory_space<vmem>>, %arg9: memref<128x128xf32, #tpu.memory_space<vmem>>, %arg10: memref<128x128xf32, #tpu.memory_space<vmem>>, %arg11: memref<10240x128xf32, #tpu.memory_space<vmem_shared>>, %arg12: memref<!tpu.dma_semaphore, #tpu.memory_space<semaphore_mem>>, %arg13: memref<!tpu.dma_semaphore, #tpu.memory_space<semaphore_mem>>, %arg14: memref<!tpu.dma_semaphore, #tpu.memory_space<semaphore_mem>>, %arg15: memref<!tpu.dma_semaphore, #tpu.memory_space<semaphore_mem>>) attributes {dimension_semantics = [#tpu.dimension_semantics<core_parallel>, #tpu.dimension_semantics<subcore_parallel>], iteration_bounds = array<i64: 2, 16>, scalar_prefetch = 0 : i64, scratch_operands = 9 : i64, tpu.core_type = #tpu.core_type<sc_vector_subcore>, window_params = [{transform_indices = #map}, {transform_indices = #map1}, {transform_indices = #map}, {transform_indices = #map}, {transform_indices = #map1}]} {
    %broadcast_in_dim3A = arith.constant 0.000000e+00 : f32
    %broadcast_in_dim3A_0 = vector.broadcast %broadcast_in_dim3A : f32 to vector<16xf32>
    %scan3A = arith.constant 0 : i32
    %scan3A_1 = arith.constant 128 : i32
    %scan3A_2 = arith.addi %scan3A, %scan3A_1 : i32
    %scan3A_3 = arith.constant 1 : i32
    scf.for %scan3A_35 = %scan3A to %scan3A_2 step %scan3A_3  : i32 {
      %swap3A = arith.index_cast %scan3A_35 : i32 to index
      %swap3A_36 = arith.constant 0 : index
      %swap3A_37 = tpu.vector_load %arg9[%swap3A, %swap3A_36] {strides = array<i32>} : memref<128x128xf32, #tpu.memory_space<vmem>>, vector<1x16xf32>,
      %swap3A_38 = vector.shape_cast %swap3A_37 : vector<1x16xf32> to vector<16xf32>
      %swap3A_39 = vector.shape_cast %broadcast_in_dim3A_0 : vector<16xf32> to vector<1x16xf32>
      tpu.vector_store %arg9[%swap3A, %swap3A_36], %swap3A_39 {strides = array<i32>} : memref<128x128xf32, #tpu.memory_space<vmem>>, vector<1x16xf32>,
      %swap3A_40 = arith.index_cast %scan3A_35 : i32 to index
      %swap3A_41 = arith.constant 16 : index
      %swap3A_42 = tpu.vector_load %arg9[%swap3A_40, %swap3A_41] {strides = array<i32>} : memref<128x128xf32, #tpu.memory_space<vmem>>, vector<1x16xf32>,
      %swap3A_43 = vector.shape_cast %swap3A_42 : vector<1x16xf32> to vector<16xf32>
      %swap3A_44 = vector.shape_cast %broadcast_in_dim3A_0 : vector<16xf32> to vector<1x16xf32>
      tpu.vector_store %arg9[%swap3A_40, %swap3A_41], %swap3A_44 {strides = array<i32>} : memref<128x128xf32, #tpu.memory_space<vmem>>, vector<1x16xf32>,
      %swap3A_45 = arith.index_cast %scan3A_35 : i32 to index
      %swap3A_46 = arith.constant 32 : index
      %swap3A_47 = tpu.vector_load %arg9[%swap3A_45, %swap3A_46] {strides = array<i32>} : memref<128x128xf32, #tpu.memory_space<vmem>>, vector<1x16xf32>,
      %swap3A_48 = vector.shape_cast %swap3A_47 : vector<1x16xf32> to vector<16xf32>
      %swap3A_49 = vector.shape_cast %broadcast_in_dim3A_0 : vector<16xf32> to vector<1x16xf32>
      tpu.vector_store %arg9[%swap3A_45, %swap3A_46], %swap3A_49 {strides = array<i32>} : memref<128x128xf32, #tpu.memory_space<vmem>>, vector<1x16xf32>,
      %swap3A_50 = arith.index_cast %scan3A_35 : i32 to index
      %swap3A_51 = arith.constant 48 : index
      %swap3A_52 = tpu.vector_load %arg9[%swap3A_50, %swap3A_51] {strides = array<i32>} : memref<128x128xf32, #tpu.memory_space<vmem>>, vector<1x16xf32>,
      %swap3A_53 = vector.shape_cast %swap3A_52 : vector<1x16xf32> to vector<16xf32>
      %swap3A_54 = vector.shape_cast %broadcast_in_dim3A_0 : vector<16xf32> to vector<1x16xf32>
      tpu.vector_store %arg9[%swap3A_50, %swap3A_51], %swap3A_54 {strides = array<i32>} : memref<128x128xf32, #tpu.memory_space<vmem>>, vector<1x16xf32>,
      %swap3A_55 = arith.index_cast %scan3A_35 : i32 to index
      %swap3A_56 = arith.constant 64 : index
      %swap3A_57 = tpu.vector_load %arg9[%swap3A_55, %swap3A_56] {strides = array<i32>} : memref<128x128xf32, #tpu.memory_space<vmem>>, vector<1x16xf32>,
      %swap3A_58 = vector.shape_cast %swap3A_57 : vector<1x16xf32> to vector<16xf32>
      %swap3A_59 = vector.shape_cast %broadcast_in_dim3A_0 : vector<16xf32> to vector<1x16xf32>
      tpu.vector_store %arg9[%swap3A_55, %swap3A_56], %swap3A_59 {strides = array<i32>} : memref<128x128xf32, #tpu.memory_space<vmem>>, vector<1x16xf32>,
      %swap3A_60 = arith.index_cast %scan3A_35 : i32 to index
      %swap3A_61 = arith.constant 80 : index
      %swap3A_62 = tpu.vector_load %arg9[%swap3A_60, %swap3A_61] {strides = array<i32>} : memref<128x128xf32, #tpu.memory_space<vmem>>, vector<1x16xf32>,
      %swap3A_63 = vector.shape_cast %swap3A_62 : vector<1x16xf32> to vector<16xf32>
      %swap3A_64 = vector.shape_cast %broadcast_in_dim3A_0 : vector<16xf32> to vector<1x16xf32>
      tpu.vector_store %arg9[%swap3A_60, %swap3A_61], %swap3A_64 {strides = array<i32>} : memref<128x128xf32, #tpu.memory_space<vmem>>, vector<1x16xf32>,
      %swap3A_65 = arith.index_cast %scan3A_35 : i32 to index
      %swap3A_66 = arith.constant 96 : index
      %swap3A_67 = tpu.vector_load %arg9[%swap3A_65, %swap3A_66] {strides = array<i32>} : memref<128x128xf32, #tpu.memory_space<vmem>>, vector<1x16xf32>,
      %swap3A_68 = vector.shape_cast %swap3A_67 : vector<1x16xf32> to vector<16xf32>
      %swap3A_69 = vector.shape_cast %broadcast_in_dim3A_0 : vector<16xf32> to vector<1x16xf32>
      tpu.vector_store %arg9[%swap3A_65, %swap3A_66], %swap3A_69 {strides = array<i32>} : memref<128x128xf32, #tpu.memory_space<vmem>>, vector<1x16xf32>,
      %swap3A_70 = arith.index_cast %scan3A_35 : i32 to index
      %swap3A_71 = arith.constant 112 : index
      %swap3A_72 = tpu.vector_load %arg9[%swap3A_70, %swap3A_71] {strides = array<i32>} : memref<128x128xf32, #tpu.memory_space<vmem>>, vector<1x16xf32>,
      %swap3A_73 = vector.shape_cast %swap3A_72 : vector<1x16xf32> to vector<16xf32>
      %swap3A_74 = vector.shape_cast %broadcast_in_dim3A_0 : vector<16xf32> to vector<1x16xf32>
      tpu.vector_store %arg9[%swap3A_70, %swap3A_71], %swap3A_74 {strides = array<i32>} : memref<128x128xf32, #tpu.memory_space<vmem>>, vector<1x16xf32>,
    }
    %scan3A_4 = arith.constant 128 : i32
    %mul3A = arith.constant 640 : i32
    %mul3A_5 = arith.muli %arg1, %mul3A : i32
    %add3A = arith.constant 0 : i32
    %add3A_6 = arith.addi %mul3A_5, %add3A : i32
    "tpu.region"() ({
      %run_scoped3A = tpu.sem_alloc : memref<!tpu.dma_semaphore, #tpu.memory_space<semaphore_mem>>
      %dma_start3A = arith.constant 0 : i32
      %dma_start3A_35 = tpu.memref_slice %arg11[%add3A_6, %dma_start3A] : memref<10240x128xf32, #tpu.memory_space<vmem_shared>> -> memref<128x128xf32, #tpu.memory_space<vmem_shared>>
      %dma_start3A_36 = arith.constant 0 : i32
      %dma_start3A_37 = tpu.memref_slice %arg11[%add3A_6, %dma_start3A_36] : memref<10240x128xf32, #tpu.memory_space<vmem_shared>> -> memref<128x128xf32, #tpu.memory_space<vmem_shared>>
      tpu.enqueue_dma source(%arg9 : memref<128x128xf32, #tpu.memory_space<vmem>>) target(%dma_start3A_37 : memref<128x128xf32, #tpu.memory_space<vmem_shared>>) target_semaphore(%run_scoped3A : memref<!tpu.dma_semaphore, #tpu.memory_space<semaphore_mem>>)
      %dma_wait3A = arith.constant 0 : i32
      %dma_wait3A_38 = tpu.memref_slice %arg11[%add3A_6, %dma_wait3A] : memref<10240x128xf32, #tpu.memory_space<vmem_shared>> -> memref<128x128xf32, #tpu.memory_space<vmem_shared>>
      %dma_wait3A_39 = arith.constant 0 : i32
      %dma_wait3A_40 = tpu.memref_slice %arg11[%add3A_6, %dma_wait3A_39] : memref<10240x128xf32, #tpu.memory_space<vmem_shared>> -> memref<128x128xf32, #tpu.memory_space<vmem_shared>>
      tpu.wait_dma2 semaphore(%run_scoped3A : memref<!tpu.dma_semaphore, #tpu.memory_space<semaphore_mem>>) src(%arg9 : memref<128x128xf32, #tpu.memory_space<vmem>>) dst(%dma_wait3A_40 : memref<128x128xf32, #tpu.memory_space<vmem_shared>>)
      tpu.yield
    }) : () -> ()
    %mul3A_7 = arith.constant 640 : i32
    %mul3A_8 = arith.muli %arg1, %mul3A_7 : i32
    %add3A_9 = arith.constant 128 : i32
    %add3A_10 = arith.addi %mul3A_8, %add3A_9 : i32
    "tpu.region"() ({
      %run_scoped3A = tpu.sem_alloc : memref<!tpu.dma_semaphore, #tpu.memory_space<semaphore_mem>>
      %dma_start3A = arith.constant 0 : i32
      %dma_start3A_35 = tpu.memref_slice %arg11[%add3A_10, %dma_start3A] : memref<10240x128xf32, #tpu.memory_space<vmem_shared>> -> memref<128x128xf32, #tpu.memory_space<vmem_shared>>
      %dma_start3A_36 = arith.constant 0 : i32
      %dma_start3A_37 = tpu.memref_slice %arg11[%add3A_10, %dma_start3A_36] : memref<10240x128xf32, #tpu.memory_space<vmem_shared>> -> memref<128x128xf32, #tpu.memory_space<vmem_shared>>
      tpu.enqueue_dma source(%arg9 : memref<128x128xf32, #tpu.memory_space<vmem>>) target(%dma_start3A_37 : memref<128x128xf32, #tpu.memory_space<vmem_shared>>) target_semaphore(%run_scoped3A : memref<!tpu.dma_semaphore, #tpu.memory_space<semaphore_mem>>)
      %dma_wait3A = arith.constant 0 : i32
      %dma_wait3A_38 = tpu.memref_slice %arg11[%add3A_10, %dma_wait3A] : memref<10240x128xf32, #tpu.memory_space<vmem_shared>> -> memref<128x128xf32, #tpu.memory_space<vmem_shared>>
      %dma_wait3A_39 = arith.constant 0 : i32
      %dma_wait3A_40 = tpu.memref_slice %arg11[%add3A_10, %dma_wait3A_39] : memref<10240x128xf32, #tpu.memory_space<vmem_shared>> -> memref<128x128xf32, #tpu.memory_space<vmem_shared>>
      tpu.wait_dma2 semaphore(%run_scoped3A : memref<!tpu.dma_semaphore, #tpu.memory_space<semaphore_mem>>) src(%arg9 : memref<128x128xf32, #tpu.memory_space<vmem>>) dst(%dma_wait3A_40 : memref<128x128xf32, #tpu.memory_space<vmem_shared>>)
      tpu.yield
    }) : () -> ()
    %mul3A_11 = arith.constant 640 : i32
    %mul3A_12 = arith.muli %arg1, %mul3A_11 : i32
    %add3A_13 = arith.constant 256 : i32
    %add3A_14 = arith.addi %mul3A_12, %add3A_13 : i32
    "tpu.region"() ({
      %run_scoped3A = tpu.sem_alloc : memref<!tpu.dma_semaphore, #tpu.memory_space<semaphore_mem>>
      %dma_start3A = arith.constant 0 : i32
      %dma_start3A_35 = tpu.memref_slice %arg11[%add3A_14, %dma_start3A] : memref<10240x128xf32, #tpu.memory_space<vmem_shared>> -> memref<128x128xf32, #tpu.memory_space<vmem_shared>>
      %dma_start3A_36 = arith.constant 0 : i32
      %dma_start3A_37 = tpu.memref_slice %arg11[%add3A_14, %dma_start3A_36] : memref<10240x128xf32, #tpu.memory_space<vmem_shared>> -> memref<128x128xf32, #tpu.memory_space<vmem_shared>>
      tpu.enqueue_dma source(%arg9 : memref<128x128xf32, #tpu.memory_space<vmem>>) target(%dma_start3A_37 : memref<128x128xf32, #tpu.memory_space<vmem_shared>>) target_semaphore(%run_scoped3A : memref<!tpu.dma_semaphore, #tpu.memory_space<semaphore_mem>>)
      %dma_wait3A = arith.constant 0 : i32
      %dma_wait3A_38 = tpu.memref_slice %arg11[%add3A_14, %dma_wait3A] : memref<10240x128xf32, #tpu.memory_space<vmem_shared>> -> memref<128x128xf32, #tpu.memory_space<vmem_shared>>
      %dma_wait3A_39 = arith.constant 0 : i32
      %dma_wait3A_40 = tpu.memref_slice %arg11[%add3A_14, %dma_wait3A_39] : memref<10240x128xf32, #tpu.memory_space<vmem_shared>> -> memref<128x128xf32, #tpu.memory_space<vmem_shared>>
      tpu.wait_dma2 semaphore(%run_scoped3A : memref<!tpu.dma_semaphore, #tpu.memory_space<semaphore_mem>>) src(%arg9 : memref<128x128xf32, #tpu.memory_space<vmem>>) dst(%dma_wait3A_40 : memref<128x128xf32, #tpu.memory_space<vmem_shared>>)
      tpu.yield
    }) : () -> ()
    %mul3A_15 = arith.constant 640 : i32
    %mul3A_16 = arith.muli %arg1, %mul3A_15 : i32
    %add3A_17 = arith.constant 384 : i32
    %add3A_18 = arith.addi %mul3A_16, %add3A_17 : i32
    "tpu.region"() ({
      %run_scoped3A = tpu.sem_alloc : memref<!tpu.dma_semaphore, #tpu.memory_space<semaphore_mem>>
      %dma_start3A = arith.constant 0 : i32
      %dma_start3A_35 = tpu.memref_slice %arg11[%add3A_18, %dma_start3A] : memref<10240x128xf32, #tpu.memory_space<vmem_shared>> -> memref<128x128xf32, #tpu.memory_space<vmem_shared>>
      %dma_start3A_36 = arith.constant 0 : i32
      %dma_start3A_37 = tpu.memref_slice %arg11[%add3A_18, %dma_start3A_36] : memref<10240x128xf32, #tpu.memory_space<vmem_shared>> -> memref<128x128xf32, #tpu.memory_space<vmem_shared>>
      tpu.enqueue_dma source(%arg9 : memref<128x128xf32, #tpu.memory_space<vmem>>) target(%dma_start3A_37 : memref<128x128xf32, #tpu.memory_space<vmem_shared>>) target_semaphore(%run_scoped3A : memref<!tpu.dma_semaphore, #tpu.memory_space<semaphore_mem>>)
      %dma_wait3A = arith.constant 0 : i32
      %dma_wait3A_38 = tpu.memref_slice %arg11[%add3A_18, %dma_wait3A] : memref<10240x128xf32, #tpu.memory_space<vmem_shared>> -> memref<128x128xf32, #tpu.memory_space<vmem_shared>>
      %dma_wait3A_39 = arith.constant 0 : i32
      %dma_wait3A_40 = tpu.memref_slice %arg11[%add3A_18, %dma_wait3A_39] : memref<10240x128xf32, #tpu.memory_space<vmem_shared>> -> memref<128x128xf32, #tpu.memory_space<vmem_shared>>
      tpu.wait_dma2 semaphore(%run_scoped3A : memref<!tpu.dma_semaphore, #tpu.memory_space<semaphore_mem>>) src(%arg9 : memref<128x128xf32, #tpu.memory_space<vmem>>) dst(%dma_wait3A_40 : memref<128x128xf32, #tpu.memory_space<vmem_shared>>)
      tpu.yield
    }) : () -> ()
    %mul3A_19 = arith.constant 640 : i32
    %mul3A_20 = arith.muli %arg1, %mul3A_19 : i32
    %add3A_21 = arith.constant 512 : i32
    %add3A_22 = arith.addi %mul3A_20, %add3A_21 : i32
    "tpu.region"() ({
      %run_scoped3A = tpu.sem_alloc : memref<!tpu.dma_semaphore, #tpu.memory_space<semaphore_mem>>
      %dma_start3A = arith.constant 0 : i32
      %dma_start3A_35 = tpu.memref_slice %arg11[%add3A_22, %dma_start3A] : memref<10240x128xf32, #tpu.memory_space<vmem_shared>> -> memref<128x128xf32, #tpu.memory_space<vmem_shared>>
      %dma_start3A_36 = arith.constant 0 : i32
      %dma_start3A_37 = tpu.memref_slice %arg11[%add3A_22, %dma_start3A_36] : memref<10240x128xf32, #tpu.memory_space<vmem_shared>> -> memref<128x128xf32, #tpu.memory_space<vmem_shared>>
      tpu.enqueue_dma source(%arg9 : memref<128x128xf32, #tpu.memory_space<vmem>>) target(%dma_start3A_37 : memref<128x128xf32, #tpu.memory_space<vmem_shared>>) target_semaphore(%run_scoped3A : memref<!tpu.dma_semaphore, #tpu.memory_space<semaphore_mem>>)
      %dma_wait3A = arith.constant 0 : i32
      %dma_wait3A_38 = tpu.memref_slice %arg11[%add3A_22, %dma_wait3A] : memref<10240x128xf32, #tpu.memory_space<vmem_shared>> -> memref<128x128xf32, #tpu.memory_space<vmem_shared>>
      %dma_wait3A_39 = arith.constant 0 : i32
      %dma_wait3A_40 = tpu.memref_slice %arg11[%add3A_22, %dma_wait3A_39] : memref<10240x128xf32, #tpu.memory_space<vmem_shared>> -> memref<128x128xf32, #tpu.memory_space<vmem_shared>>
      tpu.wait_dma2 semaphore(%run_scoped3A : memref<!tpu.dma_semaphore, #tpu.memory_space<semaphore_mem>>) src(%arg9 : memref<128x128xf32, #tpu.memory_space<vmem>>) dst(%dma_wait3A_40 : memref<128x128xf32, #tpu.memory_space<vmem_shared>>)
      tpu.yield
    }) : () -> ()
    %barrier3A = arith.constant 0 : index
    tpu.barrier barrier_id(%barrier3A)
    %eq3A = arith.constant 0 : i32
    %eq3A_23 = arith.cmpi eq, %arg0, %eq3A : i32
    %convert_element_type3A = arith.extui %eq3A_23 : i1 to i32
    %cond3A = arith.constant 0 : i32
    %cond3A_24 = arith.cmpi ne, %convert_element_type3A, %cond3A : i32
    scf.if %cond3A_24 {
      %scan3A_35 = arith.constant 0 : i32
      %scan3A_36 = arith.constant 2 : i32
      %scan3A_37 = arith.addi %scan3A_35, %scan3A_36 : i32
      %scan3A_38 = arith.constant 1 : i32
      scf.for %scan3A_40 = %scan3A_35 to %scan3A_37 step %scan3A_38  : i32 {
        %mul3A_41 = arith.constant 10240 : i32
        %mul3A_42 = arith.muli %arg1, %mul3A_41 : i32
        %mul3A_43 = arith.constant 5120 : i32
        %mul3A_44 = arith.muli %scan3A_40, %mul3A_43 : i32
        %add3A_45 = arith.addi %mul3A_42, %mul3A_44 : i32
        %eq3A_46 = arith.constant 15 : i32
        %eq3A_47 = arith.cmpi eq, %arg1, %eq3A_46 : i32
        %eq3A_48 = arith.constant 1 : i32
        %eq3A_49 = arith.cmpi eq, %scan3A_40, %eq3A_48 : i32
        %and3A = arith.andi %eq3A_47, %eq3A_49 : i1
        %not3A = arith.constant true
        %not3A_50 = arith.xori %and3A, %not3A : i1
        %convert_element_type3A_51 = arith.extui %not3A_50 : i1 to i32
        %cond3A_52 = arith.constant 0 : i32
        %cond3A_53 = arith.cmpi ne, %convert_element_type3A_51, %cond3A_52 : i32
        scf.if %cond3A_53 {
          %run_scoped3A = arith.constant 0 : i32
          "tpu.region"() ({
            %run_scoped3A_81 = tpu.sem_alloc : memref<!tpu.dma_semaphore, #tpu.memory_space<semaphore_mem>>
            %dma_start3A_82 = tpu.memref_slice %arg2[%run_scoped3A, %add3A_45] : memref<2x160000xi32, #tpu.memory_space<hbm>> -> memref<1x5120xi32, #tpu.memory_space<hbm>>
            %dma_start3A_83 = tpu.memref_squeeze %dma_start3A_82 : memref<1x5120xi32, #tpu.memory_space<hbm>> -> memref<5120xi32, #tpu.memory_space<hbm>>
            %dma_start3A_84 = tpu.memref_slice %arg2[%run_scoped3A, %add3A_45] : memref<2x160000xi32, #tpu.memory_space<hbm>> -> memref<1x5120xi32, #tpu.memory_space<hbm>>
            %dma_start3A_85 = tpu.memref_squeeze %dma_start3A_84 : memref<1x5120xi32, #tpu.memory_space<hbm>> -> memref<5120xi32, #tpu.memory_space<hbm>>
            tpu.enqueue_dma source(%dma_start3A_85 : memref<5120xi32, #tpu.memory_space<hbm>>) target(%arg7 : memref<5120xi32, #tpu.memory_space<vmem>>) target_semaphore(%run_scoped3A_81 : memref<!tpu.dma_semaphore, #tpu.memory_space<semaphore_mem>>)
            %dma_wait3A_86 = tpu.memref_slice %arg2[%run_scoped3A, %add3A_45] : memref<2x160000xi32, #tpu.memory_space<hbm>> -> memref<1x5120xi32, #tpu.memory_space<hbm>>
            %dma_wait3A_87 = tpu.memref_squeeze %dma_wait3A_86 : memref<1x5120xi32, #tpu.memory_space<hbm>> -> memref<5120xi32, #tpu.memory_space<hbm>>
            %dma_wait3A_88 = tpu.memref_slice %arg2[%run_scoped3A, %add3A_45] : memref<2x160000xi32, #tpu.memory_space<hbm>> -> memref<1x5120xi32, #tpu.memory_space<hbm>>
            %dma_wait3A_89 = tpu.memref_squeeze %dma_wait3A_88 : memref<1x5120xi32, #tpu.memory_space<hbm>> -> memref<5120xi32, #tpu.memory_space<hbm>>
            tpu.wait_dma2 semaphore(%run_scoped3A_81 : memref<!tpu.dma_semaphore, #tpu.memory_space<semaphore_mem>>) src(%dma_wait3A_89 : memref<5120xi32, #tpu.memory_space<hbm>>) dst(%arg7 : memref<5120xi32, #tpu.memory_space<vmem>>)
            tpu.yield
          }) : () -> ()
        } else {
        }
        %convert_element_type3A_54 = arith.extui %and3A : i1 to i32
        %cond3A_55 = arith.constant 0 : i32
        %cond3A_56 = arith.cmpi ne, %convert_element_type3A_54, %cond3A_55 : i32
        scf.if %cond3A_56 {
          %run_scoped3A = arith.constant 0 : i32
          "tpu.region"() ({
            %run_scoped3A_86 = tpu.sem_alloc : memref<!tpu.dma_semaphore, #tpu.memory_space<semaphore_mem>>
            %dma_start3A_87 = arith.constant 0 : i32
            %dma_start3A_88 = tpu.memref_slice %arg7[%dma_start3A_87] : memref<5120xi32, #tpu.memory_space<vmem>> -> memref<1280xi32, #tpu.memory_space<vmem>>
            %dma_start3A_89 = tpu.memref_slice %arg2[%run_scoped3A, %add3A_45] : memref<2x160000xi32, #tpu.memory_space<hbm>> -> memref<1x1280xi32, #tpu.memory_space<hbm>>
            %dma_start3A_90 = tpu.memref_squeeze %dma_start3A_89 : memref<1x1280xi32, #tpu.memory_space<hbm>> -> memref<1280xi32, #tpu.memory_space<hbm>>
            %dma_start3A_91 = arith.constant 0 : i32
            %dma_start3A_92 = tpu.memref_slice %arg7[%dma_start3A_91] : memref<5120xi32, #tpu.memory_space<vmem>> -> memref<1280xi32, #tpu.memory_space<vmem>>
            %dma_start3A_93 = tpu.memref_slice %arg2[%run_scoped3A, %add3A_45] : memref<2x160000xi32, #tpu.memory_space<hbm>> -> memref<1x1280xi32, #tpu.memory_space<hbm>>
            %dma_start3A_94 = tpu.memref_squeeze %dma_start3A_93 : memref<1x1280xi32, #tpu.memory_space<hbm>> -> memref<1280xi32, #tpu.memory_space<hbm>>
            tpu.enqueue_dma source(%dma_start3A_94 : memref<1280xi32, #tpu.memory_space<hbm>>) target(%dma_start3A_92 : memref<1280xi32, #tpu.memory_space<vmem>>) target_semaphore(%run_scoped3A_86 : memref<!tpu.dma_semaphore, #tpu.memory_space<semaphore_mem>>)
            %dma_wait3A_95 = arith.constant 0 : i32
            %dma_wait3A_96 = tpu.memref_slice %arg7[%dma_wait3A_95] : memref<5120xi32, #tpu.memory_space<vmem>> -> memref<1280xi32, #tpu.memory_space<vmem>>
            %dma_wait3A_97 = tpu.memref_slice %arg2[%run_scoped3A, %add3A_45] : memref<2x160000xi32, #tpu.memory_space<hbm>> -> memref<1x1280xi32, #tpu.memory_space<hbm>>
            %dma_wait3A_98 = tpu.memref_squeeze %dma_wait3A_97 : memref<1x1280xi32, #tpu.memory_space<hbm>> -> memref<1280xi32, #tpu.memory_space<hbm>>
            %dma_wait3A_99 = arith.constant 0 : i32
            %dma_wait3A_100 = tpu.memref_slice %arg7[%dma_wait3A_99] : memref<5120xi32, #tpu.memory_space<vmem>> -> memref<1280xi32, #tpu.memory_space<vmem>>
            %dma_wait3A_101 = tpu.memref_slice %arg2[%run_scoped3A, %add3A_45] : memref<2x160000xi32, #tpu.memory_space<hbm>> -> memref<1x1280xi32, #tpu.memory_space<hbm>>
            %dma_wait3A_102 = tpu.memref_squeeze %dma_wait3A_101 : memref<1x1280xi32, #tpu.memory_space<hbm>> -> memref<1280xi32, #tpu.memory_space<hbm>>
            tpu.wait_dma2 semaphore(%run_scoped3A_86 : memref<!tpu.dma_semaphore, #tpu.memory_space<semaphore_mem>>) src(%dma_wait3A_102 : memref<1280xi32, #tpu.memory_space<hbm>>) dst(%dma_wait3A_100 : memref<1280xi32, #tpu.memory_space<vmem>>)
            tpu.yield
          }) : () -> ()
          %iota3A = tpu.iota {dimensions = array<i32: 0>} : vector<16xi32>
          %scan3A_81 = arith.constant 0 : i32
          %scan3A_82 = arith.constant 240 : i32
          %scan3A_83 = arith.addi %scan3A_81, %scan3A_82 : i32
          %scan3A_84 = arith.constant 1 : i32
          scf.for %scan3A_86 = %scan3A_81 to %scan3A_83 step %scan3A_84  : i32 {
            %jit3A = arith.constant 8 : i32
            %eq3A_87 = arith.constant 0 : i32
            %eq3A_88 = arith.cmpi eq, %jit3A, %eq3A_87 : i32
            %jit3A_89 = arith.constant 1 : i32
            %select_n3A = arith.select %eq3A_88, %jit3A_89, %jit3A : i32
            %rem3A = arith.remsi %scan3A_86, %select_n3A : i32
            %ne3A = arith.constant 0 : i32
            %ne3A_90 = arith.cmpi ne, %rem3A, %ne3A : i32
            %lt3A = arith.constant 0 : i32
            %lt3A_91 = arith.cmpi slt, %rem3A, %lt3A : i32
            %lt3A_92 = arith.constant 0 : i32
            %lt3A_93 = arith.cmpi slt, %select_n3A, %lt3A_92 : i32
            %ne3A_94 = arith.xori %lt3A_91, %lt3A_93 : i1
            %and3A_95 = arith.andi %ne3A_94, %ne3A_90 : i1
            %add3A_96 = arith.addi %rem3A, %select_n3A : i32
            %select_n3A_97 = arith.select %and3A_95, %add3A_96, %rem3A : i32
            %mul3A_98 = arith.constant 16 : i32
            %mul3A_99 = arith.muli %select_n3A_97, %mul3A_98 : i32
            %add3A_100 = vector.broadcast %mul3A_99 : i32 to vector<16xi32>
            %add3A_101 = arith.addi %iota3A, %add3A_100 : vector<16xi32>
            %mul3A_102 = arith.constant 16 : i32
            %mul3A_103 = arith.muli %scan3A_86, %mul3A_102 : i32
            %add3A_104 = arith.constant 1280 : i32
            %add3A_105 = arith.addi %add3A_104, %mul3A_103 : i32
            %swap3A = arith.index_cast %add3A_105 : i32 to index
            %swap3A_106 = tpu.vector_load %arg7[%swap3A] {strides = array<i32>} : memref<5120xi32, #tpu.memory_space<vmem>>, vector<16xi32>,
            %swap3A_107 = vector.shape_cast %swap3A_106 : vector<16xi32> to vector<16xi32>
            %swap3A_108 = vector.shape_cast %add3A_101 : vector<16xi32> to vector<16xi32>
            tpu.vector_store %arg7[%swap3A], %swap3A_108 {strides = array<i32>} : memref<5120xi32, #tpu.memory_space<vmem>>, vector<16xi32>,
          }
          %scan3A_85 = arith.constant 240 : i32
        } else {
        }
        %mul3A_57 = arith.constant 40 : i32
        %mul3A_58 = arith.muli %scan3A_40, %mul3A_57 : i32
        "tpu.region"() ({
          %run_scoped3A = tpu.sem_alloc : memref<!tpu.dma_semaphore, #tpu.memory_space<semaphore_mem>>
          %dma_start3A_81 = arith.constant 0 : i32
          %dma_start3A_82 = tpu.memref_slice %arg3[%arg1, %mul3A_58, %dma_start3A_81] : memref<16x80x128xi32, #tpu.memory_space<hbm>> -> memref<1x40x128xi32, #tpu.memory_space<hbm>>
          %dma_start3A_83 = tpu.memref_squeeze %dma_start3A_82 : memref<1x40x128xi32, #tpu.memory_space<hbm>> -> memref<40x128xi32, #tpu.memory_space<hbm>>
          %dma_start3A_84 = arith.constant 0 : i32
          %dma_start3A_85 = tpu.memref_slice %arg3[%arg1, %mul3A_58, %dma_start3A_84] : memref<16x80x128xi32, #tpu.memory_space<hbm>> -> memref<1x40x128xi32, #tpu.memory_space<hbm>>
          %dma_start3A_86 = tpu.memref_squeeze %dma_start3A_85 : memref<1x40x128xi32, #tpu.memory_space<hbm>> -> memref<40x128xi32, #tpu.memory_space<hbm>>
          tpu.enqueue_dma source(%dma_start3A_86 : memref<40x128xi32, #tpu.memory_space<hbm>>) target(%arg8 : memref<40x128xi32, #tpu.memory_space<vmem>>) target_semaphore(%run_scoped3A : memref<!tpu.dma_semaphore, #tpu.memory_space<semaphore_mem>>)
          %dma_wait3A_87 = arith.constant 0 : i32
          %dma_wait3A_88 = tpu.memref_slice %arg3[%arg1, %mul3A_58, %dma_wait3A_87] : memref<16x80x128xi32, #tpu.memory_space<hbm>> -> memref<1x40x128xi32, #tpu.memory_space<hbm>>
          %dma_wait3A_89 = tpu.memref_squeeze %dma_wait3A_88 : memref<1x40x128xi32, #tpu.memory_space<hbm>> -> memref<40x128xi32, #tpu.memory_space<hbm>>
          %dma_wait3A_90 = arith.constant 0 : i32
          %dma_wait3A_91 = tpu.memref_slice %arg3[%arg1, %mul3A_58, %dma_wait3A_90] : memref<16x80x128xi32, #tpu.memory_space<hbm>> -> memref<1x40x128xi32, #tpu.memory_space<hbm>>
          %dma_wait3A_92 = tpu.memref_squeeze %dma_wait3A_91 : memref<1x40x128xi32, #tpu.memory_space<hbm>> -> memref<40x128xi32, #tpu.memory_space<hbm>>
          tpu.wait_dma2 semaphore(%run_scoped3A : memref<!tpu.dma_semaphore, #tpu.memory_space<semaphore_mem>>) src(%dma_wait3A_92 : memref<40x128xi32, #tpu.memory_space<hbm>>) dst(%arg8 : memref<40x128xi32, #tpu.memory_space<vmem>>)
          tpu.yield
        }) : () -> ()
        %dma_start3A = arith.constant 0 : i32
        %dma_start3A_59 = tpu.memref_slice %arg7[%dma_start3A] : memref<5120xi32, #tpu.memory_space<vmem>> -> memref<128xi32, #tpu.memory_space<vmem>>
        %dma_start3A_60 = arith.constant 0 : i32
        %dma_start3A_61 = arith.constant 0 : i32
        %dma_start3A_62 = tpu.memref_slice %arg4[%dma_start3A_60, %dma_start3A_61] : memref<10000x128xf32, #tpu.memory_space<hbm>> -> memref<10000x128xf32, #tpu.memory_space<hbm>>
        tpu.enqueue_indirect_dma source(%dma_start3A_62 : memref<10000x128xf32, #tpu.memory_space<hbm>>) target(%arg9 : memref<128x128xf32, #tpu.memory_space<vmem>>) offsets(%dma_start3A_59 : memref<128xi32, #tpu.memory_space<vmem>>) semaphore(%arg12 : memref<!tpu.dma_semaphore, #tpu.memory_space<semaphore_mem>>)
        %scan3A_63 = arith.constant 0 : i32
        %scan3A_64 = arith.constant 20 : i32
        %scan3A_65 = arith.addi %scan3A_63, %scan3A_64 : i32
        %scan3A_66 = arith.constant 1 : i32
        scf.for %scan3A_81 = %scan3A_63 to %scan3A_65 step %scan3A_66  : i32 {
          %mul3A_82 = arith.constant 2 : i32
          %mul3A_83 = arith.muli %mul3A_82, %scan3A_81 : i32
          %gt3A = arith.constant 0 : i32
          %gt3A_84 = arith.cmpi sgt, %mul3A_83, %gt3A : i32
          %convert_element_type3A_85 = arith.extui %gt3A_84 : i1 to i32
          %cond3A_86 = arith.constant 0 : i32
          %cond3A_87 = arith.cmpi ne, %convert_element_type3A_85, %cond3A_86 : i32
          scf.if %cond3A_87 {
            %sub3A = arith.constant 1 : i32
            %sub3A_130 = arith.subi %mul3A_83, %sub3A : i32
            %dma_wait3A_131 = arith.constant 0 : i32
            %dma_wait3A_132 = tpu.memref_slice %arg8[%sub3A_130, %dma_wait3A_131] : memref<40x128xi32, #tpu.memory_space<vmem>> -> memref<1x128xi32, #tpu.memory_space<vmem>>
            %dma_wait3A_133 = tpu.memref_squeeze %dma_wait3A_132 : memref<1x128xi32, #tpu.memory_space<vmem>> -> memref<128xi32, #tpu.memory_space<vmem>>
            %dma_wait3A_134 = arith.constant 0 : i32
            %dma_wait3A_135 = arith.constant 0 : i32
            %dma_wait3A_136 = tpu.memref_slice %arg11[%dma_wait3A_134, %dma_wait3A_135] : memref<10240x128xf32, #tpu.memory_space<vmem_shared>> -> memref<10240x128xf32, #tpu.memory_space<vmem_shared>>
            tpu.wait_indirect_dma semaphore(%arg15 : memref<!tpu.dma_semaphore, #tpu.memory_space<semaphore_mem>>) src(%arg10 : memref<128x128xf32, #tpu.memory_space<vmem>>) dst(%dma_wait3A_136 : memref<10240x128xf32, #tpu.memory_space<vmem_shared>>)
          } else {
          }
          %add3A_88 = arith.constant 1 : i32
          %add3A_89 = arith.addi %mul3A_83, %add3A_88 : i32
          %mul3A_90 = arith.constant 128 : i32
          %mul3A_91 = arith.muli %add3A_89, %mul3A_90 : i32
          %dma_start3A_92 = tpu.memref_slice %arg7[%mul3A_91] : memref<5120xi32, #tpu.memory_space<vmem>> -> memref<128xi32, #tpu.memory_space<vmem>>
          %dma_start3A_93 = arith.constant 0 : i32
          %dma_start3A_94 = arith.constant 0 : i32
          %dma_start3A_95 = tpu.memref_slice %arg4[%dma_start3A_93, %dma_start3A_94] : memref<10000x128xf32, #tpu.memory_space<hbm>> -> memref<10000x128xf32, #tpu.memory_space<hbm>>
          tpu.enqueue_indirect_dma source(%dma_start3A_95 : memref<10000x128xf32, #tpu.memory_space<hbm>>) target(%arg10 : memref<128x128xf32, #tpu.memory_space<vmem>>) offsets(%dma_start3A_92 : memref<128xi32, #tpu.memory_space<vmem>>) semaphore(%arg13 : memref<!tpu.dma_semaphore, #tpu.memory_space<semaphore_mem>>)
          %mul3A_96 = arith.constant 128 : i32
          %mul3A_97 = arith.muli %mul3A_83, %mul3A_96 : i32
          %dma_wait3A_98 = tpu.memref_slice %arg7[%mul3A_97] : memref<5120xi32, #tpu.memory_space<vmem>> -> memref<128xi32, #tpu.memory_space<vmem>>
          %dma_wait3A_99 = arith.constant 0 : i32
          %dma_wait3A_100 = arith.constant 0 : i32
          %dma_wait3A_101 = tpu.memref_slice %arg4[%dma_wait3A_99, %dma_wait3A_100] : memref<10000x128xf32, #tpu.memory_space<hbm>> -> memref<10000x128xf32, #tpu.memory_space<hbm>>
          tpu.wait_indirect_dma semaphore(%arg12 : memref<!tpu.dma_semaphore, #tpu.memory_space<semaphore_mem>>) src(%dma_wait3A_101 : memref<10000x128xf32, #tpu.memory_space<hbm>>) dst(%arg9 : memref<128x128xf32, #tpu.memory_space<vmem>>)
          %dma_start3A_102 = arith.constant 0 : i32
          %dma_start3A_103 = tpu.memref_slice %arg8[%mul3A_83, %dma_start3A_102] : memref<40x128xi32, #tpu.memory_space<vmem>> -> memref<1x128xi32, #tpu.memory_space<vmem>>
          %dma_start3A_104 = tpu.memref_squeeze %dma_start3A_103 : memref<1x128xi32, #tpu.memory_space<vmem>> -> memref<128xi32, #tpu.memory_space<vmem>>
          %dma_start3A_105 = arith.constant 0 : i32
          %dma_start3A_106 = arith.constant 0 : i32
          %dma_start3A_107 = tpu.memref_slice %arg11[%dma_start3A_105, %dma_start3A_106] : memref<10240x128xf32, #tpu.memory_space<vmem_shared>> -> memref<10240x128xf32, #tpu.memory_space<vmem_shared>>
          tpu.enqueue_indirect_dma source(%arg9 : memref<128x128xf32, #tpu.memory_space<vmem>>) target(%dma_start3A_107 : memref<10240x128xf32, #tpu.memory_space<vmem_shared>>) offsets(%dma_start3A_104 : memref<128xi32, #tpu.memory_space<vmem>>) semaphore(%arg14 : memref<!tpu.dma_semaphore, #tpu.memory_space<semaphore_mem>>) {add = true}
          %add3A_108 = arith.constant 2 : i32
          %add3A_109 = arith.addi %mul3A_83, %add3A_108 : i32
          %lt3A = arith.constant 40 : i32
          %lt3A_110 = arith.cmpi slt, %add3A_109, %lt3A : i32
          %convert_element_type3A_111 = arith.extui %lt3A_110 : i1 to i32
          %cond3A_112 = arith.constant 0 : i32
          %cond3A_113 = arith.cmpi ne, %convert_element_type3A_111, %cond3A_112 : i32
          scf.if %cond3A_113 {
            %dma_wait3A_130 = arith.constant 0 : i32
            %dma_wait3A_131 = tpu.memref_slice %arg8[%mul3A_83, %dma_wait3A_130] : memref<40x128xi32, #tpu.memory_space<vmem>> -> memref<1x128xi32, #tpu.memory_space<vmem>>
            %dma_wait3A_132 = tpu.memref_squeeze %dma_wait3A_131 : memref<1x128xi32, #tpu.memory_space<vmem>> -> memref<128xi32, #tpu.memory_space<vmem>>
            %dma_wait3A_133 = arith.constant 0 : i32
            %dma_wait3A_134 = arith.constant 0 : i32
            %dma_wait3A_135 = tpu.memref_slice %arg11[%dma_wait3A_133, %dma_wait3A_134] : memref<10240x128xf32, #tpu.memory_space<vmem_shared>> -> memref<10240x128xf32, #tpu.memory_space<vmem_shared>>
            tpu.wait_indirect_dma semaphore(%arg14 : memref<!tpu.dma_semaphore, #tpu.memory_space<semaphore_mem>>) src(%arg9 : memref<128x128xf32, #tpu.memory_space<vmem>>) dst(%dma_wait3A_135 : memref<10240x128xf32, #tpu.memory_space<vmem_shared>>)
            %add3A_136 = arith.constant 2 : i32
            %add3A_137 = arith.addi %mul3A_83, %add3A_136 : i32
            %mul3A_138 = arith.constant 128 : i32
            %mul3A_139 = arith.muli %add3A_137, %mul3A_138 : i32
            %dma_start3A_140 = tpu.memref_slice %arg7[%mul3A_139] : memref<5120xi32, #tpu.memory_space<vmem>> -> memref<128xi32, #tpu.memory_space<vmem>>
            %dma_start3A_141 = arith.constant 0 : i32
            %dma_start3A_142 = arith.constant 0 : i32
            %dma_start3A_143 = tpu.memref_slice %arg4[%dma_start3A_141, %dma_start3A_142] : memref<10000x128xf32, #tpu.memory_space<hbm>> -> memref<10000x128xf32, #tpu.memory_space<hbm>>
            tpu.enqueue_indirect_dma source(%dma_start3A_143 : memref<10000x128xf32, #tpu.memory_space<hbm>>) target(%arg9 : memref<128x128xf32, #tpu.memory_space<vmem>>) offsets(%dma_start3A_140 : memref<128xi32, #tpu.memory_space<vmem>>) semaphore(%arg12 : memref<!tpu.dma_semaphore, #tpu.memory_space<semaphore_mem>>)
          } else {
          }
          %add3A_114 = arith.constant 1 : i32
          %add3A_115 = arith.addi %mul3A_83, %add3A_114 : i32
          %mul3A_116 = arith.constant 128 : i32
          %mul3A_117 = arith.muli %add3A_115, %mul3A_116 : i32
          %dma_wait3A_118 = tpu.memref_slice %arg7[%mul3A_117] : memref<5120xi32, #tpu.memory_space<vmem>> -> memref<128xi32, #tpu.memory_space<vmem>>
          %dma_wait3A_119 = arith.constant 0 : i32
          %dma_wait3A_120 = arith.constant 0 : i32
          %dma_wait3A_121 = tpu.memref_slice %arg4[%dma_wait3A_119, %dma_wait3A_120] : memref<10000x128xf32, #tpu.memory_space<hbm>> -> memref<10000x128xf32, #tpu.memory_space<hbm>>
          tpu.wait_indirect_dma semaphore(%arg13 : memref<!tpu.dma_semaphore, #tpu.memory_space<semaphore_mem>>) src(%dma_wait3A_121 : memref<10000x128xf32, #tpu.memory_space<hbm>>) dst(%arg10 : memref<128x128xf32, #tpu.memory_space<vmem>>)
          %add3A_122 = arith.constant 1 : i32
          %add3A_123 = arith.addi %mul3A_83, %add3A_122 : i32
          %dma_start3A_124 = arith.constant 0 : i32
          %dma_start3A_125 = tpu.memref_slice %arg8[%add3A_123, %dma_start3A_124] : memref<40x128xi32, #tpu.memory_space<vmem>> -> memref<1x128xi32, #tpu.memory_space<vmem>>
          %dma_start3A_126 = tpu.memref_squeeze %dma_start3A_125 : memref<1x128xi32, #tpu.memory_space<vmem>> -> memref<128xi32, #tpu.memory_space<vmem>>
          %dma_start3A_127 = arith.constant 0 : i32
          %dma_start3A_128 = arith.constant 0 : i32
          %dma_start3A_129 = tpu.memref_slice %arg11[%dma_start3A_127, %dma_start3A_128] : memref<10240x128xf32, #tpu.memory_space<vmem_shared>> -> memref<10240x128xf32, #tpu.memory_space<vmem_shared>>
          tpu.enqueue_indirect_dma source(%arg10 : memref<128x128xf32, #tpu.memory_space<vmem>>) target(%dma_start3A_129 : memref<10240x128xf32, #tpu.memory_space<vmem_shared>>) offsets(%dma_start3A_126 : memref<128xi32, #tpu.memory_space<vmem>>) semaphore(%arg15 : memref<!tpu.dma_semaphore, #tpu.memory_space<semaphore_mem>>) {add = true}
        }
        %scan3A_67 = arith.constant 20 : i32
        %dma_wait3A = arith.constant 38 : i32
        %dma_wait3A_68 = arith.constant 0 : i32
        %dma_wait3A_69 = tpu.memref_slice %arg8[%dma_wait3A, %dma_wait3A_68] : memref<40x128xi32, #tpu.memory_space<vmem>> -> memref<1x128xi32, #tpu.memory_space<vmem>>
        %dma_wait3A_70 = tpu.memref_squeeze %dma_wait3A_69 : memref<1x128xi32, #tpu.memory_space<vmem>> -> memref<128xi32, #tpu.memory_space<vmem>>
        %dma_wait3A_71 = arith.constant 0 : i32
        %dma_wait3A_72 = arith.constant 0 : i32
        %dma_wait3A_73 = tpu.memref_slice %arg11[%dma_wait3A_71, %dma_wait3A_72] : memref<10240x128xf32, #tpu.memory_space<vmem_shared>> -> memref<10240x128xf32, #tpu.memory_space<vmem_shared>>
        tpu.wait_indirect_dma semaphore(%arg14 : memref<!tpu.dma_semaphore, #tpu.memory_space<semaphore_mem>>) src(%arg9 : memref<128x128xf32, #tpu.memory_space<vmem>>) dst(%dma_wait3A_73 : memref<10240x128xf32, #tpu.memory_space<vmem_shared>>)
        %dma_wait3A_74 = arith.constant 39 : i32
        %dma_wait3A_75 = arith.constant 0 : i32
        %dma_wait3A_76 = tpu.memref_slice %arg8[%dma_wait3A_74, %dma_wait3A_75] : memref<40x128xi32, #tpu.memory_space<vmem>> -> memref<1x128xi32, #tpu.memory_space<vmem>>
        %dma_wait3A_77 = tpu.memref_squeeze %dma_wait3A_76 : memref<1x128xi32, #tpu.memory_space<vmem>> -> memref<128xi32, #tpu.memory_space<vmem>>
        %dma_wait3A_78 = arith.constant 0 : i32
        %dma_wait3A_79 = arith.constant 0 : i32
        %dma_wait3A_80 = tpu.memref_slice %arg11[%dma_wait3A_78, %dma_wait3A_79] : memref<10240x128xf32, #tpu.memory_space<vmem_shared>> -> memref<10240x128xf32, #tpu.memory_space<vmem_shared>>
        tpu.wait_indirect_dma semaphore(%arg15 : memref<!tpu.dma_semaphore, #tpu.memory_space<semaphore_mem>>) src(%arg10 : memref<128x128xf32, #tpu.memory_space<vmem>>) dst(%dma_wait3A_80 : memref<10240x128xf32, #tpu.memory_space<vmem_shared>>)
      }
      %scan3A_39 = arith.constant 2 : i32
    } else {
    }
    %eq3A_25 = arith.constant 1 : i32
    %eq3A_26 = arith.cmpi eq, %arg0, %eq3A_25 : i32
    %convert_element_type3A_27 = arith.extui %eq3A_26 : i1 to i32
    %cond3A_28 = arith.constant 0 : i32
    %cond3A_29 = arith.cmpi ne, %convert_element_type3A_27, %cond3A_28 : i32
    scf.if %cond3A_29 {
      %scan3A_35 = arith.constant 0 : i32
      %scan3A_36 = arith.constant 2 : i32
      %scan3A_37 = arith.addi %scan3A_35, %scan3A_36 : i32
      %scan3A_38 = arith.constant 1 : i32
      scf.for %scan3A_40 = %scan3A_35 to %scan3A_37 step %scan3A_38  : i32 {
        %mul3A_41 = arith.constant 10240 : i32
        %mul3A_42 = arith.muli %arg1, %mul3A_41 : i32
        %mul3A_43 = arith.constant 5120 : i32
        %mul3A_44 = arith.muli %scan3A_40, %mul3A_43 : i32
        %add3A_45 = arith.addi %mul3A_42, %mul3A_44 : i32
        %eq3A_46 = arith.constant 15 : i32
        %eq3A_47 = arith.cmpi eq, %arg1, %eq3A_46 : i32
        %eq3A_48 = arith.constant 1 : i32
        %eq3A_49 = arith.cmpi eq, %scan3A_40, %eq3A_48 : i32
        %and3A = arith.andi %eq3A_47, %eq3A_49 : i1
        %not3A = arith.constant true
        %not3A_50 = arith.xori %and3A, %not3A : i1
        %convert_element_type3A_51 = arith.extui %not3A_50 : i1 to i32
        %cond3A_52 = arith.constant 0 : i32
        %cond3A_53 = arith.cmpi ne, %convert_element_type3A_51, %cond3A_52 : i32
        scf.if %cond3A_53 {
          %run_scoped3A = arith.constant 0 : i32
          "tpu.region"() ({
            %run_scoped3A_81 = tpu.sem_alloc : memref<!tpu.dma_semaphore, #tpu.memory_space<semaphore_mem>>
            %dma_start3A_82 = tpu.memref_slice %arg2[%run_scoped3A, %add3A_45] : memref<2x160000xi32, #tpu.memory_space<hbm>> -> memref<1x5120xi32, #tpu.memory_space<hbm>>
            %dma_start3A_83 = tpu.memref_squeeze %dma_start3A_82 : memref<1x5120xi32, #tpu.memory_space<hbm>> -> memref<5120xi32, #tpu.memory_space<hbm>>
            %dma_start3A_84 = tpu.memref_slice %arg2[%run_scoped3A, %add3A_45] : memref<2x160000xi32, #tpu.memory_space<hbm>> -> memref<1x5120xi32, #tpu.memory_space<hbm>>
            %dma_start3A_85 = tpu.memref_squeeze %dma_start3A_84 : memref<1x5120xi32, #tpu.memory_space<hbm>> -> memref<5120xi32, #tpu.memory_space<hbm>>
            tpu.enqueue_dma source(%dma_start3A_85 : memref<5120xi32, #tpu.memory_space<hbm>>) target(%arg7 : memref<5120xi32, #tpu.memory_space<vmem>>) target_semaphore(%run_scoped3A_81 : memref<!tpu.dma_semaphore, #tpu.memory_space<semaphore_mem>>)
            %dma_wait3A_86 = tpu.memref_slice %arg2[%run_scoped3A, %add3A_45] : memref<2x160000xi32, #tpu.memory_space<hbm>> -> memref<1x5120xi32, #tpu.memory_space<hbm>>
            %dma_wait3A_87 = tpu.memref_squeeze %dma_wait3A_86 : memref<1x5120xi32, #tpu.memory_space<hbm>> -> memref<5120xi32, #tpu.memory_space<hbm>>
            %dma_wait3A_88 = tpu.memref_slice %arg2[%run_scoped3A, %add3A_45] : memref<2x160000xi32, #tpu.memory_space<hbm>> -> memref<1x5120xi32, #tpu.memory_space<hbm>>
            %dma_wait3A_89 = tpu.memref_squeeze %dma_wait3A_88 : memref<1x5120xi32, #tpu.memory_space<hbm>> -> memref<5120xi32, #tpu.memory_space<hbm>>
            tpu.wait_dma2 semaphore(%run_scoped3A_81 : memref<!tpu.dma_semaphore, #tpu.memory_space<semaphore_mem>>) src(%dma_wait3A_89 : memref<5120xi32, #tpu.memory_space<hbm>>) dst(%arg7 : memref<5120xi32, #tpu.memory_space<vmem>>)
            tpu.yield
          }) : () -> ()
        } else {
        }
        %convert_element_type3A_54 = arith.extui %and3A : i1 to i32
        %cond3A_55 = arith.constant 0 : i32
        %cond3A_56 = arith.cmpi ne, %convert_element_type3A_54, %cond3A_55 : i32
        scf.if %cond3A_56 {
          %run_scoped3A = arith.constant 0 : i32
          "tpu.region"() ({
            %run_scoped3A_86 = tpu.sem_alloc : memref<!tpu.dma_semaphore, #tpu.memory_space<semaphore_mem>>
            %dma_start3A_87 = arith.constant 0 : i32
            %dma_start3A_88 = tpu.memref_slice %arg7[%dma_start3A_87] : memref<5120xi32, #tpu.memory_space<vmem>> -> memref<1280xi32, #tpu.memory_space<vmem>>
            %dma_start3A_89 = tpu.memref_slice %arg2[%run_scoped3A, %add3A_45] : memref<2x160000xi32, #tpu.memory_space<hbm>> -> memref<1x1280xi32, #tpu.memory_space<hbm>>
            %dma_start3A_90 = tpu.memref_squeeze %dma_start3A_89 : memref<1x1280xi32, #tpu.memory_space<hbm>> -> memref<1280xi32, #tpu.memory_space<hbm>>
            %dma_start3A_91 = arith.constant 0 : i32
            %dma_start3A_92 = tpu.memref_slice %arg7[%dma_start3A_91] : memref<5120xi32, #tpu.memory_space<vmem>> -> memref<1280xi32, #tpu.memory_space<vmem>>
            %dma_start3A_93 = tpu.memref_slice %arg2[%run_scoped3A, %add3A_45] : memref<2x160000xi32, #tpu.memory_space<hbm>> -> memref<1x1280xi32, #tpu.memory_space<hbm>>
            %dma_start3A_94 = tpu.memref_squeeze %dma_start3A_93 : memref<1x1280xi32, #tpu.memory_space<hbm>> -> memref<1280xi32, #tpu.memory_space<hbm>>
            tpu.enqueue_dma source(%dma_start3A_94 : memref<1280xi32, #tpu.memory_space<hbm>>) target(%dma_start3A_92 : memref<1280xi32, #tpu.memory_space<vmem>>) target_semaphore(%run_scoped3A_86 : memref<!tpu.dma_semaphore, #tpu.memory_space<semaphore_mem>>)
            %dma_wait3A_95 = arith.constant 0 : i32
            %dma_wait3A_96 = tpu.memref_slice %arg7[%dma_wait3A_95] : memref<5120xi32, #tpu.memory_space<vmem>> -> memref<1280xi32, #tpu.memory_space<vmem>>
            %dma_wait3A_97 = tpu.memref_slice %arg2[%run_scoped3A, %add3A_45] : memref<2x160000xi32, #tpu.memory_space<hbm>> -> memref<1x1280xi32, #tpu.memory_space<hbm>>
            %dma_wait3A_98 = tpu.memref_squeeze %dma_wait3A_97 : memref<1x1280xi32, #tpu.memory_space<hbm>> -> memref<1280xi32, #tpu.memory_space<hbm>>
            %dma_wait3A_99 = arith.constant 0 : i32
            %dma_wait3A_100 = tpu.memref_slice %arg7[%dma_wait3A_99] : memref<5120xi32, #tpu.memory_space<vmem>> -> memref<1280xi32, #tpu.memory_space<vmem>>
            %dma_wait3A_101 = tpu.memref_slice %arg2[%run_scoped3A, %add3A_45] : memref<2x160000xi32, #tpu.memory_space<hbm>> -> memref<1x1280xi32, #tpu.memory_space<hbm>>
            %dma_wait3A_102 = tpu.memref_squeeze %dma_wait3A_101 : memref<1x1280xi32, #tpu.memory_space<hbm>> -> memref<1280xi32, #tpu.memory_space<hbm>>
            tpu.wait_dma2 semaphore(%run_scoped3A_86 : memref<!tpu.dma_semaphore, #tpu.memory_space<semaphore_mem>>) src(%dma_wait3A_102 : memref<1280xi32, #tpu.memory_space<hbm>>) dst(%dma_wait3A_100 : memref<1280xi32, #tpu.memory_space<vmem>>)
            tpu.yield
          }) : () -> ()
          %iota3A = tpu.iota {dimensions = array<i32: 0>} : vector<16xi32>
          %scan3A_81 = arith.constant 0 : i32
          %scan3A_82 = arith.constant 240 : i32
          %scan3A_83 = arith.addi %scan3A_81, %scan3A_82 : i32
          %scan3A_84 = arith.constant 1 : i32
          scf.for %scan3A_86 = %scan3A_81 to %scan3A_83 step %scan3A_84  : i32 {
            %jit3A = arith.constant 8 : i32
            %eq3A_87 = arith.constant 0 : i32
            %eq3A_88 = arith.cmpi eq, %jit3A, %eq3A_87 : i32
            %jit3A_89 = arith.constant 1 : i32
            %select_n3A = arith.select %eq3A_88, %jit3A_89, %jit3A : i32
            %rem3A = arith.remsi %scan3A_86, %select_n3A : i32
            %ne3A = arith.constant 0 : i32
            %ne3A_90 = arith.cmpi ne, %rem3A, %ne3A : i32
            %lt3A = arith.constant 0 : i32
            %lt3A_91 = arith.cmpi slt, %rem3A, %lt3A : i32
            %lt3A_92 = arith.constant 0 : i32
            %lt3A_93 = arith.cmpi slt, %select_n3A, %lt3A_92 : i32
            %ne3A_94 = arith.xori %lt3A_91, %lt3A_93 : i1
            %and3A_95 = arith.andi %ne3A_94, %ne3A_90 : i1
            %add3A_96 = arith.addi %rem3A, %select_n3A : i32
            %select_n3A_97 = arith.select %and3A_95, %add3A_96, %rem3A : i32
            %mul3A_98 = arith.constant 16 : i32
            %mul3A_99 = arith.muli %select_n3A_97, %mul3A_98 : i32
            %add3A_100 = vector.broadcast %mul3A_99 : i32 to vector<16xi32>
            %add3A_101 = arith.addi %iota3A, %add3A_100 : vector<16xi32>
            %mul3A_102 = arith.constant 16 : i32
            %mul3A_103 = arith.muli %scan3A_86, %mul3A_102 : i32
            %add3A_104 = arith.constant 1280 : i32
            %add3A_105 = arith.addi %add3A_104, %mul3A_103 : i32
            %swap3A = arith.index_cast %add3A_105 : i32 to index
            %swap3A_106 = tpu.vector_load %arg7[%swap3A] {strides = array<i32>} : memref<5120xi32, #tpu.memory_space<vmem>>, vector<16xi32>,
            %swap3A_107 = vector.shape_cast %swap3A_106 : vector<16xi32> to vector<16xi32>
            %swap3A_108 = vector.shape_cast %add3A_101 : vector<16xi32> to vector<16xi32>
            tpu.vector_store %arg7[%swap3A], %swap3A_108 {strides = array<i32>} : memref<5120xi32, #tpu.memory_space<vmem>>, vector<16xi32>,
          }
          %scan3A_85 = arith.constant 240 : i32
        } else {
        }
        %mul3A_57 = arith.constant 40 : i32
        %mul3A_58 = arith.muli %scan3A_40, %mul3A_57 : i32
        "tpu.region"() ({
          %run_scoped3A = tpu.sem_alloc : memref<!tpu.dma_semaphore, #tpu.memory_space<semaphore_mem>>
          %dma_start3A_81 = arith.constant 0 : i32
          %dma_start3A_82 = tpu.memref_slice %arg3[%arg1, %mul3A_58, %dma_start3A_81] : memref<16x80x128xi32, #tpu.memory_space<hbm>> -> memref<1x40x128xi32, #tpu.memory_space<hbm>>
          %dma_start3A_83 = tpu.memref_squeeze %dma_start3A_82 : memref<1x40x128xi32, #tpu.memory_space<hbm>> -> memref<40x128xi32, #tpu.memory_space<hbm>>
          %dma_start3A_84 = arith.constant 0 : i32
          %dma_start3A_85 = tpu.memref_slice %arg3[%arg1, %mul3A_58, %dma_start3A_84] : memref<16x80x128xi32, #tpu.memory_space<hbm>> -> memref<1x40x128xi32, #tpu.memory_space<hbm>>
          %dma_start3A_86 = tpu.memref_squeeze %dma_start3A_85 : memref<1x40x128xi32, #tpu.memory_space<hbm>> -> memref<40x128xi32, #tpu.memory_space<hbm>>
          tpu.enqueue_dma source(%dma_start3A_86 : memref<40x128xi32, #tpu.memory_space<hbm>>) target(%arg8 : memref<40x128xi32, #tpu.memory_space<vmem>>) target_semaphore(%run_scoped3A : memref<!tpu.dma_semaphore, #tpu.memory_space<semaphore_mem>>)
          %dma_wait3A_87 = arith.constant 0 : i32
          %dma_wait3A_88 = tpu.memref_slice %arg3[%arg1, %mul3A_58, %dma_wait3A_87] : memref<16x80x128xi32, #tpu.memory_space<hbm>> -> memref<1x40x128xi32, #tpu.memory_space<hbm>>
          %dma_wait3A_89 = tpu.memref_squeeze %dma_wait3A_88 : memref<1x40x128xi32, #tpu.memory_space<hbm>> -> memref<40x128xi32, #tpu.memory_space<hbm>>
          %dma_wait3A_90 = arith.constant 0 : i32
          %dma_wait3A_91 = tpu.memref_slice %arg3[%arg1, %mul3A_58, %dma_wait3A_90] : memref<16x80x128xi32, #tpu.memory_space<hbm>> -> memref<1x40x128xi32, #tpu.memory_space<hbm>>
          %dma_wait3A_92 = tpu.memref_squeeze %dma_wait3A_91 : memref<1x40x128xi32, #tpu.memory_space<hbm>> -> memref<40x128xi32, #tpu.memory_space<hbm>>
          tpu.wait_dma2 semaphore(%run_scoped3A : memref<!tpu.dma_semaphore, #tpu.memory_space<semaphore_mem>>) src(%dma_wait3A_92 : memref<40x128xi32, #tpu.memory_space<hbm>>) dst(%arg8 : memref<40x128xi32, #tpu.memory_space<vmem>>)
          tpu.yield
        }) : () -> ()
        %dma_start3A = arith.constant 0 : i32
        %dma_start3A_59 = tpu.memref_slice %arg7[%dma_start3A] : memref<5120xi32, #tpu.memory_space<vmem>> -> memref<128xi32, #tpu.memory_space<vmem>>
        %dma_start3A_60 = arith.constant 0 : i32
        %dma_start3A_61 = arith.constant 0 : i32
        %dma_start3A_62 = tpu.memref_slice %arg5[%dma_start3A_60, %dma_start3A_61] : memref<10000x128xf32, #tpu.memory_space<hbm>> -> memref<10000x128xf32, #tpu.memory_space<hbm>>
        tpu.enqueue_indirect_dma source(%dma_start3A_62 : memref<10000x128xf32, #tpu.memory_space<hbm>>) target(%arg9 : memref<128x128xf32, #tpu.memory_space<vmem>>) offsets(%dma_start3A_59 : memref<128xi32, #tpu.memory_space<vmem>>) semaphore(%arg12 : memref<!tpu.dma_semaphore, #tpu.memory_space<semaphore_mem>>)
        %scan3A_63 = arith.constant 0 : i32
        %scan3A_64 = arith.constant 20 : i32
        %scan3A_65 = arith.addi %scan3A_63, %scan3A_64 : i32
        %scan3A_66 = arith.constant 1 : i32
        scf.for %scan3A_81 = %scan3A_63 to %scan3A_65 step %scan3A_66  : i32 {
          %mul3A_82 = arith.constant 2 : i32
          %mul3A_83 = arith.muli %mul3A_82, %scan3A_81 : i32
          %gt3A = arith.constant 0 : i32
          %gt3A_84 = arith.cmpi sgt, %mul3A_83, %gt3A : i32
          %convert_element_type3A_85 = arith.extui %gt3A_84 : i1 to i32
          %cond3A_86 = arith.constant 0 : i32
          %cond3A_87 = arith.cmpi ne, %convert_element_type3A_85, %cond3A_86 : i32
          scf.if %cond3A_87 {
            %sub3A = arith.constant 1 : i32
            %sub3A_130 = arith.subi %mul3A_83, %sub3A : i32
            %dma_wait3A_131 = arith.constant 0 : i32
            %dma_wait3A_132 = tpu.memref_slice %arg8[%sub3A_130, %dma_wait3A_131] : memref<40x128xi32, #tpu.memory_space<vmem>> -> memref<1x128xi32, #tpu.memory_space<vmem>>
            %dma_wait3A_133 = tpu.memref_squeeze %dma_wait3A_132 : memref<1x128xi32, #tpu.memory_space<vmem>> -> memref<128xi32, #tpu.memory_space<vmem>>
            %dma_wait3A_134 = arith.constant 0 : i32
            %dma_wait3A_135 = arith.constant 0 : i32
            %dma_wait3A_136 = tpu.memref_slice %arg11[%dma_wait3A_134, %dma_wait3A_135] : memref<10240x128xf32, #tpu.memory_space<vmem_shared>> -> memref<10240x128xf32, #tpu.memory_space<vmem_shared>>
            tpu.wait_indirect_dma semaphore(%arg15 : memref<!tpu.dma_semaphore, #tpu.memory_space<semaphore_mem>>) src(%arg10 : memref<128x128xf32, #tpu.memory_space<vmem>>) dst(%dma_wait3A_136 : memref<10240x128xf32, #tpu.memory_space<vmem_shared>>)
          } else {
          }
          %add3A_88 = arith.constant 1 : i32
          %add3A_89 = arith.addi %mul3A_83, %add3A_88 : i32
          %mul3A_90 = arith.constant 128 : i32
          %mul3A_91 = arith.muli %add3A_89, %mul3A_90 : i32
          %dma_start3A_92 = tpu.memref_slice %arg7[%mul3A_91] : memref<5120xi32, #tpu.memory_space<vmem>> -> memref<128xi32, #tpu.memory_space<vmem>>
          %dma_start3A_93 = arith.constant 0 : i32
          %dma_start3A_94 = arith.constant 0 : i32
          %dma_start3A_95 = tpu.memref_slice %arg5[%dma_start3A_93, %dma_start3A_94] : memref<10000x128xf32, #tpu.memory_space<hbm>> -> memref<10000x128xf32, #tpu.memory_space<hbm>>
          tpu.enqueue_indirect_dma source(%dma_start3A_95 : memref<10000x128xf32, #tpu.memory_space<hbm>>) target(%arg10 : memref<128x128xf32, #tpu.memory_space<vmem>>) offsets(%dma_start3A_92 : memref<128xi32, #tpu.memory_space<vmem>>) semaphore(%arg13 : memref<!tpu.dma_semaphore, #tpu.memory_space<semaphore_mem>>)
          %mul3A_96 = arith.constant 128 : i32
          %mul3A_97 = arith.muli %mul3A_83, %mul3A_96 : i32
          %dma_wait3A_98 = tpu.memref_slice %arg7[%mul3A_97] : memref<5120xi32, #tpu.memory_space<vmem>> -> memref<128xi32, #tpu.memory_space<vmem>>
          %dma_wait3A_99 = arith.constant 0 : i32
          %dma_wait3A_100 = arith.constant 0 : i32
          %dma_wait3A_101 = tpu.memref_slice %arg5[%dma_wait3A_99, %dma_wait3A_100] : memref<10000x128xf32, #tpu.memory_space<hbm>> -> memref<10000x128xf32, #tpu.memory_space<hbm>>
          tpu.wait_indirect_dma semaphore(%arg12 : memref<!tpu.dma_semaphore, #tpu.memory_space<semaphore_mem>>) src(%dma_wait3A_101 : memref<10000x128xf32, #tpu.memory_space<hbm>>) dst(%arg9 : memref<128x128xf32, #tpu.memory_space<vmem>>)
          %dma_start3A_102 = arith.constant 0 : i32
          %dma_start3A_103 = tpu.memref_slice %arg8[%mul3A_83, %dma_start3A_102] : memref<40x128xi32, #tpu.memory_space<vmem>> -> memref<1x128xi32, #tpu.memory_space<vmem>>
          %dma_start3A_104 = tpu.memref_squeeze %dma_start3A_103 : memref<1x128xi32, #tpu.memory_space<vmem>> -> memref<128xi32, #tpu.memory_space<vmem>>
          %dma_start3A_105 = arith.constant 0 : i32
          %dma_start3A_106 = arith.constant 0 : i32
          %dma_start3A_107 = tpu.memref_slice %arg11[%dma_start3A_105, %dma_start3A_106] : memref<10240x128xf32, #tpu.memory_space<vmem_shared>> -> memref<10240x128xf32, #tpu.memory_space<vmem_shared>>
          tpu.enqueue_indirect_dma source(%arg9 : memref<128x128xf32, #tpu.memory_space<vmem>>) target(%dma_start3A_107 : memref<10240x128xf32, #tpu.memory_space<vmem_shared>>) offsets(%dma_start3A_104 : memref<128xi32, #tpu.memory_space<vmem>>) semaphore(%arg14 : memref<!tpu.dma_semaphore, #tpu.memory_space<semaphore_mem>>) {add = true}
          %add3A_108 = arith.constant 2 : i32
          %add3A_109 = arith.addi %mul3A_83, %add3A_108 : i32
          %lt3A = arith.constant 40 : i32
          %lt3A_110 = arith.cmpi slt, %add3A_109, %lt3A : i32
          %convert_element_type3A_111 = arith.extui %lt3A_110 : i1 to i32
          %cond3A_112 = arith.constant 0 : i32
          %cond3A_113 = arith.cmpi ne, %convert_element_type3A_111, %cond3A_112 : i32
          scf.if %cond3A_113 {
            %dma_wait3A_130 = arith.constant 0 : i32
            %dma_wait3A_131 = tpu.memref_slice %arg8[%mul3A_83, %dma_wait3A_130] : memref<40x128xi32, #tpu.memory_space<vmem>> -> memref<1x128xi32, #tpu.memory_space<vmem>>
            %dma_wait3A_132 = tpu.memref_squeeze %dma_wait3A_131 : memref<1x128xi32, #tpu.memory_space<vmem>> -> memref<128xi32, #tpu.memory_space<vmem>>
            %dma_wait3A_133 = arith.constant 0 : i32
            %dma_wait3A_134 = arith.constant 0 : i32
            %dma_wait3A_135 = tpu.memref_slice %arg11[%dma_wait3A_133, %dma_wait3A_134] : memref<10240x128xf32, #tpu.memory_space<vmem_shared>> -> memref<10240x128xf32, #tpu.memory_space<vmem_shared>>
            tpu.wait_indirect_dma semaphore(%arg14 : memref<!tpu.dma_semaphore, #tpu.memory_space<semaphore_mem>>) src(%arg9 : memref<128x128xf32, #tpu.memory_space<vmem>>) dst(%dma_wait3A_135 : memref<10240x128xf32, #tpu.memory_space<vmem_shared>>)
            %add3A_136 = arith.constant 2 : i32
            %add3A_137 = arith.addi %mul3A_83, %add3A_136 : i32
            %mul3A_138 = arith.constant 128 : i32
            %mul3A_139 = arith.muli %add3A_137, %mul3A_138 : i32
            %dma_start3A_140 = tpu.memref_slice %arg7[%mul3A_139] : memref<5120xi32, #tpu.memory_space<vmem>> -> memref<128xi32, #tpu.memory_space<vmem>>
            %dma_start3A_141 = arith.constant 0 : i32
            %dma_start3A_142 = arith.constant 0 : i32
            %dma_start3A_143 = tpu.memref_slice %arg5[%dma_start3A_141, %dma_start3A_142] : memref<10000x128xf32, #tpu.memory_space<hbm>> -> memref<10000x128xf32, #tpu.memory_space<hbm>>
            tpu.enqueue_indirect_dma source(%dma_start3A_143 : memref<10000x128xf32, #tpu.memory_space<hbm>>) target(%arg9 : memref<128x128xf32, #tpu.memory_space<vmem>>) offsets(%dma_start3A_140 : memref<128xi32, #tpu.memory_space<vmem>>) semaphore(%arg12 : memref<!tpu.dma_semaphore, #tpu.memory_space<semaphore_mem>>)
          } else {
          }
          %add3A_114 = arith.constant 1 : i32
          %add3A_115 = arith.addi %mul3A_83, %add3A_114 : i32
          %mul3A_116 = arith.constant 128 : i32
          %mul3A_117 = arith.muli %add3A_115, %mul3A_116 : i32
          %dma_wait3A_118 = tpu.memref_slice %arg7[%mul3A_117] : memref<5120xi32, #tpu.memory_space<vmem>> -> memref<128xi32, #tpu.memory_space<vmem>>
          %dma_wait3A_119 = arith.constant 0 : i32
          %dma_wait3A_120 = arith.constant 0 : i32
          %dma_wait3A_121 = tpu.memref_slice %arg5[%dma_wait3A_119, %dma_wait3A_120] : memref<10000x128xf32, #tpu.memory_space<hbm>> -> memref<10000x128xf32, #tpu.memory_space<hbm>>
          tpu.wait_indirect_dma semaphore(%arg13 : memref<!tpu.dma_semaphore, #tpu.memory_space<semaphore_mem>>) src(%dma_wait3A_121 : memref<10000x128xf32, #tpu.memory_space<hbm>>) dst(%arg10 : memref<128x128xf32, #tpu.memory_space<vmem>>)
          %add3A_122 = arith.constant 1 : i32
          %add3A_123 = arith.addi %mul3A_83, %add3A_122 : i32
          %dma_start3A_124 = arith.constant 0 : i32
          %dma_start3A_125 = tpu.memref_slice %arg8[%add3A_123, %dma_start3A_124] : memref<40x128xi32, #tpu.memory_space<vmem>> -> memref<1x128xi32, #tpu.memory_space<vmem>>
          %dma_start3A_126 = tpu.memref_squeeze %dma_start3A_125 : memref<1x128xi32, #tpu.memory_space<vmem>> -> memref<128xi32, #tpu.memory_space<vmem>>
          %dma_start3A_127 = arith.constant 0 : i32
          %dma_start3A_128 = arith.constant 0 : i32
          %dma_start3A_129 = tpu.memref_slice %arg11[%dma_start3A_127, %dma_start3A_128] : memref<10240x128xf32, #tpu.memory_space<vmem_shared>> -> memref<10240x128xf32, #tpu.memory_space<vmem_shared>>
          tpu.enqueue_indirect_dma source(%arg10 : memref<128x128xf32, #tpu.memory_space<vmem>>) target(%dma_start3A_129 : memref<10240x128xf32, #tpu.memory_space<vmem_shared>>) offsets(%dma_start3A_126 : memref<128xi32, #tpu.memory_space<vmem>>) semaphore(%arg15 : memref<!tpu.dma_semaphore, #tpu.memory_space<semaphore_mem>>) {add = true}
        }
        %scan3A_67 = arith.constant 20 : i32
        %dma_wait3A = arith.constant 38 : i32
        %dma_wait3A_68 = arith.constant 0 : i32
        %dma_wait3A_69 = tpu.memref_slice %arg8[%dma_wait3A, %dma_wait3A_68] : memref<40x128xi32, #tpu.memory_space<vmem>> -> memref<1x128xi32, #tpu.memory_space<vmem>>
        %dma_wait3A_70 = tpu.memref_squeeze %dma_wait3A_69 : memref<1x128xi32, #tpu.memory_space<vmem>> -> memref<128xi32, #tpu.memory_space<vmem>>
        %dma_wait3A_71 = arith.constant 0 : i32
        %dma_wait3A_72 = arith.constant 0 : i32
        %dma_wait3A_73 = tpu.memref_slice %arg11[%dma_wait3A_71, %dma_wait3A_72] : memref<10240x128xf32, #tpu.memory_space<vmem_shared>> -> memref<10240x128xf32, #tpu.memory_space<vmem_shared>>
        tpu.wait_indirect_dma semaphore(%arg14 : memref<!tpu.dma_semaphore, #tpu.memory_space<semaphore_mem>>) src(%arg9 : memref<128x128xf32, #tpu.memory_space<vmem>>) dst(%dma_wait3A_73 : memref<10240x128xf32, #tpu.memory_space<vmem_shared>>)
        %dma_wait3A_74 = arith.constant 39 : i32
        %dma_wait3A_75 = arith.constant 0 : i32
        %dma_wait3A_76 = tpu.memref_slice %arg8[%dma_wait3A_74, %dma_wait3A_75] : memref<40x128xi32, #tpu.memory_space<vmem>> -> memref<1x128xi32, #tpu.memory_space<vmem>>
        %dma_wait3A_77 = tpu.memref_squeeze %dma_wait3A_76 : memref<1x128xi32, #tpu.memory_space<vmem>> -> memref<128xi32, #tpu.memory_space<vmem>>
        %dma_wait3A_78 = arith.constant 0 : i32
        %dma_wait3A_79 = arith.constant 0 : i32
        %dma_wait3A_80 = tpu.memref_slice %arg11[%dma_wait3A_78, %dma_wait3A_79] : memref<10240x128xf32, #tpu.memory_space<vmem_shared>> -> memref<10240x128xf32, #tpu.memory_space<vmem_shared>>
        tpu.wait_indirect_dma semaphore(%arg15 : memref<!tpu.dma_semaphore, #tpu.memory_space<semaphore_mem>>) src(%arg10 : memref<128x128xf32, #tpu.memory_space<vmem>>) dst(%dma_wait3A_80 : memref<10240x128xf32, #tpu.memory_space<vmem_shared>>)
      }
      %scan3A_39 = arith.constant 2 : i32
    } else {
    }
    %barrier3A_30 = arith.constant 0 : index
    tpu.barrier barrier_id(%barrier3A_30)
    %mul3A_31 = arith.constant 640 : i32
    %mul3A_32 = arith.muli %arg1, %mul3A_31 : i32
    %mul3A_33 = arith.constant 640 : i32
    %mul3A_34 = arith.muli %arg1, %mul3A_33 : i32
    "tpu.region"() ({
      %run_scoped3A = tpu.sem_alloc : memref<!tpu.dma_semaphore, #tpu.memory_space<semaphore_mem>>
      %dma_start3A = arith.constant 0 : i32
      %dma_start3A_35 = tpu.memref_slice %arg6[%arg0, %mul3A_34, %dma_start3A] : memref<2x10240x128xf32, #tpu.memory_space<hbm>> -> memref<1x640x128xf32, #tpu.memory_space<hbm>>
      %dma_start3A_36 = tpu.memref_squeeze %dma_start3A_35 : memref<1x640x128xf32, #tpu.memory_space<hbm>> -> memref<640x128xf32, #tpu.memory_space<hbm>>
      %dma_start3A_37 = arith.constant 0 : i32
      %dma_start3A_38 = tpu.memref_slice %arg11[%mul3A_32, %dma_start3A_37] : memref<10240x128xf32, #tpu.memory_space<vmem_shared>> -> memref<640x128xf32, #tpu.memory_space<vmem_shared>>
      tpu.enqueue_dma source(%dma_start3A_38 : memref<640x128xf32, #tpu.memory_space<vmem_shared>>) target(%dma_start3A_36 : memref<640x128xf32, #tpu.memory_space<hbm>>) target_semaphore(%run_scoped3A : memref<!tpu.dma_semaphore, #tpu.memory_space<semaphore_mem>>)
      %dma_wait3A = arith.constant 0 : i32
      %dma_wait3A_39 = tpu.memref_slice %arg6[%arg0, %mul3A_34, %dma_wait3A] : memref<2x10240x128xf32, #tpu.memory_space<hbm>> -> memref<1x640x128xf32, #tpu.memory_space<hbm>>
      %dma_wait3A_40 = tpu.memref_squeeze %dma_wait3A_39 : memref<1x640x128xf32, #tpu.memory_space<hbm>> -> memref<640x128xf32, #tpu.memory_space<hbm>>
      %dma_wait3A_41 = arith.constant 0 : i32
      %dma_wait3A_42 = tpu.memref_slice %arg11[%mul3A_32, %dma_wait3A_41] : memref<10240x128xf32, #tpu.memory_space<vmem_shared>> -> memref<640x128xf32, #tpu.memory_space<vmem_shared>>
      tpu.wait_dma2 semaphore(%run_scoped3A : memref<!tpu.dma_semaphore, #tpu.memory_space<semaphore_mem>>) src(%dma_wait3A_42 : memref<640x128xf32, #tpu.memory_space<vmem_shared>>) dst(%dma_wait3A_40 : memref<640x128xf32, #tpu.memory_space<hbm>>)
      tpu.yield
    }) : () -> ()
    return
  }
}

module attributes {stable_mosaic.version = 14 : i64} {
  func.func @_preB_body(%arg0: i32, %arg1: memref<1000x256xf32, #tpu.memory_space<vmem>>, %arg2: memref<256x256xf32, #tpu.memory_space<vmem>>, %arg3: memref<1000x128xf32, #tpu.memory_space<vmem>>, %arg4: memref<1000x128xf32, #tpu.memory_space<vmem>>) attributes {dimension_semantics = [#tpu.dimension_semantics<arbitrary>], iteration_bounds = array<i64: 10>, scalar_prefetch = 0 : i64, scratch_operands = 0 : i64, tpu.core_type = #tpu.core_type<tc>, window_params = [{transform_indices = @transform_0, window_bounds = array<i64: 1000, 256>}, {pipeline_mode = #tpu.pipeline_mode<synchronous>, transform_indices = @transform_1, window_bounds = array<i64: 256, 256>}, {transform_indices = @transform_2, window_bounds = array<i64: 1000, 128>}, {transform_indices = @transform_3, window_bounds = array<i64: 1000, 128>}]} {
    %get3A = arith.constant 0 : index
    %get3A_0 = arith.constant 0 : index
    %get3A_1 = vector.load %arg1[%get3A, %get3A_0] : memref<1000x256xf32, #tpu.memory_space<vmem>>, vector<1000x256xf32>
    %get3A_2 = arith.constant 0 : index
    %get3A_3 = arith.constant 0 : index
    %get3A_4 = vector.load %arg2[%get3A_2, %get3A_3] : memref<256x256xf32, #tpu.memory_space<vmem>>, vector<256x256xf32>
    %dot_general3A = arith.constant dense<0.000000e+00> : vector<1000x256xf32>
    %dot_general3A_5 = tpu.matmul %get3A_1, %get3A_4, %dot_general3A {dimension_numbers = #tpu.dot_dimension_numbers<[1], [0], [0], [1], [0, 0, 1, 1], [], []>, transpose_lhs_hint = false} : vector<1000x256xf32>, vector<256x256xf32>, vector<1000x256xf32> -> vector<1000x256xf32>
    %slice3A = vector.extract_strided_slice %dot_general3A_5 {offsets = [0, 0], sizes = [1000, 128], strides = [1, 1]} : vector<1000x256xf32> to vector<1000x128xf32>
    %swap3A = arith.constant 0 : index
    %swap3A_6 = arith.constant 0 : index
    %swap3A_7 = vector.load %arg3[%swap3A, %swap3A_6] : memref<1000x128xf32, #tpu.memory_space<vmem>>, vector<1000x128xf32>
    tpu.vector_store %arg3[%swap3A, %swap3A_6], %slice3A {strides = array<i32>} : memref<1000x128xf32, #tpu.memory_space<vmem>>, vector<1000x128xf32>,
    %slice3A_8 = vector.extract_strided_slice %dot_general3A_5 {offsets = [0, 128], sizes = [1000, 128], strides = [1, 1]} : vector<1000x256xf32> to vector<1000x128xf32>
    %swap3A_9 = arith.constant 0 : index
    %swap3A_10 = arith.constant 0 : index
    %swap3A_11 = vector.load %arg4[%swap3A_9, %swap3A_10] : memref<1000x128xf32, #tpu.memory_space<vmem>>, vector<1000x128xf32>
    tpu.vector_store %arg4[%swap3A_9, %swap3A_10], %slice3A_8 {strides = array<i32>} : memref<1000x128xf32, #tpu.memory_space<vmem>>, vector<1000x128xf32>,
    return
  }
  func.func @transform_0(%arg0: i32) -> (i32, i32) {
    %c0_i32 = arith.constant 0 : i32
    %c0_i32_0 = arith.constant 0 : i32
    return %arg0, %c0_i32 : i32, i32
  }
  func.func @transform_1(%arg0: i32) -> (i32, i32) {
    %c0_i32 = arith.constant 0 : i32
    %c0_i32_0 = arith.constant 0 : i32
    %c0_i32_1 = arith.constant 0 : i32
    return %c0_i32, %c0_i32_0 : i32, i32
  }
  func.func @transform_2(%arg0: i32) -> (i32, i32) {
    %c0_i32 = arith.constant 0 : i32
    %c0_i32_0 = arith.constant 0 : i32
    return %arg0, %c0_i32 : i32, i32
  }
  func.func @transform_3(%arg0: i32) -> (i32, i32) {
    %c0_i32 = arith.constant 0 : i32
    %c0_i32_0 = arith.constant 0 : i32
    return %arg0, %c0_i32 : i32, i32
  }
}

module attributes {stable_mosaic.version = 14 : i64} {
  func.func @_preA_body(%arg0: i32, %arg1: memref<1000x256xf32, #tpu.memory_space<vmem>>, %arg2: memref<256x256xf32, #tpu.memory_space<vmem>>, %arg3: memref<1x256xf32, #tpu.memory_space<vmem>>, %arg4: memref<1000x256xf32, #tpu.memory_space<vmem>>) attributes {dimension_semantics = [#tpu.dimension_semantics<arbitrary>], iteration_bounds = array<i64: 10>, scalar_prefetch = 0 : i64, scratch_operands = 0 : i64, tpu.core_type = #tpu.core_type<tc>, window_params = [{transform_indices = @transform_0, window_bounds = array<i64: 1000, 256>}, {pipeline_mode = #tpu.pipeline_mode<synchronous>, transform_indices = @transform_1, window_bounds = array<i64: 256, 256>}, {pipeline_mode = #tpu.pipeline_mode<synchronous>, transform_indices = @transform_2, window_bounds = array<i64: 1, 256>}, {transform_indices = @transform_3, window_bounds = array<i64: 1000, 256>}]} {
    %get3A = arith.constant 0 : index
    %get3A_0 = arith.constant 0 : index
    %get3A_1 = vector.load %arg1[%get3A, %get3A_0] : memref<1000x256xf32, #tpu.memory_space<vmem>>, vector<1000x256xf32>
    %get3A_2 = arith.constant 0 : index
    %get3A_3 = arith.constant 0 : index
    %get3A_4 = vector.load %arg2[%get3A_2, %get3A_3] : memref<256x256xf32, #tpu.memory_space<vmem>>, vector<256x256xf32>
    %dot_general3A = arith.constant dense<0.000000e+00> : vector<1000x256xf32>
    %dot_general3A_5 = tpu.matmul %get3A_1, %get3A_4, %dot_general3A {dimension_numbers = #tpu.dot_dimension_numbers<[1], [0], [0], [1], [0, 0, 1, 1], [], []>, transpose_lhs_hint = false} : vector<1000x256xf32>, vector<256x256xf32>, vector<1000x256xf32> -> vector<1000x256xf32>
    %get3A_6 = arith.constant 0 : index
    %get3A_7 = arith.constant 0 : index
    %get3A_8 = vector.load %arg3[%get3A_6, %get3A_7] : memref<1x256xf32, #tpu.memory_space<vmem>>, vector<1x256xf32>
    %add3A = vector.broadcast %get3A_8 : vector<1x256xf32> to vector<1000x256xf32>
    %add3A_9 = arith.addf %dot_general3A_5, %add3A : vector<1000x256xf32>
    %swap3A = arith.constant 0 : index
    %swap3A_10 = arith.constant 0 : index
    %swap3A_11 = vector.load %arg4[%swap3A, %swap3A_10] : memref<1000x256xf32, #tpu.memory_space<vmem>>, vector<1000x256xf32>
    tpu.vector_store %arg4[%swap3A, %swap3A_10], %add3A_9 {strides = array<i32>} : memref<1000x256xf32, #tpu.memory_space<vmem>>, vector<1000x256xf32>,
    return
  }
  func.func @transform_0(%arg0: i32) -> (i32, i32) {
    %c0_i32 = arith.constant 0 : i32
    %c0_i32_0 = arith.constant 0 : i32
    return %arg0, %c0_i32 : i32, i32
  }
  func.func @transform_1(%arg0: i32) -> (i32, i32) {
    %c0_i32 = arith.constant 0 : i32
    %c0_i32_0 = arith.constant 0 : i32
    %c0_i32_1 = arith.constant 0 : i32
    return %c0_i32, %c0_i32_0 : i32, i32
  }
  func.func @transform_2(%arg0: i32) -> (i32, i32) {
    %c0_i32 = arith.constant 0 : i32
    %c0_i32_0 = arith.constant 0 : i32
    %c0_i32_1 = arith.constant 0 : i32
    return %c0_i32, %c0_i32_0 : i32, i32
  }
  func.func @transform_3(%arg0: i32) -> (i32, i32) {
    %c0_i32 = arith.constant 0 : i32
    %c0_i32_0 = arith.constant 0 : i32
    return %arg0, %c0_i32 : i32, i32
  }
}

module attributes {stable_mosaic.version = 14 : i64} {
  func.func @_midA_body(%arg0: i32, %arg1: memref<1000x256xf32, #tpu.memory_space<vmem>>, %arg2: memref<2x1000x128xf32, #tpu.memory_space<vmem>>, %arg3: memref<1000x1xf32, #tpu.memory_space<vmem>>, %arg4: memref<256x256xf32, #tpu.memory_space<vmem>>, %arg5: memref<1x256xf32, #tpu.memory_space<vmem>>, %arg6: memref<1000x256xf32, #tpu.memory_space<vmem>>) attributes {dimension_semantics = [#tpu.dimension_semantics<arbitrary>], iteration_bounds = array<i64: 10>, scalar_prefetch = 0 : i64, scratch_operands = 0 : i64, tpu.core_type = #tpu.core_type<tc>, window_params = [{transform_indices = @transform_0, window_bounds = array<i64: 1000, 256>}, {transform_indices = @transform_1, window_bounds = array<i64: 2, 1000, 128>}, {transform_indices = @transform_2, window_bounds = array<i64: 1000, 1>}, {pipeline_mode = #tpu.pipeline_mode<synchronous>, transform_indices = @transform_3, window_bounds = array<i64: 256, 256>}, {pipeline_mode = #tpu.pipeline_mode<synchronous>, transform_indices = @transform_4, window_bounds = array<i64: 1, 256>}, {transform_indices = @transform_5, window_bounds = array<i64: 1000, 256>}]} {
    %get3A = arith.constant 0 : index
    %get3A_0 = arith.constant 0 : index
    %get3A_1 = vector.load %arg3[%get3A, %get3A_0] : memref<1000x1xf32, #tpu.memory_space<vmem>>, vector<1000x1xf32>
    %max3A = arith.constant 1.000000e+00 : f32
    %max3A_2 = vector.broadcast %max3A : f32 to vector<1000x1xf32>
    %max3A_3 = arith.maximumf %get3A_1, %max3A_2 : vector<1000x1xf32>
    %div3A = arith.constant 1.000000e+00 : f32
    %div3A_4 = vector.broadcast %div3A : f32 to vector<1000x1xf32>
    %div3A_5 = arith.divf %div3A_4, %max3A_3 : vector<1000x1xf32>
    %get3A_6 = arith.constant 0 : index
    %get3A_7 = arith.constant 0 : index
    %get3A_8 = arith.constant 0 : index
    %get3A_9 = vector.load %arg2[%get3A_6, %get3A_7, %get3A_8] : memref<2x1000x128xf32, #tpu.memory_space<vmem>>, vector<1x1000x128xf32>
    %get3A_10 = vector.shape_cast %get3A_9 : vector<1x1000x128xf32> to vector<1000x128xf32>
    %get3A_11 = arith.constant 1 : index
    %get3A_12 = arith.constant 0 : index
    %get3A_13 = arith.constant 0 : index
    %get3A_14 = vector.load %arg2[%get3A_11, %get3A_12, %get3A_13] : memref<2x1000x128xf32, #tpu.memory_space<vmem>>, vector<1x1000x128xf32>
    %get3A_15 = vector.shape_cast %get3A_14 : vector<1x1000x128xf32> to vector<1000x128xf32>
    %concatenate3A = tpu.concatenate %get3A_10, %get3A_15 in 1 : vector<1000x128xf32>, vector<1000x128xf32> -> vector<1000x256xf32>
    %mul3A = vector.broadcast %div3A_5 : vector<1000x1xf32> to vector<1000x256xf32>
    %mul3A_16 = arith.mulf %concatenate3A, %mul3A : vector<1000x256xf32>
    %get3A_17 = arith.constant 0 : index
    %get3A_18 = arith.constant 0 : index
    %get3A_19 = vector.load %arg1[%get3A_17, %get3A_18] : memref<1000x256xf32, #tpu.memory_space<vmem>>, vector<1000x256xf32>
    %add3A = arith.addf %get3A_19, %mul3A_16 : vector<1000x256xf32>
    %max3A_20 = arith.constant 0.000000e+00 : f32
    %max3A_21 = vector.broadcast %max3A_20 : f32 to vector<1000x256xf32>
    %max3A_22 = arith.maximumf %add3A, %max3A_21 : vector<1000x256xf32>
    %get3A_23 = arith.constant 0 : index
    %get3A_24 = arith.constant 0 : index
    %get3A_25 = vector.load %arg4[%get3A_23, %get3A_24] : memref<256x256xf32, #tpu.memory_space<vmem>>, vector<256x256xf32>
    %dot_general3A = arith.constant dense<0.000000e+00> : vector<1000x256xf32>
    %dot_general3A_26 = tpu.matmul %max3A_22, %get3A_25, %dot_general3A {dimension_numbers = #tpu.dot_dimension_numbers<[1], [0], [0], [1], [0, 0, 1, 1], [], []>, transpose_lhs_hint = false} : vector<1000x256xf32>, vector<256x256xf32>, vector<1000x256xf32> -> vector<1000x256xf32>
    %get3A_27 = arith.constant 0 : index
    %get3A_28 = arith.constant 0 : index
    %get3A_29 = vector.load %arg5[%get3A_27, %get3A_28] : memref<1x256xf32, #tpu.memory_space<vmem>>, vector<1x256xf32>
    %add3A_30 = vector.broadcast %get3A_29 : vector<1x256xf32> to vector<1000x256xf32>
    %add3A_31 = arith.addf %dot_general3A_26, %add3A_30 : vector<1000x256xf32>
    %swap3A = arith.constant 0 : index
    %swap3A_32 = arith.constant 0 : index
    %swap3A_33 = vector.load %arg6[%swap3A, %swap3A_32] : memref<1000x256xf32, #tpu.memory_space<vmem>>, vector<1000x256xf32>
    tpu.vector_store %arg6[%swap3A, %swap3A_32], %add3A_31 {strides = array<i32>} : memref<1000x256xf32, #tpu.memory_space<vmem>>, vector<1000x256xf32>,
    return
  }
  func.func @transform_0(%arg0: i32) -> (i32, i32) {
    %c0_i32 = arith.constant 0 : i32
    %c0_i32_0 = arith.constant 0 : i32
    return %arg0, %c0_i32 : i32, i32
  }
  func.func @transform_1(%arg0: i32) -> (i32, i32, i32) {
    %c0_i32 = arith.constant 0 : i32
    %c0_i32_0 = arith.constant 0 : i32
    %c0_i32_1 = arith.constant 0 : i32
    return %c0_i32, %arg0, %c0_i32_0 : i32, i32, i32
  }
  func.func @transform_2(%arg0: i32) -> (i32, i32) {
    %c0_i32 = arith.constant 0 : i32
    %c0_i32_0 = arith.constant 0 : i32
    return %arg0, %c0_i32 : i32, i32
  }
  func.func @transform_3(%arg0: i32) -> (i32, i32) {
    %c0_i32 = arith.constant 0 : i32
    %c0_i32_0 = arith.constant 0 : i32
    %c0_i32_1 = arith.constant 0 : i32
    return %c0_i32, %c0_i32_0 : i32, i32
  }
  func.func @transform_4(%arg0: i32) -> (i32, i32) {
    %c0_i32 = arith.constant 0 : i32
    %c0_i32_0 = arith.constant 0 : i32
    %c0_i32_1 = arith.constant 0 : i32
    return %c0_i32, %c0_i32_0 : i32, i32
  }
  func.func @transform_5(%arg0: i32) -> (i32, i32) {
    %c0_i32 = arith.constant 0 : i32
    %c0_i32_0 = arith.constant 0 : i32
    return %arg0, %c0_i32 : i32, i32
  }
}

module attributes {stable_mosaic.version = 14 : i64} {
  func.func @_post_body(%arg0: i32, %arg1: memref<1000x256xf32, #tpu.memory_space<vmem>>, %arg2: memref<2x1000x128xf32, #tpu.memory_space<vmem>>, %arg3: memref<1000x1xf32, #tpu.memory_space<vmem>>, %arg4: memref<1000x256xf32, #tpu.memory_space<vmem>>) attributes {dimension_semantics = [#tpu.dimension_semantics<arbitrary>], iteration_bounds = array<i64: 10>, scalar_prefetch = 0 : i64, scratch_operands = 0 : i64, tpu.core_type = #tpu.core_type<tc>, window_params = [{transform_indices = @transform_0, window_bounds = array<i64: 1000, 256>}, {transform_indices = @transform_1, window_bounds = array<i64: 2, 1000, 128>}, {transform_indices = @transform_2, window_bounds = array<i64: 1000, 1>}, {transform_indices = @transform_3, window_bounds = array<i64: 1000, 256>}]} {
    %get3A = arith.constant 0 : index
    %get3A_0 = arith.constant 0 : index
    %get3A_1 = vector.load %arg3[%get3A, %get3A_0] : memref<1000x1xf32, #tpu.memory_space<vmem>>, vector<1000x1xf32>
    %max3A = arith.constant 1.000000e+00 : f32
    %max3A_2 = vector.broadcast %max3A : f32 to vector<1000x1xf32>
    %max3A_3 = arith.maximumf %get3A_1, %max3A_2 : vector<1000x1xf32>
    %div3A = arith.constant 1.000000e+00 : f32
    %div3A_4 = vector.broadcast %div3A : f32 to vector<1000x1xf32>
    %div3A_5 = arith.divf %div3A_4, %max3A_3 : vector<1000x1xf32>
    %get3A_6 = arith.constant 0 : index
    %get3A_7 = arith.constant 0 : index
    %get3A_8 = arith.constant 0 : index
    %get3A_9 = vector.load %arg2[%get3A_6, %get3A_7, %get3A_8] : memref<2x1000x128xf32, #tpu.memory_space<vmem>>, vector<1x1000x128xf32>
    %get3A_10 = vector.shape_cast %get3A_9 : vector<1x1000x128xf32> to vector<1000x128xf32>
    %get3A_11 = arith.constant 1 : index
    %get3A_12 = arith.constant 0 : index
    %get3A_13 = arith.constant 0 : index
    %get3A_14 = vector.load %arg2[%get3A_11, %get3A_12, %get3A_13] : memref<2x1000x128xf32, #tpu.memory_space<vmem>>, vector<1x1000x128xf32>
    %get3A_15 = vector.shape_cast %get3A_14 : vector<1x1000x128xf32> to vector<1000x128xf32>
    %concatenate3A = tpu.concatenate %get3A_10, %get3A_15 in 1 : vector<1000x128xf32>, vector<1000x128xf32> -> vector<1000x256xf32>
    %mul3A = vector.broadcast %div3A_5 : vector<1000x1xf32> to vector<1000x256xf32>
    %mul3A_16 = arith.mulf %concatenate3A, %mul3A : vector<1000x256xf32>
    %get3A_17 = arith.constant 0 : index
    %get3A_18 = arith.constant 0 : index
    %get3A_19 = vector.load %arg1[%get3A_17, %get3A_18] : memref<1000x256xf32, #tpu.memory_space<vmem>>, vector<1000x256xf32>
    %add3A = arith.addf %get3A_19, %mul3A_16 : vector<1000x256xf32>
    %max3A_20 = arith.constant 0.000000e+00 : f32
    %max3A_21 = vector.broadcast %max3A_20 : f32 to vector<1000x256xf32>
    %max3A_22 = arith.maximumf %add3A, %max3A_21 : vector<1000x256xf32>
    %swap3A = arith.constant 0 : index
    %swap3A_23 = arith.constant 0 : index
    %swap3A_24 = vector.load %arg4[%swap3A, %swap3A_23] : memref<1000x256xf32, #tpu.memory_space<vmem>>, vector<1000x256xf32>
    tpu.vector_store %arg4[%swap3A, %swap3A_23], %max3A_22 {strides = array<i32>} : memref<1000x256xf32, #tpu.memory_space<vmem>>, vector<1000x256xf32>,
    return
  }
  func.func @transform_0(%arg0: i32) -> (i32, i32) {
    %c0_i32 = arith.constant 0 : i32
    %c0_i32_0 = arith.constant 0 : i32
    return %arg0, %c0_i32 : i32, i32
  }
  func.func @transform_1(%arg0: i32) -> (i32, i32, i32) {
    %c0_i32 = arith.constant 0 : i32
    %c0_i32_0 = arith.constant 0 : i32
    %c0_i32_1 = arith.constant 0 : i32
    return %c0_i32, %arg0, %c0_i32_0 : i32, i32, i32
  }
  func.func @transform_2(%arg0: i32) -> (i32, i32) {
    %c0_i32 = arith.constant 0 : i32
    %c0_i32_0 = arith.constant 0 : i32
    return %arg0, %c0_i32 : i32, i32
  }
  func.func @transform_3(%arg0: i32) -> (i32, i32) {
    %c0_i32 = arith.constant 0 : i32
    %c0_i32_0 = arith.constant 0 : i32
    return %arg0, %c0_i32 : i32, i32
  }
}

module attributes {stable_mosaic.version = 14 : i64} {
  func.func @_midB_body(%arg0: i32, %arg1: memref<1000x256xf32, #tpu.memory_space<vmem>>, %arg2: memref<2x1000x128xf32, #tpu.memory_space<vmem>>, %arg3: memref<1000x1xf32, #tpu.memory_space<vmem>>, %arg4: memref<256x256xf32, #tpu.memory_space<vmem>>, %arg5: memref<1000x128xf32, #tpu.memory_space<vmem>>, %arg6: memref<1000x128xf32, #tpu.memory_space<vmem>>) attributes {dimension_semantics = [#tpu.dimension_semantics<arbitrary>], iteration_bounds = array<i64: 10>, scalar_prefetch = 0 : i64, scratch_operands = 0 : i64, tpu.core_type = #tpu.core_type<tc>, window_params = [{transform_indices = @transform_0, window_bounds = array<i64: 1000, 256>}, {transform_indices = @transform_1, window_bounds = array<i64: 2, 1000, 128>}, {transform_indices = @transform_2, window_bounds = array<i64: 1000, 1>}, {pipeline_mode = #tpu.pipeline_mode<synchronous>, transform_indices = @transform_3, window_bounds = array<i64: 256, 256>}, {transform_indices = @transform_4, window_bounds = array<i64: 1000, 128>}, {transform_indices = @transform_5, window_bounds = array<i64: 1000, 128>}]} {
    %get3A = arith.constant 0 : index
    %get3A_0 = arith.constant 0 : index
    %get3A_1 = vector.load %arg3[%get3A, %get3A_0] : memref<1000x1xf32, #tpu.memory_space<vmem>>, vector<1000x1xf32>
    %max3A = arith.constant 1.000000e+00 : f32
    %max3A_2 = vector.broadcast %max3A : f32 to vector<1000x1xf32>
    %max3A_3 = arith.maximumf %get3A_1, %max3A_2 : vector<1000x1xf32>
    %div3A = arith.constant 1.000000e+00 : f32
    %div3A_4 = vector.broadcast %div3A : f32 to vector<1000x1xf32>
    %div3A_5 = arith.divf %div3A_4, %max3A_3 : vector<1000x1xf32>
    %get3A_6 = arith.constant 0 : index
    %get3A_7 = arith.constant 0 : index
    %get3A_8 = arith.constant 0 : index
    %get3A_9 = vector.load %arg2[%get3A_6, %get3A_7, %get3A_8] : memref<2x1000x128xf32, #tpu.memory_space<vmem>>, vector<1x1000x128xf32>
    %get3A_10 = vector.shape_cast %get3A_9 : vector<1x1000x128xf32> to vector<1000x128xf32>
    %get3A_11 = arith.constant 1 : index
    %get3A_12 = arith.constant 0 : index
    %get3A_13 = arith.constant 0 : index
    %get3A_14 = vector.load %arg2[%get3A_11, %get3A_12, %get3A_13] : memref<2x1000x128xf32, #tpu.memory_space<vmem>>, vector<1x1000x128xf32>
    %get3A_15 = vector.shape_cast %get3A_14 : vector<1x1000x128xf32> to vector<1000x128xf32>
    %concatenate3A = tpu.concatenate %get3A_10, %get3A_15 in 1 : vector<1000x128xf32>, vector<1000x128xf32> -> vector<1000x256xf32>
    %mul3A = vector.broadcast %div3A_5 : vector<1000x1xf32> to vector<1000x256xf32>
    %mul3A_16 = arith.mulf %concatenate3A, %mul3A : vector<1000x256xf32>
    %get3A_17 = arith.constant 0 : index
    %get3A_18 = arith.constant 0 : index
    %get3A_19 = vector.load %arg1[%get3A_17, %get3A_18] : memref<1000x256xf32, #tpu.memory_space<vmem>>, vector<1000x256xf32>
    %add3A = arith.addf %get3A_19, %mul3A_16 : vector<1000x256xf32>
    %max3A_20 = arith.constant 0.000000e+00 : f32
    %max3A_21 = vector.broadcast %max3A_20 : f32 to vector<1000x256xf32>
    %max3A_22 = arith.maximumf %add3A, %max3A_21 : vector<1000x256xf32>
    %get3A_23 = arith.constant 0 : index
    %get3A_24 = arith.constant 0 : index
    %get3A_25 = vector.load %arg4[%get3A_23, %get3A_24] : memref<256x256xf32, #tpu.memory_space<vmem>>, vector<256x256xf32>
    %dot_general3A = arith.constant dense<0.000000e+00> : vector<1000x256xf32>
    %dot_general3A_26 = tpu.matmul %max3A_22, %get3A_25, %dot_general3A {dimension_numbers = #tpu.dot_dimension_numbers<[1], [0], [0], [1], [0, 0, 1, 1], [], []>, transpose_lhs_hint = false} : vector<1000x256xf32>, vector<256x256xf32>, vector<1000x256xf32> -> vector<1000x256xf32>
    %slice3A = vector.extract_strided_slice %dot_general3A_26 {offsets = [0, 0], sizes = [1000, 128], strides = [1, 1]} : vector<1000x256xf32> to vector<1000x128xf32>
    %swap3A = arith.constant 0 : index
    %swap3A_27 = arith.constant 0 : index
    %swap3A_28 = vector.load %arg5[%swap3A, %swap3A_27] : memref<1000x128xf32, #tpu.memory_space<vmem>>, vector<1000x128xf32>
    tpu.vector_store %arg5[%swap3A, %swap3A_27], %slice3A {strides = array<i32>} : memref<1000x128xf32, #tpu.memory_space<vmem>>, vector<1000x128xf32>,
    %slice3A_29 = vector.extract_strided_slice %dot_general3A_26 {offsets = [0, 128], sizes = [1000, 128], strides = [1, 1]} : vector<1000x256xf32> to vector<1000x128xf32>
    %swap3A_30 = arith.constant 0 : index
    %swap3A_31 = arith.constant 0 : index
    %swap3A_32 = vector.load %arg6[%swap3A_30, %swap3A_31] : memref<1000x128xf32, #tpu.memory_space<vmem>>, vector<1000x128xf32>
    tpu.vector_store %arg6[%swap3A_30, %swap3A_31], %slice3A_29 {strides = array<i32>} : memref<1000x128xf32, #tpu.memory_space<vmem>>, vector<1000x128xf32>,
    return
  }
  func.func @transform_0(%arg0: i32) -> (i32, i32) {
    %c0_i32 = arith.constant 0 : i32
    %c0_i32_0 = arith.constant 0 : i32
    return %arg0, %c0_i32 : i32, i32
  }
  func.func @transform_1(%arg0: i32) -> (i32, i32, i32) {
    %c0_i32 = arith.constant 0 : i32
    %c0_i32_0 = arith.constant 0 : i32
    %c0_i32_1 = arith.constant 0 : i32
    return %c0_i32, %arg0, %c0_i32_0 : i32, i32, i32
  }
  func.func @transform_2(%arg0: i32) -> (i32, i32) {
    %c0_i32 = arith.constant 0 : i32
    %c0_i32_0 = arith.constant 0 : i32
    return %arg0, %c0_i32 : i32, i32
  }
  func.func @transform_3(%arg0: i32) -> (i32, i32) {
    %c0_i32 = arith.constant 0 : i32
    %c0_i32_0 = arith.constant 0 : i32
    %c0_i32_1 = arith.constant 0 : i32
    return %c0_i32, %c0_i32_0 : i32, i32
  }
  func.func @transform_4(%arg0: i32) -> (i32, i32) {
    %c0_i32 = arith.constant 0 : i32
    %c0_i32_0 = arith.constant 0 : i32
    return %arg0, %c0_i32 : i32, i32
  }
  func.func @transform_5(%arg0: i32) -> (i32, i32) {
    %c0_i32 = arith.constant 0 : i32
    %c0_i32_0 = arith.constant 0 : i32
    return %arg0, %c0_i32 : i32, i32
  }
}

</mosaic_0001>

<sc_bundles>
// kernel: kernel.10.cloned.1.call-start
scs
__scs_entry_jumppad:
0x0: {  	(pc) =	sbr.rel $0x88, $3  }
0x1: {  	(tag) =	ssettag $0x0;
	lr =	simm.s32 $0x1  }
0x2: {  	[smem:$0x3F99] =	sst lr;
	_ =	strace $0xD0000000  }
0x3: {  	_ = 	snop  }
0x4: {  	_ = 	snop  }
0x5: {  	_ = 	snop  }
0x6: {  	_ = 	snop  }
0x7: {  	_ = 	snop  }
__scs_overlays_trampoline_lowered:
0x8: {  	[smem:$0x3FA8] =	sst s0  }
0x9: {  	[smem:$0x3FA9] =	sst s1  }
0xa: {  	[smem:$0x3FAA] =	sst s2  }
0xb: {  	[smem:$0x3FAB] =	sst s3  }
0xc: {  	[smem:$0x3FAC] =	sst s4  }
0xd: {  	[smem:$0x3FAD] =	sst s5  }
0xe: {  	[smem:$0x3FAE] =	sst s6  }
0xf: {  	[smem:$0x3FAF] =	sst s7  }
0x10: {  	[smem:$0x3FB0] =	sst s8  }
0x11: {  	[smem:$0x3FB1] =	sst s9;
	s0 =	simm.s32 @!p0 $0x0  }
0x12: {  	s1 =	sld [smem:$0x3F97];
	s0 =	simm.s32 @p0 $0x1  }
0x13: {  	[smem:$0x3FB2] =	sst s0;
	s0 =	simm.s32 @!p1 $0x0  }
0x14: {  	s2 =	sld [smem:$0x3F96];
	s0 =	simm.s32 @p1 $0x1  }
0x15: {  	[smem:$0x3FB3] =	sst s0;
	s0 =	simm.s32 @!p2 $0x0  }
0x16: {  	s3 =	sld [smem:$0x3FDB];
	s0 =	simm.s32 @p2 $0x1  }
0x17: {  	s4 =	simm.s32 $0x1BF5;
	[smem:$0x3FB5] =	sst s0  }
0x18: {  	s0 =	sld [smem:$0x3F98];
	_ =	swait.ge [sflag:s4], $0x0  }
0x19: {  	s7 =	sld [smem:$0x3F99]  }
0x1a: {  	s8 =	sadd.s32 $0xFFFFE003, lr  }
0x1b: {  	s9 =	sadd.s32 $0xFFFFFEF7, lr;
	s5 =	simm.s32 $0xFFFFFFFF;
	p2 =	slt.u32 s8, $0xFFFFF086  }
0x1c: {  	p1 =	slt.u32 s9, $0xF7A;
	s5 =	simm.s32 @!p2 $0x0  }
0x1d: {  	s5 =	simm.s32 @p1 $0x1;
	p0 =	seq.s32 s7, s2  }
0x1e: {  	s7 =	smul.u32 @!p0 $0xF7A, s2;
	p2 =	seq.s32 @!p0 s5, $0x0  }
0x1f: {  	s9 =	smul.u32 $0xF7A, s1;
	s8 =	simm.s32 @!p0 $0x1BF5;
	p2 =	por !p2, p0  }
0x20: {  	[sflag:s8] =	ssyncset.s32 @!p0 $0xFFFFF086;
	s6 =	sadd.s32 @!p0 s3, s7;
	s7 =	simm.s32 @!p0 $0x108  }
0x21: {  	s3 =	sadd.s32 s3, s9;
	s6 =	sadd.s32 @!p0 $0x88, s6;
	s7 =	simm.s32 @p2 $0x1082  }
0x22: {  	[simem:s7], [sflag:s8] =	dma.local @!p0 [hbm:s6], $0xF7A  }
0x23: {  	s9 =	sor.u32 $0xD0000000, s2;
	s6 =	simm.s32 $0x108;
	_ =	swait.ge @!p0 [sflag:s8], $0x0  }
0x24: {  	s3 =	sadd.s32 $0x88, s3;
	s6 =	simm.s32 @!p1 $0x1082;
	[sflag:s4] =	ssyncset.s32 $0xFFFFF086  }
0x25: {  	[simem:s6], [sflag:s4] =	dma.local [hbm:s3], $0xF7A  }
0x26: {  	[smem:$0x3F99] =	sst s1;
	(tag) =	ssettag s2;
	_ =	strace s9  }
0x27: {  	s1 =	sld [smem:$0x3FA9]  }
0x28: {  	s2 =	sld [smem:$0x3FAA]  }
0x29: {  	s4 =	sld [smem:$0x3FAC]  }
0x2a: {  	p0 =	seq.s32 s5, $0x0;
	s5 =	sld [smem:$0x3FAD]  }
0x2b: {  	s6 =	sld [smem:$0x3FAE]  }
0x2c: {  	s7 =	sld [smem:$0x3FAF]  }
0x2d: {  	s3 =	simm.s32 $0x108;
	s8 =	sld [smem:$0x3FB0]  }
0x2e: {  	s3 =	simm.s32 @!p0 $0x1082;
	s9 =	sld [smem:$0x3FB1]  }
0x2f: {  	lr =	sadd.s32 s0, s3;
	s0 =	sld [smem:$0x3FA8]  }
0x30: {  	s3 =	sld [smem:$0x3FAB]  }
0x31: {  	[smem:$0x3FB4] =	sst s10  }
0x32: {  	s10 =	sld [smem:$0x3FB2];
	_ =	sdelay $0x3  }
0x33: {  	p0 =	seq.s32 s10, $0x1;
	s10 =	sld [smem:$0x3FB4];
	_ =	sdelay $0x3  }
0x34: {  	[smem:$0x3FB4] =	sst s10  }
0x35: {  	s10 =	sld [smem:$0x3FB3];
	_ =	sdelay $0x3  }
0x36: {  	p1 =	seq.s32 s10, $0x1;
	s10 =	sld [smem:$0x3FB4];
	_ =	sdelay $0x3  }
0x37: {  	[smem:$0x3FB4] =	sst s10  }
0x38: {  	s10 =	sld [smem:$0x3FB5]  }
0x39: {  	_ = 	snop;
	(pc) =	sbr.ind lr, $3  }
0x3a: {  	_ = 	snop  }
0x3b: {  	_ = 	snop  }
0x3c: {  	p2 =	seq.s32 s10, $0x1;
	s10 =	sld [smem:$0x3FB4]  }
0x3d: {  	_ =	shalt  }
0x3e: {  	_ =	shalt  }
0x3f: {  	_ =	shalt  }
0x40: {  	_ =	shalt  }
0x41: {  	_ =	shalt  }
0x42: {  	_ =	shalt  }
0x43: {  	_ =	shalt  }
0x44: {  	_ =	shalt  }
0x45: {  	_ =	shalt  }
0x46: {  	_ =	shalt  }
0x47: {  	_ =	shalt  }
0x48: {  	_ =	shalt  }
0x49: {  	_ =	shalt  }
0x4a: {  	_ =	shalt  }
0x4b: {  	_ =	shalt  }
0x4c: {  	_ =	shalt  }
0x4d: {  	_ =	shalt  }
0x4e: {  	_ =	shalt  }
0x4f: {  	_ =	shalt  }
0x50: {  	_ =	shalt  }
0x51: {  	_ =	shalt  }
0x52: {  	_ =	shalt  }
0x53: {  	_ =	shalt  }
0x54: {  	_ =	shalt  }
0x55: {  	_ =	shalt  }
0x56: {  	_ =	shalt  }
0x57: {  	_ =	shalt  }
0x58: {  	_ =	shalt  }
0x59: {  	_ =	shalt  }
0x5a: {  	_ =	shalt  }
0x5b: {  	_ =	shalt  }
0x5c: {  	_ =	shalt  }
0x5d: {  	_ =	shalt  }
0x5e: {  	_ =	shalt  }
0x5f: {  	_ =	shalt  }
0x60: {  	_ =	shalt  }
0x61: {  	_ =	shalt  }
0x62: {  	_ =	shalt  }
0x63: {  	_ =	shalt  }
0x64: {  	_ =	shalt  }
0x65: {  	_ =	shalt  }
0x66: {  	_ =	shalt  }
0x67: {  	_ =	shalt  }
0x68: {  	_ =	shalt  }
0x69: {  	_ =	shalt  }
0x6a: {  	_ =	shalt  }
0x6b: {  	_ =	shalt  }
0x6c: {  	_ =	shalt  }
0x6d: {  	_ =	shalt  }
0x6e: {  	_ =	shalt  }
0x6f: {  	_ =	shalt  }
0x70: {  	_ =	shalt  }
0x71: {  	_ =	shalt  }
0x72: {  	_ =	shalt  }
0x73: {  	_ =	shalt  }
0x74: {  	_ =	shalt  }
0x75: {  	_ =	shalt  }
0x76: {  	_ =	shalt  }
0x77: {  	_ =	shalt  }
0x78: {  	_ =	shalt  }
0x79: {  	_ =	shalt  }
0x7a: {  	_ =	shalt  }
0x7b: {  	_ =	shalt  }
0x7c: {  	_ =	shalt  }
0x7d: {  	_ =	shalt  }
0x7e: {  	_ =	shalt  }
0x7f: {  	_ =	shalt  }
0x80: {  	_ =	shalt  }
0x81: {  	_ =	shalt  }
0x82: {  	_ =	shalt  }
0x83: {  	_ =	shalt  }
0x84: {  	_ =	shalt  }
0x85: {  	_ =	shalt  }
0x86: {  	_ =	shalt  }
0x87: {  	_ =	shalt  }
.Lfunc_end0:
.L_simem_size_0:
called_computation_lowered:
.L_overlay_start_0:
0x88: {  	s2 =	sld [smem:$0x3FD9]  }
0x89: {  	s3 =	sld [smem:$0x3FFE];
	_ =	sdelay $0x1  }
0x8a: {  	s1 =	srdreg.scid  }
0x8b: {  	s0 =	sand.u32 $0x1, s1  }
0x8c: {  	s16 =	sshll.u32 s0, $0xA;
	s2 =	sadd.s32 s3, s2  }
0x8d: {  	s2 =	sadd.s32 s2, s16  }
0x8e: {  	[smem:$0x3FC0] =	sst s2  }
0x8f: {  	_ = 	snop  }
0x90: {  	(tm) =	ssettm $0x1  }
0x91: {  	s17 =	sld [smem:$0x3FFB];
	_ =	sdelay $0x3  }
0x92: {  	_ =	strace s17  }
0x93: {  	s2 =	sld [smem:$0x3FFC];
	_ =	sdelay $0x3  }
0x94: {  	_ =	strace s2  }
0x95: {  	s2 =	sld [smem:$0x3FFD];
	_ =	sdelay $0x3  }
0x96: {  	_ =	strace s2  }
0x97: {  	_ =	strace $0x8FFFFFFF  }
0x98: {  	s18 =	sld [smem:$0x3FDB];
	_ =	sdelay $0x1  }
0x99: {  	s19 =	simm.s32 $_scs_section_size  }
0x9a: {  	s4 =	simm.s32 $_size__tile_overlayer_lowered;
	s5 =	simm.s32 $_tile_overlayer_lowered  }
0x9b: {  	s22 =	simm.s32 $0x1BFF;
	s21 =	sshll.u32 s5, $0x1;
	s2 =	sadd.s32 s19, s18  }
0x9c: {  	s6 =	simm.s32 $0x0;
	s20 =	sshll.u32 s4, $0x1;
	s4 =	sadd.s32 s21, s2  }
0x9d: {  	[timem:s6], [sflag:s22] =	dma.local [hbm:s4], s20  }
0x9e: {  	_ =	swait.ge [sflag:s22], s20  }
0x9f: {  	s3 =	ssub.s32 $0x0, s20;
	[sflag:s22] =	ssyncset.done $0x0  }
0xa0: {  	[sflag:s22] =	ssyncadd.s32 s3;
	_ =	sdelay $0x1  }
0xa1: {  	s23 =	simm.s32 $0x1B8B  }
0xa2: {  	_ =	swait.ge [sflag:s23], $0x1  }
0xa3: {  	[sflag:s23] =	ssyncset.done $0x0  }
0xa4: {  	s25 =	simm.s32 $0x1B8E;
	s24 =	sld [smem:$0x3FFE];
	[sflag:s23] =	ssyncadd.s32 $0xFFFFFFFF  }
0xa5: {  	s26 =	simm.s32 $execute0_lowered;
	[smem:$0x3FD2] =	sst s25  }
0xa6: {  	s4 =	sshll.u32 s26, $0x1;
	_ =	strace $0x80000046;
	[dreg:$0x1] =	wrdreg $0xFFFFFFFF  }
0xa7: {  	s28 =	simm.s32 $_size_execute0_lowered;
	s2 =	sadd.s32 s2, s4;
	[dreg:$0x0] =	wrdreg $0x0  }
0xa8: {  	s4 =	sshll.u32 s28, $0x1;
	[dreg:$0x2] =	wrdreg s2  }
0xa9: {  	[dreg:$0x3] =	wrdreg s4  }
0xaa: {  	[dreg:$0x4] =	wrdreg $0xC0  }
0xab: {  	_ =	task [dreg:s6], $0x5FFFF  }
0xac: {  	[dreg:$0x1] =	wrdreg $0xFFFFFFFF  }
0xad: {  	[dreg:$0x0] =	wrdreg $0x60  }
0xae: {  	[dreg:$0x2] =	wrdreg s24  }
0xaf: {  	[dreg:$0x3] =	wrdreg $0x17000  }
0xb0: {  	[dreg:$0x4] =	wrdreg $0x9  }
0xb1: {  	_ =	task.clear_ibuf [dreg:s6], $0x5FFFF;
	_ =	strace $0x90000046  }
0xb2: {  	s29 =	simm.s32 $0x9;
	_ =	strace $0x80000048  }
0xb3: {  	_ =	swait.ge [sflag:s29], $0x1  }
0xb4: {  	[sflag:s29] =	ssyncadd.s32 $0xFFFFFFFF  }
0xb5: {  	_ =	strace $0x90000048  }
0xb6: {  	_ =	sfence  }
0xb7: {  	s30 =	sld [smem:$0x0];
	_ =	sdelay $0x2  }
0xb8: {  	s31 =	sshll.u32 s1, $0xD;
	s1 =	sshrl.u32 s1, $0x2  }
0xb9: {  	s3 =	sand.u32 $0x4000, s31;
	s1 =	sadd.s32 s1, s30  }
0xba: {  	s0 =	sor.u32 s3, s0;
	s1 =	sshll.u32 s1, $0x11  }
0xbb: {  	s0 =	sor.u32 s1, s0  }
0xbc: {  	s0 =	sadd.s32 $0x8F2B, s0  }
0xbd: {  	[sflag:s0] =	ssyncadd.remote.s32 $0x1  }
0xbe: {  	_ =	sfence.sel $0xFFFF  }
0xbf: {  	[dreg:$0x0] =	wrdreg $0xFFFFFFFF;
	(pc) =	sbr.abs _section_cstart, $3  }
0xc0: {  	[dreg:$0x1] =	wrdreg $0xFFFFFFFF  }
0xc1: {  	_ =	task.clear_ibuf [dreg:s6], $0x2FFFF;
	_ =	strace $0x9FFFFFFF  }
0xc2: {  	(tm) =	ssettm $0x7FFFFFFF  }
0xc3: {  	_ =	shalt  }
tec
execute0_lowered:
.L_overlay_start_1:
0x0: {  	(tag) =	ssettag $0x1  }
0x1: {  	s0 =	rddreg [dreg:$0x0];
	s1 =	srdreg.scid  }
0x2: {  	s7 =	stileid.u32;
	s2 =	rddreg [dreg:$0x1];
	s3 =	simm.s32 $0x0  }
0x3: {  	s9 =	simm.s32 $0x2;
	s10 =	simm.s32 $0x80;
	s11 =	simm.s32 $0x1400  }
0x4: {  	s12 =	simm.s32 $0xC00;
	s13 =	simm.s32 $0xC80;
	s14 =	simm.s32 $0xD00  }
0x5: {  	s15 =	simm.s32 $0xD80;
	s16 =	simm.s32 $0xE00;
	s17 =	simm.s32 $0xE80  }
0x6: {  	s18 =	simm.s32 $0xF00;
	s19 =	simm.s32 $0xF80;
	s20 =	simm.s32 $0x1000  }
0x7: {  	s28 =	simm.s32 $0x1380;
	s29 =	simm.s32 $0x1;
	s4 =	smul.u32 $0x2800, s7  }
0x8: {  	s30 =	simm.s32 $0x20;
	s31 =	simm.s32 $0x10;
	s6 =	smul.u32 $0x500, s7  }
0x9: {  	s1 =	sand.u32 $0x1, s1;
	[smem:$0x7FF] =	sst s3;
	s22 =	smul.u32 $0xA00, s7  }
0xa: {  	s5 =	smul.u32 $0x1400, s1;
	s21 =	sshll.u32 s1, $0x7;
	s1 =	ssub.s32 $0x2, s1  }
0xb: {  	_ =	strace $0x80000047;
	s25 =	sshrl.u32 s1, $0x1;
	s26 =	sshrl.u32 s22, $0x2  }
0xc: {  	s22 =	simm.s32 $0x1100;
	s4 =	sadd.s32 s5, s4;
	s5 =	sor.u32 s21, s6  }
0xd: {  	s1 =	ssub.s32 s1, s25;
	s21 =	simm.s32 $0x1080;
	s25 =	simm.s32 $0x1280  }
0xe: {  	s4 =	sshrl.u32 s4, $0x3;
	s24 =	sshrl.u32 s5, $0x3;
	s7 =	smax.u32 s1, $0x1  }
0xf: {  	s1 =	simm.s32 $0x0;
	s23 =	sadd.s32 s4, s0;
	s0 =	sadd.s32 s24, s0  }
0x10: {  	s4 =	sadd.s32 s26, s2;
	s24 =	simm.s32 $0x1200;
	s26 =	simm.s32 $0x1300  }
0x11: {  	v0 =	vimm.f32 $1.000000000e+00;
	v1 =	vimm.f32 $0.0e+00;
	s5 =	sadd.s32 $0x3400, s23;
	s6 =	sadd.s32 $0x8400, s0;
	s23 =	simm.s32 $0x1180  }
.LBB2_1:
0x12: {  	[tilespmem:$0x1400] =	vst v0  }
0x13: {  	[tilespmem:$0x1410] =	vst v0  }
0x14: {  	[tilespmem:$0x1420] =	vst v0  }
0x15: {  	[tilespmem:$0x1430] =	vst v0  }
0x16: {  	[tilespmem:$0x1440] =	vst v0  }
0x17: {  	[tilespmem:$0x1450] =	vst v0  }
0x18: {  	[tilespmem:$0x1460] =	vst v0  }
0x19: {  	[tilespmem:$0x1470] =	vst v0  }
0x1a: {  	[tilespmem:$0x1480] =	vst v1  }
0x1b: {  	[tilespmem:$0x1490] =	vst v1  }
0x1c: {  	[tilespmem:$0x14A0] =	vst v1  }
0x1d: {  	[tilespmem:$0x14B0] =	vst v1  }
0x1e: {  	[tilespmem:$0x14C0] =	vst v1  }
0x1f: {  	[tilespmem:$0x14D0] =	vst v1  }
0x20: {  	[tilespmem:$0x14E0] =	vst v1  }
0x21: {  	[tilespmem:$0x14F0] =	vst v1  }
0x22: {  	[tilespmem:$0x1500] =	vst v1  }
0x23: {  	[tilespmem:$0x1510] =	vst v1  }
0x24: {  	[tilespmem:$0x1520] =	vst v1  }
0x25: {  	[tilespmem:$0x1530] =	vst v1  }
0x26: {  	[tilespmem:$0x1540] =	vst v1  }
0x27: {  	[tilespmem:$0x1550] =	vst v1  }
0x28: {  	[tilespmem:$0x1560] =	vst v1  }
0x29: {  	[tilespmem:$0x1570] =	vst v1  }
0x2a: {  	[tilespmem:$0x1580] =	vst v1  }
0x2b: {  	[tilespmem:$0x1590] =	vst v1  }
0x2c: {  	[tilespmem:$0x15A0] =	vst v1  }
0x2d: {  	[tilespmem:$0x15B0] =	vst v1  }
0x2e: {  	[tilespmem:$0x15C0] =	vst v1  }
0x2f: {  	[tilespmem:$0x15D0] =	vst v1  }
0x30: {  	[tilespmem:$0x15E0] =	vst v1  }
0x31: {  	[tilespmem:$0x15F0] =	vst v1  }
0x32: {  	[tilespmem:$0x1600] =	vst v1  }
0x33: {  	[tilespmem:$0x1610] =	vst v1  }
0x34: {  	[tilespmem:$0x1620] =	vst v1  }
0x35: {  	[tilespmem:$0x1630] =	vst v1  }
0x36: {  	[tilespmem:$0x1640] =	vst v1  }
0x37: {  	[tilespmem:$0x1650] =	vst v1  }
0x38: {  	[tilespmem:$0x1660] =	vst v1  }
0x39: {  	[tilespmem:$0x1670] =	vst v1  }
0x3a: {  	[tilespmem:$0x1680] =	vst v1  }
0x3b: {  	[tilespmem:$0x1690] =	vst v1  }
0x3c: {  	[tilespmem:$0x16A0] =	vst v1  }
0x3d: {  	[tilespmem:$0x16B0] =	vst v1  }
0x3e: {  	[tilespmem:$0x16C0] =	vst v1  }
0x3f: {  	[tilespmem:$0x16D0] =	vst v1  }
0x40: {  	[tilespmem:$0x16E0] =	vst v1  }
0x41: {  	[tilespmem:$0x16F0] =	vst v1;
	s0 =	simm.s32 $0x1480  }
0x42: {  	[spmem:s4] =	stream.linear.scatter [tilespmem:s0], [sflag:$0x2], $0x280, $0x38;
	[tilespmem:$0x1980] =	vst v63  }
0x43: {  	_ =	swait.ge [sflag:s9], $0x280  }
0x44: {  	[sflag:s9] =	ssyncset.done $0x0  }
0x45: {  	[sflag:s9] =	ssyncadd.s32 $0xFFFFFD80  }
0x46: {  	[bflag:$0x0] =	sbarrier.arrive $0xFFFF  }
0x47: {  	[tilespmem:s3], [sflag:$0x2] =	stream.linear.gather [hbm4b:s5+s3], $0x1400, $0x38;
	[tilespmem:$0x1980] =	vst v63  }
0x48: {  	_ =	swait.ge [sflag:s9], $0x1400  }
0x49: {  	[sflag:s9] =	ssyncset.done $0x0  }
0x4a: {  	[sflag:s9] =	ssyncadd.s32 $0xFFFFEC00  }
0x4b: {  	[spmem:s2] =	stream.indirect.scatter.add.f32 [tilespmem:s11], [sflag:$0x1], $0x1, s3, s10, $0xb8;
	[tilespmem:$0x1980] =	vst v63  }
0x4c: {  	_ = 	snop  }
0x4d: {  	[spmem:s2] =	stream.indirect.scatter.add.f32 [tilespmem:s11], [sflag:$0x1], $0x1, s10, s10, $0xb8;
	[tilespmem:$0x1980] =	vst v63  }
0x4e: {  	s8 =	simm.s32 $0x100  }
0x4f: {  	[spmem:s2] =	stream.indirect.scatter.add.f32 [tilespmem:s11], [sflag:$0x1], $0x1, s8, s10, $0xb8;
	[tilespmem:$0x1980] =	vst v63  }
0x50: {  	s8 =	simm.s32 $0x180  }
0x51: {  	[spmem:s2] =	stream.indirect.scatter.add.f32 [tilespmem:s11], [sflag:$0x1], $0x1, s8, s10, $0xb8;
	[tilespmem:$0x1980] =	vst v63  }
0x52: {  	s8 =	simm.s32 $0x200  }
0x53: {  	[spmem:s2] =	stream.indirect.scatter.add.f32 [tilespmem:s11], [sflag:$0x1], $0x1, s8, s10, $0xb8;
	[tilespmem:$0x1980] =	vst v63  }
0x54: {  	s8 =	simm.s32 $0x280  }
0x55: {  	[spmem:s2] =	stream.indirect.scatter.add.f32 [tilespmem:s11], [sflag:$0x1], $0x1, s8, s10, $0xb8;
	[tilespmem:$0x1980] =	vst v63  }
0x56: {  	s8 =	simm.s32 $0x300  }
0x57: {  	[spmem:s2] =	stream.indirect.scatter.add.f32 [tilespmem:s11], [sflag:$0x1], $0x1, s8, s10, $0xb8;
	[tilespmem:$0x1980] =	vst v63  }
0x58: {  	s8 =	simm.s32 $0x380  }
0x59: {  	[spmem:s2] =	stream.indirect.scatter.add.f32 [tilespmem:s11], [sflag:$0x1], $0x1, s8, s10, $0xb8;
	[tilespmem:$0x1980] =	vst v63  }
0x5a: {  	s8 =	simm.s32 $0x400  }
0x5b: {  	[spmem:s2] =	stream.indirect.scatter.add.f32 [tilespmem:s11], [sflag:$0x1], $0x1, s8, s10, $0xb8;
	[tilespmem:$0x1980] =	vst v63  }
0x5c: {  	s8 =	simm.s32 $0x480  }
0x5d: {  	[spmem:s2] =	stream.indirect.scatter.add.f32 [tilespmem:s11], [sflag:$0x1], $0x1, s8, s10, $0xb8;
	[tilespmem:$0x1980] =	vst v63  }
0x5e: {  	s8 =	simm.s32 $0x500  }
0x5f: {  	[spmem:s2] =	stream.indirect.scatter.add.f32 [tilespmem:s11], [sflag:$0x1], $0x1, s8, s10, $0xb8;
	[tilespmem:$0x1980] =	vst v63  }
0x60: {  	s8 =	simm.s32 $0x580  }
0x61: {  	[spmem:s2] =	stream.indirect.scatter.add.f32 [tilespmem:s11], [sflag:$0x1], $0x1, s8, s10, $0xb8;
	[tilespmem:$0x1980] =	vst v63  }
0x62: {  	s8 =	simm.s32 $0x600  }
0x63: {  	[spmem:s2] =	stream.indirect.scatter.add.f32 [tilespmem:s11], [sflag:$0x1], $0x1, s8, s10, $0xb8;
	[tilespmem:$0x1980] =	vst v63  }
0x64: {  	s8 =	simm.s32 $0x680  }
0x65: {  	[spmem:s2] =	stream.indirect.scatter.add.f32 [tilespmem:s11], [sflag:$0x1], $0x1, s8, s10, $0xb8;
	[tilespmem:$0x1980] =	vst v63  }
0x66: {  	s8 =	simm.s32 $0x700  }
0x67: {  	[spmem:s2] =	stream.indirect.scatter.add.f32 [tilespmem:s11], [sflag:$0x1], $0x1, s8, s10, $0xb8;
	[tilespmem:$0x1980] =	vst v63  }
0x68: {  	s8 =	simm.s32 $0x780  }
0x69: {  	[spmem:s2] =	stream.indirect.scatter.add.f32 [tilespmem:s11], [sflag:$0x1], $0x1, s8, s10, $0xb8;
	[tilespmem:$0x1980] =	vst v63  }
0x6a: {  	s8 =	simm.s32 $0x800  }
0x6b: {  	[spmem:s2] =	stream.indirect.scatter.add.f32 [tilespmem:s11], [sflag:$0x1], $0x1, s8, s10, $0xb8;
	[tilespmem:$0x1980] =	vst v63  }
0x6c: {  	s8 =	simm.s32 $0x880  }
0x6d: {  	[spmem:s2] =	stream.indirect.scatter.add.f32 [tilespmem:s11], [sflag:$0x1], $0x1, s8, s10, $0xb8;
	[tilespmem:$0x1980] =	vst v63  }
0x6e: {  	s8 =	simm.s32 $0x900  }
0x6f: {  	[spmem:s2] =	stream.indirect.scatter.add.f32 [tilespmem:s11], [sflag:$0x1], $0x1, s8, s10, $0xb8;
	[tilespmem:$0x1980] =	vst v63  }
0x70: {  	s8 =	simm.s32 $0x980  }
0x71: {  	[spmem:s2] =	stream.indirect.scatter.add.f32 [tilespmem:s11], [sflag:$0x1], $0x1, s8, s10, $0xb8;
	[tilespmem:$0x1980] =	vst v63  }
0x72: {  	s8 =	simm.s32 $0xA00  }
0x73: {  	[spmem:s2] =	stream.indirect.scatter.add.f32 [tilespmem:s11], [sflag:$0x1], $0x1, s8, s10, $0xb8;
	[tilespmem:$0x1980] =	vst v63  }
0x74: {  	s8 =	simm.s32 $0xA80  }
0x75: {  	[spmem:s2] =	stream.indirect.scatter.add.f32 [tilespmem:s11], [sflag:$0x1], $0x1, s8, s10, $0xb8;
	[tilespmem:$0x1980] =	vst v63  }
0x76: {  	s8 =	simm.s32 $0xB00  }
0x77: {  	[spmem:s2] =	stream.indirect.scatter.add.f32 [tilespmem:s11], [sflag:$0x1], $0x1, s8, s10, $0xb8;
	[tilespmem:$0x1980] =	vst v63  }
0x78: {  	s8 =	simm.s32 $0xB80  }
0x79: {  	[spmem:s2] =	stream.indirect.scatter.add.f32 [tilespmem:s11], [sflag:$0x1], $0x1, s8, s10, $0xb8;
	[tilespmem:$0x1980] =	vst v63  }
0x7a: {  	_ = 	snop  }
0x7b: {  	[spmem:s2] =	stream.indirect.scatter.add.f32 [tilespmem:s11], [sflag:$0x1], $0x1, s12, s10, $0xb8;
	[tilespmem:$0x1980] =	vst v63  }
0x7c: {  	_ = 	snop  }
0x7d: {  	[spmem:s2] =	stream.indirect.scatter.add.f32 [tilespmem:s11], [sflag:$0x1], $0x1, s13, s10, $0xb8;
	[tilespmem:$0x1980] =	vst v63  }
0x7e: {  	_ = 	snop  }
0x7f: {  	[spmem:s2] =	stream.indirect.scatter.add.f32 [tilespmem:s11], [sflag:$0x1], $0x1, s14, s10, $0xb8;
	[tilespmem:$0x1980] =	vst v63  }
0x80: {  	_ = 	snop  }
0x81: {  	[spmem:s2] =	stream.indirect.scatter.add.f32 [tilespmem:s11], [sflag:$0x1], $0x1, s15, s10, $0xb8;
	[tilespmem:$0x1980] =	vst v63  }
0x82: {  	_ = 	snop  }
0x83: {  	[spmem:s2] =	stream.indirect.scatter.add.f32 [tilespmem:s11], [sflag:$0x1], $0x1, s16, s10, $0xb8;
	[tilespmem:$0x1980] =	vst v63  }
0x84: {  	_ = 	snop  }
0x85: {  	[spmem:s2] =	stream.indirect.scatter.add.f32 [tilespmem:s11], [sflag:$0x1], $0x1, s17, s10, $0xb8;
	[tilespmem:$0x1980] =	vst v63  }
0x86: {  	_ = 	snop  }
0x87: {  	[spmem:s2] =	stream.indirect.scatter.add.f32 [tilespmem:s11], [sflag:$0x1], $0x1, s18, s10, $0xb8;
	[tilespmem:$0x1980] =	vst v63  }
0x88: {  	_ = 	snop  }
0x89: {  	[spmem:s2] =	stream.indirect.scatter.add.f32 [tilespmem:s11], [sflag:$0x1], $0x1, s19, s10, $0xb8;
	[tilespmem:$0x1980] =	vst v63  }
0x8a: {  	_ = 	snop  }
0x8b: {  	[spmem:s2] =	stream.indirect.scatter.add.f32 [tilespmem:s11], [sflag:$0x1], $0x1, s20, s10, $0xb8;
	[tilespmem:$0x1980] =	vst v63  }
0x8c: {  	_ = 	snop  }
0x8d: {  	[spmem:s2] =	stream.indirect.scatter.add.f32 [tilespmem:s11], [sflag:$0x1], $0x1, s21, s10, $0xb8;
	[tilespmem:$0x1980] =	vst v63  }
0x8e: {  	_ = 	snop  }
0x8f: {  	[spmem:s2] =	stream.indirect.scatter.add.f32 [tilespmem:s11], [sflag:$0x1], $0x1, s22, s10, $0xb8;
	[tilespmem:$0x1980] =	vst v63  }
0x90: {  	_ = 	snop  }
0x91: {  	[spmem:s2] =	stream.indirect.scatter.add.f32 [tilespmem:s11], [sflag:$0x1], $0x1, s23, s10, $0xb8;
	[tilespmem:$0x1980] =	vst v63  }
0x92: {  	_ = 	snop  }
0x93: {  	[spmem:s2] =	stream.indirect.scatter.add.f32 [tilespmem:s11], [sflag:$0x1], $0x1, s24, s10, $0xb8;
	[tilespmem:$0x1980] =	vst v63  }
0x94: {  	_ = 	snop  }
0x95: {  	[spmem:s2] =	stream.indirect.scatter.add.f32 [tilespmem:s11], [sflag:$0x1], $0x1, s25, s10, $0xb8;
	[tilespmem:$0x1980] =	vst v63  }
0x96: {  	_ = 	snop  }
0x97: {  	[spmem:s2] =	stream.indirect.scatter.add.f32 [tilespmem:s11], [sflag:$0x1], $0x1, s26, s10, $0xb8;
	[tilespmem:$0x1980] =	vst v63  }
0x98: {  	_ = 	snop  }
0x99: {  	[spmem:s2] =	stream.indirect.scatter.add.f32 [tilespmem:s11], [sflag:$0x1], $0x1, s28, s10, $0xb8;
	[tilespmem:$0x1980] =	vst v63  }
0x9a: {  	_ =	swait.ge [sflag:s29], $0x80  }
0x9b: {  	s0 =	simm.s32 $0x27;
	[sflag:s29] =	ssyncset.done $0x0  }
.LBB2_2:
0x9c: {  	p0 =	sne.s32 s0, $0x1;
	s0 =	sadd.s32 $0xFFFFFFFF, s0;
	[sflag:s29] =	ssyncadd.s32 $0xFFFFFF80  }
.Ltmp0:
0x9d: {  	(pc) =	sbr.rel @p0 .LBB2_2-.Ltmp0, $3  }
0x9e: {  	_ =	sdelay $0x1  }
0x9f: {  	_ =	swait.ge [sflag:s29], $0x80  }
0xa0: {  	[sflag:s29] =	ssyncset.done $0x0  }
0xa1: {  	[sflag:s29] =	ssyncadd.s32 $0xFFFFFF80;
	s0 =	stileid.u32;
	s1 =	sadd.s32 $0x1, s1  }
0xa2: {  	s8 =	sshrl.u32 s4, $0x3;
	s0 =	sshll.u32 s0, $0x6;
	p0 =	sne.s32 s1, s7  }
.Ltmp1:
0xa3: {  	[bflag:$0x0] =	sbarrier.arrive $0xFFFF;
	s0 =	sor.u32 $0x1C02, s0;
	(pc) =	sbr.rel @p0 .LBB2_1-.Ltmp1, $4  }
0xa4: {  	[hbm:s6@s30], [sflag:s0] =	dma.strided [spmem:s8@s31], $0x50, s29, $0x10   }
0xa5: {  	_ =	swait.ge [sflag:s9], $0x50  }
0xa6: {  	[sflag:s9] =	ssyncset.done $0x0  }
0xa7: {  	[sflag:s9] =	ssyncadd.s32 $0xFFFFFFB0  }
0xa8: {  	_ =	sfence.sel $0x180000  }
0xa9: {  	[bflag:$0x0] =	sbarrier.arrive $0xFFFF  }
0xaa: {  	_ =	strace $0x90000047  }
0xab: {  	s0 =	stileid.u32;
	[bflag:$0x2] =	sbarrier.arrive $0xFFFF  }
0xac: {  	p0 =	sne.s32 s0, $0x0;
	s0 =	rddreg [dreg:$0x2]  }
0xad: {  	s0 =	sadd.s32 @!p0 $0x100000, s0  }
0xae: {  	[sflag:s0] =	ssyncadd.tile.s32 @!p0 $0x1;
	_ =	shalt  }
.Lfunc_end2:
_tile_overlayer_lowered:
.L_overlay_start_2:
0xaf: {  	(tag) =	ssettag $0x2  }
0xb0: {  	s0 =	rddreg [dreg:$0x0];
	s2 =	stileid.u32  }
0xb1: {  	s1 =	rddreg [dreg:$0x1];
	p0 =	sne.s32 s2, $0x0  }
0xb2: {  	s3 =	rddreg [dreg:$0x2];
	[bflag:$0x3] =	sbarrier.arrive $0xFFFF;
	s2 =	simm.s32 @!p0 $0x1C02  }
0xb3: {  	[timem:s3], [sflag:s2] =	dma.local @!p0 [hbm:s0], s1  }
0xb4: {  	s0 =	simm.s32 @!p0 $0x2  }
0xb5: {  	_ =	swait.ge @!p0 [sflag:s0], s1  }
0xb6: {  	s1 =	ssub.s32 @!p0 $0x0, s1;
	[sflag:s0] =	ssyncset.done @!p0 $0x0  }
0xb7: {  	[sflag:s0] =	ssyncadd.s32 @!p0 s1  }
0xb8: {  	[bflag:$0x3] =	sbarrier.arrive $0xFFFF  }
0xb9: {  	_ =	shalt  }

// kernel: kernel.13.cloned.1.call-start
scs
__scs_entry_jumppad:
0x0: {  	(pc) =	sbr.rel $0x88, $3  }
0x1: {  	(tag) =	ssettag $0x0;
	lr =	simm.s32 $0x1  }
0x2: {  	[smem:$0x3F99] =	sst lr;
	_ =	strace $0xD0000000  }
0x3: {  	_ = 	snop  }
0x4: {  	_ = 	snop  }
0x5: {  	_ = 	snop  }
0x6: {  	_ = 	snop  }
0x7: {  	_ = 	snop  }
__scs_overlays_trampoline_lowered:
0x8: {  	[smem:$0x3FA8] =	sst s0  }
0x9: {  	[smem:$0x3FA9] =	sst s1  }
0xa: {  	[smem:$0x3FAA] =	sst s2  }
0xb: {  	[smem:$0x3FAB] =	sst s3  }
0xc: {  	[smem:$0x3FAC] =	sst s4  }
0xd: {  	[smem:$0x3FAD] =	sst s5  }
0xe: {  	[smem:$0x3FAE] =	sst s6  }
0xf: {  	[smem:$0x3FAF] =	sst s7  }
0x10: {  	[smem:$0x3FB0] =	sst s8  }
0x11: {  	[smem:$0x3FB1] =	sst s9;
	s0 =	simm.s32 @!p0 $0x0  }
0x12: {  	s1 =	sld [smem:$0x3F97];
	s0 =	simm.s32 @p0 $0x1  }
0x13: {  	[smem:$0x3FB2] =	sst s0;
	s0 =	simm.s32 @!p1 $0x0  }
0x14: {  	s2 =	sld [smem:$0x3F96];
	s0 =	simm.s32 @p1 $0x1  }
0x15: {  	[smem:$0x3FB3] =	sst s0;
	s0 =	simm.s32 @!p2 $0x0  }
0x16: {  	s3 =	sld [smem:$0x3FDB];
	s0 =	simm.s32 @p2 $0x1  }
0x17: {  	s4 =	simm.s32 $0x1BF5;
	[smem:$0x3FB5] =	sst s0  }
0x18: {  	s0 =	sld [smem:$0x3F98];
	_ =	swait.ge [sflag:s4], $0x0  }
0x19: {  	s7 =	sld [smem:$0x3F99]  }
0x1a: {  	s8 =	sadd.s32 $0xFFFFE003, lr  }
0x1b: {  	s9 =	sadd.s32 $0xFFFFFEF7, lr;
	s5 =	simm.s32 $0xFFFFFFFF;
	p2 =	slt.u32 s8, $0xFFFFF086  }
0x1c: {  	p1 =	slt.u32 s9, $0xF7A;
	s5 =	simm.s32 @!p2 $0x0  }
0x1d: {  	s5 =	simm.s32 @p1 $0x1;
	p0 =	seq.s32 s7, s2  }
0x1e: {  	s7 =	smul.u32 @!p0 $0xF7A, s2;
	p2 =	seq.s32 @!p0 s5, $0x0  }
0x1f: {  	s9 =	smul.u32 $0xF7A, s1;
	s8 =	simm.s32 @!p0 $0x1BF5;
	p2 =	por !p2, p0  }
0x20: {  	[sflag:s8] =	ssyncset.s32 @!p0 $0xFFFFF086;
	s6 =	sadd.s32 @!p0 s3, s7;
	s7 =	simm.s32 @!p0 $0x108  }
0x21: {  	s3 =	sadd.s32 s3, s9;
	s6 =	sadd.s32 @!p0 $0x88, s6;
	s7 =	simm.s32 @p2 $0x1082  }
0x22: {  	[simem:s7], [sflag:s8] =	dma.local @!p0 [hbm:s6], $0xF7A  }
0x23: {  	s9 =	sor.u32 $0xD0000000, s2;
	s6 =	simm.s32 $0x108;
	_ =	swait.ge @!p0 [sflag:s8], $0x0  }
0x24: {  	s3 =	sadd.s32 $0x88, s3;
	s6 =	simm.s32 @!p1 $0x1082;
	[sflag:s4] =	ssyncset.s32 $0xFFFFF086  }
0x25: {  	[simem:s6], [sflag:s4] =	dma.local [hbm:s3], $0xF7A  }
0x26: {  	[smem:$0x3F99] =	sst s1;
	(tag) =	ssettag s2;
	_ =	strace s9  }
0x27: {  	s1 =	sld [smem:$0x3FA9]  }
0x28: {  	s2 =	sld [smem:$0x3FAA]  }
0x29: {  	s4 =	sld [smem:$0x3FAC]  }
0x2a: {  	p0 =	seq.s32 s5, $0x0;
	s5 =	sld [smem:$0x3FAD]  }
0x2b: {  	s6 =	sld [smem:$0x3FAE]  }
0x2c: {  	s7 =	sld [smem:$0x3FAF]  }
0x2d: {  	s3 =	simm.s32 $0x108;
	s8 =	sld [smem:$0x3FB0]  }
0x2e: {  	s3 =	simm.s32 @!p0 $0x1082;
	s9 =	sld [smem:$0x3FB1]  }
0x2f: {  	lr =	sadd.s32 s0, s3;
	s0 =	sld [smem:$0x3FA8]  }
0x30: {  	s3 =	sld [smem:$0x3FAB]  }
0x31: {  	[smem:$0x3FB4] =	sst s10  }
0x32: {  	s10 =	sld [smem:$0x3FB2];
	_ =	sdelay $0x3  }
0x33: {  	p0 =	seq.s32 s10, $0x1;
	s10 =	sld [smem:$0x3FB4];
	_ =	sdelay $0x3  }
0x34: {  	[smem:$0x3FB4] =	sst s10  }
0x35: {  	s10 =	sld [smem:$0x3FB3];
	_ =	sdelay $0x3  }
0x36: {  	p1 =	seq.s32 s10, $0x1;
	s10 =	sld [smem:$0x3FB4];
	_ =	sdelay $0x3  }
0x37: {  	[smem:$0x3FB4] =	sst s10  }
0x38: {  	s10 =	sld [smem:$0x3FB5]  }
0x39: {  	_ = 	snop;
	(pc) =	sbr.ind lr, $3  }
0x3a: {  	_ = 	snop  }
0x3b: {  	_ = 	snop  }
0x3c: {  	p2 =	seq.s32 s10, $0x1;
	s10 =	sld [smem:$0x3FB4]  }
0x3d: {  	_ =	shalt  }
0x3e: {  	_ =	shalt  }
0x3f: {  	_ =	shalt  }
0x40: {  	_ =	shalt  }
0x41: {  	_ =	shalt  }
0x42: {  	_ =	shalt  }
0x43: {  	_ =	shalt  }
0x44: {  	_ =	shalt  }
0x45: {  	_ =	shalt  }
0x46: {  	_ =	shalt  }
0x47: {  	_ =	shalt  }
0x48: {  	_ =	shalt  }
0x49: {  	_ =	shalt  }
0x4a: {  	_ =	shalt  }
0x4b: {  	_ =	shalt  }
0x4c: {  	_ =	shalt  }
0x4d: {  	_ =	shalt  }
0x4e: {  	_ =	shalt  }
0x4f: {  	_ =	shalt  }
0x50: {  	_ =	shalt  }
0x51: {  	_ =	shalt  }
0x52: {  	_ =	shalt  }
0x53: {  	_ =	shalt  }
0x54: {  	_ =	shalt  }
0x55: {  	_ =	shalt  }
0x56: {  	_ =	shalt  }
0x57: {  	_ =	shalt  }
0x58: {  	_ =	shalt  }
0x59: {  	_ =	shalt  }
0x5a: {  	_ =	shalt  }
0x5b: {  	_ =	shalt  }
0x5c: {  	_ =	shalt  }
0x5d: {  	_ =	shalt  }
0x5e: {  	_ =	shalt  }
0x5f: {  	_ =	shalt  }
0x60: {  	_ =	shalt  }
0x61: {  	_ =	shalt  }
0x62: {  	_ =	shalt  }
0x63: {  	_ =	shalt  }
0x64: {  	_ =	shalt  }
0x65: {  	_ =	shalt  }
0x66: {  	_ =	shalt  }
0x67: {  	_ =	shalt  }
0x68: {  	_ =	shalt  }
0x69: {  	_ =	shalt  }
0x6a: {  	_ =	shalt  }
0x6b: {  	_ =	shalt  }
0x6c: {  	_ =	shalt  }
0x6d: {  	_ =	shalt  }
0x6e: {  	_ =	shalt  }
0x6f: {  	_ =	shalt  }
0x70: {  	_ =	shalt  }
0x71: {  	_ =	shalt  }
0x72: {  	_ =	shalt  }
0x73: {  	_ =	shalt  }
0x74: {  	_ =	shalt  }
0x75: {  	_ =	shalt  }
0x76: {  	_ =	shalt  }
0x77: {  	_ =	shalt  }
0x78: {  	_ =	shalt  }
0x79: {  	_ =	shalt  }
0x7a: {  	_ =	shalt  }
0x7b: {  	_ =	shalt  }
0x7c: {  	_ =	shalt  }
0x7d: {  	_ =	shalt  }
0x7e: {  	_ =	shalt  }
0x7f: {  	_ =	shalt  }
0x80: {  	_ =	shalt  }
0x81: {  	_ =	shalt  }
0x82: {  	_ =	shalt  }
0x83: {  	_ =	shalt  }
0x84: {  	_ =	shalt  }
0x85: {  	_ =	shalt  }
0x86: {  	_ =	shalt  }
0x87: {  	_ =	shalt  }
.Lfunc_end0:
.L_simem_size_0:
called_computation.1_lowered:
.L_overlay_start_0:
0x88: {  	s2 =	sld [smem:$0x3FD9]  }
0x89: {  	s3 =	sld [smem:$0x3FFE];
	_ =	sdelay $0x1  }
0x8a: {  	s1 =	srdreg.scid  }
0x8b: {  	s0 =	sand.u32 $0x1, s1  }
0x8c: {  	s17 =	sshll.u32 s0, $0xA;
	s2 =	sadd.s32 s3, s2  }
0x8d: {  	s2 =	sadd.s32 s2, s17  }
0x8e: {  	[smem:$0x3FC0] =	sst s2  }
0x8f: {  	_ = 	snop  }
0x90: {  	s18 =	sld [smem:$0x3FC8];
	(tm) =	ssettm $0x1  }
0x91: {  	s19 =	sld [smem:$0x3FFB];
	_ =	sdelay $0x3  }
0x92: {  	_ =	strace s19  }
0x93: {  	s2 =	sld [smem:$0x3FFC];
	_ =	sdelay $0x3  }
0x94: {  	_ =	strace s2  }
0x95: {  	s2 =	sld [smem:$0x3FFD];
	_ =	sdelay $0x3  }
0x96: {  	_ =	strace s2  }
0x97: {  	_ =	strace $0x8FFFFFFF  }
0x98: {  	s20 =	sld [smem:$0x3FDB];
	_ =	sdelay $0x1  }
0x99: {  	s4 =	simm.s32 $_scs_section_size  }
0x9a: {  	s5 =	simm.s32 $_size__tile_overlayer_lowered;
	s6 =	simm.s32 $_tile_overlayer_lowered  }
0x9b: {  	s7 =	simm.s32 $0x1BFF;
	s21 =	sshll.u32 s6, $0x1;
	s4 =	sadd.s32 s4, s20  }
0x9c: {  	s22 =	simm.s32 $0x0;
	s5 =	sshll.u32 s5, $0x1;
	s6 =	sadd.s32 s21, s4  }
0x9d: {  	[timem:s22], [sflag:s7] =	dma.local [hbm:s6], s5  }
0x9e: {  	_ =	swait.ge [sflag:s7], s5  }
0x9f: {  	s5 =	ssub.s32 $0x0, s5;
	[sflag:s7] =	ssyncset.done $0x0  }
0xa0: {  	[sflag:s7] =	ssyncadd.s32 s5;
	_ =	sdelay $0x1  }
0xa1: {  	s23 =	simm.s32 $0x1B8B  }
0xa2: {  	_ =	swait.ge [sflag:s23], $0x1  }
0xa3: {  	[sflag:s23] =	ssyncset.done $0x0  }
0xa4: {  	[sflag:s23] =	ssyncadd.s32 $0xFFFFFFFF  }
0xa5: {  	s5 =	sld [smem:$0x0]  }
0xa6: {  	s6 =	sand.u32 $0xFFFFFFFE, s1  }
0xa7: {  	p0 =	sne.s32 s1, s6  }
0xa8: {  	s6 =	sshll.u32 @p0 s6, $0xE  }
0xa9: {  	s6 =	sadd.s32 @p0 $0x11B8D, s6;
	s7 =	sshll.u32 @p0 s5, $0x11  }
0xaa: {  	s6 =	sor.u32 @p0 s7, s6  }
0xab: {  	[sflag:s6] =	ssyncadd.remote.s32 @p0 $0x1;
	_ =	sdelay $0x1  }
0xac: {  	s6 =	simm.s32 @p0 $0x1B8D  }
0xad: {  	_ =	swait.eq @p0 [sflag:s6], $0x1  }
0xae: {  	[sflag:s6] =	ssyncadd.s32 @p0 $0xFFFFFFFF  }
0xaf: {  	s7 =	sshll.u32 @!p0 s1, $0xE  }
0xb0: {  	s7 =	sor.u32 @!p0 $0x4000, s7;
	s6 =	simm.s32 @!p0 $0x1B8D  }
0xb1: {  	s5 =	sshll.u32 @!p0 s5, $0x11;
	s7 =	sadd.s32 @!p0 $0x11B8D, s7;
	_ =	swait.eq @!p0 [sflag:s6], $0x1  }
0xb2: {  	s5 =	sor.u32 @!p0 s5, s7;
	[sflag:s6] =	ssyncadd.s32 @!p0 $0xFFFFFFFF  }
0xb3: {  	s25 =	simm.s32 $0x1B8E;
	s24 =	sld [smem:$0x3FFE];
	[sflag:s5] =	ssyncadd.remote.s32 @!p0 $0x1  }
0xb4: {  	s26 =	simm.s32 $execute0_lowered;
	[smem:$0x3FD2] =	sst s25  }
0xb5: {  	s6 =	sshll.u32 s26, $0x1;
	_ =	strace $0x80000049;
	[dreg:$0x1] =	wrdreg $0xFFFFFFFF  }
0xb6: {  	s28 =	simm.s32 $_size_execute0_lowered;
	s4 =	sadd.s32 s4, s6;
	[dreg:$0x0] =	wrdreg $0x0  }
0xb7: {  	s6 =	sshll.u32 s28, $0x1;
	[dreg:$0x2] =	wrdreg s4  }
0xb8: {  	[dreg:$0x3] =	wrdreg s6  }
0xb9: {  	[dreg:$0x4] =	wrdreg $0xC0  }
0xba: {  	_ =	task [dreg:s22], $0x5FFFF  }
0xbb: {  	[dreg:$0x1] =	wrdreg $0xFFFFFFFF  }
0xbc: {  	[dreg:$0x0] =	wrdreg $0x60  }
0xbd: {  	[dreg:$0x2] =	wrdreg s18  }
0xbe: {  	[dreg:$0x3] =	wrdreg s24  }
0xbf: {  	[dreg:$0x4] =	wrdreg $0xA8000  }
0xc0: {  	[dreg:$0x5] =	wrdreg $0xA  }
0xc1: {  	_ =	task.clear_ibuf [dreg:s22], $0x6FFFF;
	_ =	strace $0x90000049  }
0xc2: {  	s29 =	simm.s32 $0xA;
	_ =	strace $0x8000004B  }
0xc3: {  	_ =	swait.ge [sflag:s29], $0x1  }
0xc4: {  	[sflag:s29] =	ssyncadd.s32 $0xFFFFFFFF  }
0xc5: {  	_ =	strace $0x9000004B  }
0xc6: {  	_ =	sfence  }
0xc7: {  	s30 =	sld [smem:$0x0];
	_ =	sdelay $0x2  }
0xc8: {  	s31 =	sshll.u32 s1, $0xD;
	s1 =	sshrl.u32 s1, $0x2  }
0xc9: {  	s4 =	sand.u32 $0x4000, s31;
	s1 =	sadd.s32 s1, s30  }
0xca: {  	s0 =	sor.u32 s4, s0;
	s1 =	sshll.u32 s1, $0x11  }
0xcb: {  	s0 =	sor.u32 s1, s0  }
0xcc: {  	s0 =	sadd.s32 $0x8F2B, s0  }
0xcd: {  	[sflag:s0] =	ssyncadd.remote.s32 $0x1  }
0xce: {  	_ =	sfence.sel $0xFFFF  }
0xcf: {  	[dreg:$0x0] =	wrdreg $0xFFFFFFFF;
	(pc) =	sbr.abs _section_cstart, $3  }
0xd0: {  	[dreg:$0x1] =	wrdreg $0xFFFFFFFF  }
0xd1: {  	_ =	task.clear_ibuf [dreg:s22], $0x2FFFF;
	_ =	strace $0x9FFFFFFF  }
0xd2: {  	(tm) =	ssettm $0x7FFFFFFF  }
0xd3: {  	_ =	shalt  }
tec
execute0_lowered:
.L_overlay_start_1:
0x0: {  	(tag) =	ssettag $0x1  }
0x1: {  	s1 =	rddreg [dreg:$0x0]  }
0x2: {  	s0 =	rddreg [dreg:$0x1]  }
0x3: {  	s2 =	rddreg [dreg:$0x2];
	s3 =	srdreg.scid  }
0x4: {  	s4 =	simm.s32 $0x0;
	s14 =	stileid.u32;
	s17 =	simm.s32 $0x2800  }
0x5: {  	s18 =	simm.s32 $0x5;
	s19 =	simm.s32 $0x80;
	s20 =	simm.s32 $0x100  }
0x6: {  	s21 =	simm.s32 $0x1400;
	s22 =	simm.s32 $0x6800;
	s23 =	simm.s32 $0x1  }
0x7: {  	s28 =	simm.s32 $0x4;
	s29 =	simm.s32 $0x1380;
	s30 =	simm.s32 $0x2700  }
0x8: {  	s31 =	simm.s32 $0x2780;
	s3 =	sand.u32 $0x1, s3;
	s9 =	smul.u32 $0x14000, s14  }
0x9: {  	[smem:$0x7FF] =	sst s4;
	s10 =	smul.u32 $0x50000, s14;
	s5 =	sadd.s32 $0x3400, s0  }
0xa: {  	s6 =	sadd.s32 $0x8E00, s0;
	s7 =	sadd.s32 $0x30000, s0;
	s13 =	smul.u32 $0x2800, s14  }
0xb: {  	p1 =	seq.s32 s14, $0xF;
	s14 =	sadd.s32 $0x9B00, s1;
	s8 =	smul.u32 $0x140000, s3  }
0xc: {  	_ =	strace $0x8000004A;
	s24 =	ssub.s32 $0x2, s3;
	p0 =	seq.s32 s3, $0x1  }
0xd: {  	s10 =	sshrl.u32 s10, $0x2;
	s12 =	sshrl.u32 s24, $0x1;
	s8 =	sadd.s32 s9, s8  }
0xe: {  	s9 =	ssub.s32 s24, s12;
	s11 =	sshrl.u32 s8, $0x3;
	s8 =	sadd.s32 s10, s2  }
.Ltmp0:
0xf: {  	s24 =	simm.s32 $0x3;
	s10 =	sadd.s32 $0x4000, s8;
	(pc) =	sbr.rel .LBB2_1-.Ltmp0, $4  }
0x10: {  	s16 =	smax.u32 s9, $0x1;
	s25 =	sadd.s32 $0x8000, s8;
	[dreg:$0x4] =	wrdreg s10  }
0x11: {  	s0 =	sadd.s32 s11, s0;
	s26 =	sadd.s32 $0xC000, s8;
	[dreg:$0x5] =	wrdreg s25  }
0x12: {  	s12 =	sadd.s32 $0x10000, s8;
	[dreg:$0x6] =	wrdreg s26;
	s15 =	sadd.s32 $0x57200, s0  }
0x13: {  	v0 =	vimm.f32 $0.0e+00;
	v1 =	vlaneseq.u32;
	s25 =	simm.s32 $0x2;
	s26 =	simm.s32 $0x1480;
	s0 =	simm.s32 $0x0  }
.LBB2_20:
0x14: {  	s3 =	stileid.u32;
	s0 =	sadd.s32 $0x1, s0  }
0x15: {  	[bflag:$0x0] =	sbarrier.arrive $0xFFFF;
	s3 =	sshll.u32 s3, $0x6;
	p2 =	sne.s32 s0, s16  }
.Ltmp1:
0x16: {  	s9 =	sshrl.u32 s8, $0x3;
	s3 =	sor.u32 $0x1C05, s3;
	(pc) =	sbr.rel @!p2 .LBB2_21-.Ltmp1, $4  }
0x17: {  	[hbm:s15], [sflag:s3] =	dma.local [spmem:s9], $0x2800  }
0x18: {  	_ =	swait.ge [sflag:s18], $0x2800  }
0x19: {  	[sflag:s18] =	ssyncset.done $0x0  }
0x1a: {  	[sflag:s18] =	ssyncadd.s32 $0xFFFFD800  }
.LBB2_1:
0x1b: {  	s3 =	simm.s32 $0x0;
	s9 =	simm.s32 $0x200  }
.LBB2_2:
0x1c: {  	p2 =	sne.s32 s9, $0xFE00;
	[tilespmem:s3+$0x2870] =	vst v0  }
0x1d: {  	[tilespmem:s3+$0x2800] =	vst v0  }
0x1e: {  	[tilespmem:s3+$0x2810] =	vst v0  }
.Ltmp2:
0x1f: {  	[tilespmem:s3+$0x2820] =	vst v0;
	(pc) =	sbr.rel @p2 .LBB2_2-.Ltmp2, $4  }
0x20: {  	[tilespmem:s3+$0x2830] =	vst v0  }
0x21: {  	[tilespmem:s3+$0x2840] =	vst v0  }
0x22: {  	[tilespmem:s3+$0x2850] =	vst v0  }
0x23: {  	[tilespmem:s3+$0x2860] =	vst v0;
	s3 =	sshra.s32 s9, $0x2;
	s9 =	sadd.s32 $0x200, s9  }
0x24: {  	[tilespmem:s3+$0x2870] =	vst v0  }
0x25: {  	[tilespmem:s3+$0x2800] =	vst v0  }
0x26: {  	[tilespmem:s3+$0x2810] =	vst v0  }
0x27: {  	[tilespmem:s3+$0x2820] =	vst v0  }
0x28: {  	[tilespmem:s3+$0x2830] =	vst v0  }
0x29: {  	[tilespmem:s3+$0x2840] =	vst v0  }
0x2a: {  	[tilespmem:s3+$0x2850] =	vst v0  }
0x2b: {  	[tilespmem:s3+$0x2860] =	vst v0  }
0x2c: {  	[spmem:s8] =	stream.linear.scatter [tilespmem:s17], [sflag:$0x5], $0x4000, $0x38;
	[tilespmem:$0x1E800] =	vst v63  }
0x2d: {  	_ =	swait.ge [sflag:s18], $0x4000  }
0x2e: {  	[sflag:s18] =	ssyncset.done $0x0  }
0x2f: {  	s9 =	rddreg [dreg:$0x4];
	[sflag:s18] =	ssyncadd.s32 $0xFFFFC000  }
0x30: {  	[spmem:s9] =	stream.linear.scatter [tilespmem:s17], [sflag:$0x5], $0x4000, $0x38;
	[tilespmem:$0x1E800] =	vst v63  }
0x31: {  	_ =	swait.ge [sflag:s18], $0x4000  }
0x32: {  	[sflag:s18] =	ssyncset.done $0x0  }
0x33: {  	s10 =	rddreg [dreg:$0x5];
	[sflag:s18] =	ssyncadd.s32 $0xFFFFC000  }
0x34: {  	[spmem:s10] =	stream.linear.scatter [tilespmem:s17], [sflag:$0x5], $0x4000, $0x38;
	[tilespmem:$0x1E800] =	vst v63  }
0x35: {  	_ =	swait.ge [sflag:s18], $0x4000  }
0x36: {  	[sflag:s18] =	ssyncset.done $0x0  }
0x37: {  	s11 =	rddreg [dreg:$0x6];
	[sflag:s18] =	ssyncadd.s32 $0xFFFFC000  }
0x38: {  	[spmem:s11] =	stream.linear.scatter [tilespmem:s17], [sflag:$0x5], $0x4000, $0x38;
	[tilespmem:$0x1E800] =	vst v63  }
0x39: {  	_ =	swait.ge [sflag:s18], $0x4000  }
0x3a: {  	[sflag:s18] =	ssyncset.done $0x0  }
0x3b: {  	[sflag:s18] =	ssyncadd.s32 $0xFFFFC000  }
0x3c: {  	[spmem:s12] =	stream.linear.scatter [tilespmem:s17], [sflag:$0x5], $0x4000, $0x38;
	[tilespmem:$0x1E800] =	vst v63  }
.Ltmp3:
0x3d: {  	_ =	swait.ge [sflag:s18], $0x4000;
	(pc) =	sbr.rel @!p0 .LBB2_4-.Ltmp3, $4  }
0x3e: {  	[sflag:s18] =	ssyncset.done $0x0  }
0x3f: {  	[sflag:s18] =	ssyncadd.s32 $0xFFFFC000  }
0x40: {  	[bflag:$0x0] =	sbarrier.arrive $0xFFFF  }
0x41: {  	s3 =	simm.s32 $0x0;
	p4 =	por $0x1, $0x1;
	p3 =	por $0x0, $0x0  }
.LBB2_12:
.Ltmp4:
0x42: {  	(pc) =	sbr.rel @!p3 .LBB2_16-.Ltmp4, $2  }
0x43: {  	_ =	sdelay $0x2  }
0x44: {  	p2 =	por p4, p4;
	s3 =	sadd.s32 s13, s3  }
0x45: {  	s10 =	simm.s32 $0x0  }
0x46: {  	[tilespmem:s10], [sflag:$0x5] =	stream.strided.gather [hbm4b:s14+s19], $0x500, s20, s19, $0x38;
	[tilespmem:$0x1E800] =	vst v63  }
0x47: {  	_ =	swait.ge [sflag:s18], $0x500  }
0x48: {  	s11 =	sand.u32 $0x70, s10;
	[sflag:s18] =	ssyncset.done $0x0  }
0x49: {  	s9 =	simm.s32 $0x10;
	s10 =	sand.u32 $0xFF0, s10;
	v2 =	vor.u32 s11, v1;
	[sflag:s18] =	ssyncadd.s32 $0xFFFFFB00  }
.LBB2_14:
0x4a: {  	p3 =	seq.s32 s9, $0xEF0;
	[tilespmem:s10+$0x500] =	vst v2;
	s10 =	smov.u32 s9;
	s9 =	sadd.s32 $0x10, s9  }
.Ltmp5:
0x4b: {  	(pc) =	sbr.rel @!p3 .LBB2_14-.Ltmp5, $3  }
0x4c: {  	_ =	sdelay $0x1  }
0x4d: {  	s11 =	sand.u32 $0x70, s10  }
0x4e: {  	s10 =	sand.u32 $0xFF0, s10;
	v2 =	vor.u32 s11, v1  }
.Ltmp6:
0x4f: {  	(pc) =	sbr.rel .LBB2_17-.Ltmp6, $2  }
0x50: {  	_ =	sdelay $0x2  }
0x51: {  	[tilespmem:s10+$0x500] =	vst v2  }
.LBB2_16:
0x52: {  	s9 =	sshrl.u32 s3, $0x2  }
0x53: {  	s9 =	sadd.s32 s1, s9  }
0x54: {  	[tilespmem:s4], [sflag:$0x5] =	stream.strided.gather [hbm4b:s9+s19], $0x1400, s20, s19, $0x38;
	[tilespmem:$0x1E800] =	vst v63  }
0x55: {  	_ =	swait.ge [sflag:s18], $0x1400  }
0x56: {  	[sflag:s18] =	ssyncset.done $0x0  }
0x57: {  	[sflag:s18] =	ssyncadd.s32 $0xFFFFEC00  }
.LBB2_17:
0x58: {  	s3 =	sshrl.u32 s3, $0x3  }
0x59: {  	s3 =	sadd.s32 s5, s3  }
0x5a: {  	[tilespmem:s21], [sflag:$0x5] =	stream.linear.gather [hbm4b:s3+s4], $0x1400, $0x38;
	[tilespmem:$0x1E800] =	vst v63  }
0x5b: {  	_ =	swait.ge [sflag:s18], $0x1400  }
0x5c: {  	[sflag:s18] =	ssyncset.done $0x0  }
0x5d: {  	[sflag:s18] =	ssyncadd.s32 $0xFFFFEC00  }
0x5e: {  	[tilespmem:s17], [sflag:$0x1] =	stream.indirect.gather [hbm4b:s7+s19], $0x80, s4, s19, $0xb8;
	[tilespmem:$0x1E800] =	vst v63  }
0x5f: {  	_ = 	snop  }
0x60: {  	[tilespmem:s22], [sflag:$0x2] =	stream.indirect.gather [hbm4b:s7+s19], $0x80, s19, s19, $0xb8;
	[tilespmem:$0x1E800] =	vst v63  }
0x61: {  	_ =	swait.ge [sflag:s23], $0x4000  }
0x62: {  	[sflag:s23] =	ssyncset.done $0x0  }
0x63: {  	[sflag:s23] =	ssyncadd.s32 $0xFFFFC000  }
0x64: {  	[spmem:s2] =	stream.indirect.scatter.add.f32 [tilespmem:s17], [sflag:$0x3], $0x80, s21, s19, $0xb8;
	[tilespmem:$0x1E800] =	vst v63  }
0x65: {  	_ =	swait.ge [sflag:s24], $0x4000  }
0x66: {  	[sflag:s24] =	ssyncset.done $0x0  }
0x67: {  	[sflag:s24] =	ssyncadd.s32 $0xFFFFC000  }
0x68: {  	[tilespmem:s17], [sflag:$0x1] =	stream.indirect.gather [hbm4b:s7+s19], $0x80, s20, s19, $0xb8;
	[tilespmem:$0x1E800] =	vst v63  }
0x69: {  	_ =	swait.ge [sflag:s25], $0x4000  }
0x6a: {  	[sflag:s25] =	ssyncset.done $0x0  }
0x6b: {  	[sflag:s25] =	ssyncadd.s32 $0xFFFFC000  }
0x6c: {  	[spmem:s2] =	stream.indirect.scatter.add.f32 [tilespmem:s22], [sflag:$0x4], $0x80, s26, s19, $0xb8;
	[tilespmem:$0x1E800] =	vst v63  }
0x6d: {  	_ =	swait.ge [sflag:s28], $0x4000  }
0x6e: {  	[sflag:s28] =	ssyncset.done $0x0  }
0x6f: {  	s9 =	simm.s32 $0x180;
	[sflag:s28] =	ssyncadd.s32 $0xFFFFC000  }
0x70: {  	[tilespmem:s22], [sflag:$0x2] =	stream.indirect.gather [hbm4b:s7+s19], $0x80, s9, s19, $0xb8;
	[tilespmem:$0x1E800] =	vst v63  }
0x71: {  	_ =	swait.ge [sflag:s23], $0x4000  }
0x72: {  	[sflag:s23] =	ssyncset.done $0x0  }
0x73: {  	s10 =	simm.s32 $0x1500;
	[sflag:s23] =	ssyncadd.s32 $0xFFFFC000  }
0x74: {  	[spmem:s2] =	stream.indirect.scatter.add.f32 [tilespmem:s17], [sflag:$0x3], $0x80, s10, s19, $0xb8;
	[tilespmem:$0x1E800] =	vst v63  }
0x75: {  	_ =	swait.ge [sflag:s24], $0x4000  }
0x76: {  	[sflag:s24] =	ssyncset.done $0x0  }
0x77: {  	s11 =	simm.s32 $0x200;
	[sflag:s24] =	ssyncadd.s32 $0xFFFFC000  }
0x78: {  	[tilespmem:s17], [sflag:$0x1] =	stream.indirect.gather [hbm4b:s7+s19], $0x80, s11, s19, $0xb8;
	[tilespmem:$0x1E800] =	vst v63  }
0x79: {  	_ =	swait.ge [sflag:s25], $0x4000  }
0x7a: {  	[sflag:s25] =	ssyncset.done $0x0  }
0x7b: {  	s3 =	simm.s32 $0xFFFFBC00;
	s9 =	simm.s32 $0x1580;
	[sflag:s25] =	ssyncadd.s32 $0xFFFFC000  }
.LBB2_18:
0x7c: {  	[spmem:s2] =	stream.indirect.scatter.add.f32 [tilespmem:s22], [sflag:$0x4], $0x80, s9, s19, $0xb8;
	[tilespmem:$0x1E800] =	vst v63  }
0x7d: {  	s9 =	smov.u32 s3  }
0x7e: {  	p3 =	sne.s32 s3, $0xFFFFFC00;
	s3 =	sadd.s32 $0x400, s3;
	_ =	swait.ge [sflag:s28], $0x4000  }
0x7f: {  	s9 =	sshra.s32 s9, $0x2;
	[sflag:s28] =	ssyncset.done $0x0  }
0x80: {  	s10 =	sadd.s32 $0x1380, s9;
	[sflag:s28] =	ssyncadd.s32 $0xFFFFC000  }
0x81: {  	[tilespmem:s22], [sflag:$0x2] =	stream.indirect.gather [hbm4b:s7+s19], $0x80, s10, s19, $0xb8;
	[tilespmem:$0x1E800] =	vst v63  }
0x82: {  	_ =	swait.ge [sflag:s23], $0x4000  }
0x83: {  	[sflag:s23] =	ssyncset.done $0x0  }
0x84: {  	s10 =	sadd.s32 $0x2700, s9;
	[sflag:s23] =	ssyncadd.s32 $0xFFFFC000  }
0x85: {  	[spmem:s2] =	stream.indirect.scatter.add.f32 [tilespmem:s17], [sflag:$0x3], $0x80, s10, s19, $0xb8;
	[tilespmem:$0x1E800] =	vst v63  }
0x86: {  	_ =	swait.ge [sflag:s24], $0x4000  }
0x87: {  	[sflag:s24] =	ssyncset.done $0x0  }
.Ltmp7:
0x88: {  	s10 =	sadd.s32 $0x1400, s9;
	[sflag:s24] =	ssyncadd.s32 $0xFFFFC000;
	(pc) =	sbr.rel @p3 .LBB2_18-.Ltmp7, $4  }
0x89: {  	[tilespmem:s17], [sflag:$0x1] =	stream.indirect.gather [hbm4b:s7+s19], $0x80, s10, s19, $0xb8;
	[tilespmem:$0x1E800] =	vst v63  }
0x8a: {  	_ =	swait.ge [sflag:s25], $0x4000  }
0x8b: {  	[sflag:s25] =	ssyncset.done $0x0  }
0x8c: {  	s9 =	sadd.s32 $0x2780, s9;
	[sflag:s25] =	ssyncadd.s32 $0xFFFFC000  }
0x8d: {  	[spmem:s2] =	stream.indirect.scatter.add.f32 [tilespmem:s22], [sflag:$0x4], $0x80, s9, s19, $0xb8;
	[tilespmem:$0x1E800] =	vst v63  }
0x8e: {  	_ =	swait.ge [sflag:s28], $0x4000  }
0x8f: {  	[sflag:s28] =	ssyncset.done $0x0  }
0x90: {  	[sflag:s28] =	ssyncadd.s32 $0xFFFFC000  }
0x91: {  	[tilespmem:s22], [sflag:$0x2] =	stream.indirect.gather [hbm4b:s7+s19], $0x80, s29, s19, $0xb8;
	[tilespmem:$0x1E800] =	vst v63  }
0x92: {  	_ =	swait.ge [sflag:s23], $0x4000  }
0x93: {  	[sflag:s23] =	ssyncset.done $0x0  }
0x94: {  	[sflag:s23] =	ssyncadd.s32 $0xFFFFC000  }
0x95: {  	[spmem:s2] =	stream.indirect.scatter.add.f32 [tilespmem:s17], [sflag:$0x3], $0x80, s30, s19, $0xb8;
	[tilespmem:$0x1E800] =	vst v63  }
0x96: {  	_ =	swait.ge [sflag:s25], $0x4000  }
0x97: {  	[sflag:s25] =	ssyncset.done $0x0  }
0x98: {  	[sflag:s25] =	ssyncadd.s32 $0xFFFFC000  }
0x99: {  	[spmem:s2] =	stream.indirect.scatter.add.f32 [tilespmem:s22], [sflag:$0x4], $0x80, s31, s19, $0xb8;
	[tilespmem:$0x1E800] =	vst v63  }
0x9a: {  	_ =	swait.ge [sflag:s24], $0x4000  }
.Ltmp8:
0x9b: {  	[sflag:s24] =	ssyncset.done $0x0;
	(pc) =	sbr.rel @p2 .LBB2_12-.Ltmp8, $4  }
.Ltmp9:
0x9c: {  	[sflag:s24] =	ssyncadd.s32 $0xFFFFC000;
	(pc) =	sbr.rel @!p2 .LBB2_20-.Ltmp9, $4  }
0x9d: {  	_ =	swait.ge [sflag:s28], $0x4000  }
0x9e: {  	s3 =	simm.s32 $0x1400;
	[sflag:s28] =	ssyncset.done $0x0  }
0x9f: {  	p4 =	por $0x0, $0x0;
	p3 =	por p1, p1;
	[sflag:s28] =	ssyncadd.s32 $0xFFFFC000  }
0xa0: {  	_ = 	snop  }
.LBB2_4:
.Ltmp10:
0xa1: {  	(pc) =	sbr.rel @!p3 .LBB2_8-.Ltmp10, $2  }
0xa2: {  	_ =	sdelay $0x2  }
0xa3: {  	p2 =	por p4, p4;
	s3 =	sadd.s32 s13, s3  }
0xa4: {  	s10 =	simm.s32 $0x0  }
0xa5: {  	[tilespmem:s10], [sflag:$0x5] =	stream.strided.gather [hbm4b:s14+s19], $0x500, s20, s19, $0x38;
	[tilespmem:$0x1E800] =	vst v63  }
0xa6: {  	_ =	swait.ge [sflag:s18], $0x500  }
0xa7: {  	s11 =	sand.u32 $0x70, s10;
	[sflag:s18] =	ssyncset.done $0x0  }
0xa8: {  	s9 =	simm.s32 $0x10;
	s10 =	sand.u32 $0xFF0, s10;
	v2 =	vor.u32 s11, v1;
	[sflag:s18] =	ssyncadd.s32 $0xFFFFFB00  }
.LBB2_6:
0xa9: {  	p3 =	seq.s32 s9, $0xEF0;
	[tilespmem:s10+$0x500] =	vst v2;
	s10 =	smov.u32 s9;
	s9 =	sadd.s32 $0x10, s9  }
.Ltmp11:
0xaa: {  	(pc) =	sbr.rel @!p3 .LBB2_6-.Ltmp11, $3  }
0xab: {  	_ =	sdelay $0x1  }
0xac: {  	s11 =	sand.u32 $0x70, s10  }
0xad: {  	s10 =	sand.u32 $0xFF0, s10;
	v2 =	vor.u32 s11, v1  }
.Ltmp12:
0xae: {  	(pc) =	sbr.rel .LBB2_9-.Ltmp12, $2  }
0xaf: {  	_ =	sdelay $0x2  }
0xb0: {  	[tilespmem:s10+$0x500] =	vst v2  }
.LBB2_8:
0xb1: {  	s9 =	sshrl.u32 s3, $0x2  }
0xb2: {  	s9 =	sadd.s32 s1, s9  }
0xb3: {  	[tilespmem:s4], [sflag:$0x5] =	stream.strided.gather [hbm4b:s9+s19], $0x1400, s20, s19, $0x38;
	[tilespmem:$0x1E800] =	vst v63  }
0xb4: {  	_ =	swait.ge [sflag:s18], $0x1400  }
0xb5: {  	[sflag:s18] =	ssyncset.done $0x0  }
0xb6: {  	[sflag:s18] =	ssyncadd.s32 $0xFFFFEC00  }
.LBB2_9:
0xb7: {  	s3 =	sshrl.u32 s3, $0x3  }
0xb8: {  	s3 =	sadd.s32 s5, s3  }
0xb9: {  	[tilespmem:s21], [sflag:$0x5] =	stream.linear.gather [hbm4b:s3+s4], $0x1400, $0x38;
	[tilespmem:$0x1E800] =	vst v63  }
0xba: {  	_ =	swait.ge [sflag:s18], $0x1400  }
0xbb: {  	[sflag:s18] =	ssyncset.done $0x0  }
0xbc: {  	[sflag:s18] =	ssyncadd.s32 $0xFFFFEC00  }
0xbd: {  	[tilespmem:s17], [sflag:$0x1] =	stream.indirect.gather [hbm4b:s6+s19], $0x80, s4, s19, $0xb8;
	[tilespmem:$0x1E800] =	vst v63  }
0xbe: {  	_ = 	snop  }
0xbf: {  	[tilespmem:s22], [sflag:$0x2] =	stream.indirect.gather [hbm4b:s6+s19], $0x80, s19, s19, $0xb8;
	[tilespmem:$0x1E800] =	vst v63  }
0xc0: {  	_ =	swait.ge [sflag:s23], $0x4000  }
0xc1: {  	[sflag:s23] =	ssyncset.done $0x0  }
0xc2: {  	[sflag:s23] =	ssyncadd.s32 $0xFFFFC000  }
0xc3: {  	[spmem:s2] =	stream.indirect.scatter.add.f32 [tilespmem:s17], [sflag:$0x3], $0x80, s21, s19, $0xb8;
	[tilespmem:$0x1E800] =	vst v63  }
0xc4: {  	_ =	swait.ge [sflag:s24], $0x4000  }
0xc5: {  	[sflag:s24] =	ssyncset.done $0x0  }
0xc6: {  	[sflag:s24] =	ssyncadd.s32 $0xFFFFC000  }
0xc7: {  	[tilespmem:s17], [sflag:$0x1] =	stream.indirect.gather [hbm4b:s6+s19], $0x80, s20, s19, $0xb8;
	[tilespmem:$0x1E800] =	vst v63  }
0xc8: {  	_ =	swait.ge [sflag:s25], $0x4000  }
0xc9: {  	[sflag:s25] =	ssyncset.done $0x0  }
0xca: {  	[sflag:s25] =	ssyncadd.s32 $0xFFFFC000  }
0xcb: {  	[spmem:s2] =	stream.indirect.scatter.add.f32 [tilespmem:s22], [sflag:$0x4], $0x80, s26, s19, $0xb8;
	[tilespmem:$0x1E800] =	vst v63  }
0xcc: {  	_ =	swait.ge [sflag:s28], $0x4000  }
0xcd: {  	[sflag:s28] =	ssyncset.done $0x0  }
0xce: {  	s9 =	simm.s32 $0x180;
	[sflag:s28] =	ssyncadd.s32 $0xFFFFC000  }
0xcf: {  	[tilespmem:s22], [sflag:$0x2] =	stream.indirect.gather [hbm4b:s6+s19], $0x80, s9, s19, $0xb8;
	[tilespmem:$0x1E800] =	vst v63  }
0xd0: {  	_ =	swait.ge [sflag:s23], $0x4000  }
0xd1: {  	[sflag:s23] =	ssyncset.done $0x0  }
0xd2: {  	s10 =	simm.s32 $0x1500;
	[sflag:s23] =	ssyncadd.s32 $0xFFFFC000  }
0xd3: {  	[spmem:s2] =	stream.indirect.scatter.add.f32 [tilespmem:s17], [sflag:$0x3], $0x80, s10, s19, $0xb8;
	[tilespmem:$0x1E800] =	vst v63  }
0xd4: {  	_ =	swait.ge [sflag:s24], $0x4000  }
0xd5: {  	[sflag:s24] =	ssyncset.done $0x0  }
0xd6: {  	s11 =	simm.s32 $0x200;
	[sflag:s24] =	ssyncadd.s32 $0xFFFFC000  }
0xd7: {  	[tilespmem:s17], [sflag:$0x1] =	stream.indirect.gather [hbm4b:s6+s19], $0x80, s11, s19, $0xb8;
	[tilespmem:$0x1E800] =	vst v63  }
0xd8: {  	_ =	swait.ge [sflag:s25], $0x4000  }
0xd9: {  	[sflag:s25] =	ssyncset.done $0x0  }
0xda: {  	s3 =	simm.s32 $0xFFFFBC00;
	s9 =	simm.s32 $0x1580;
	[sflag:s25] =	ssyncadd.s32 $0xFFFFC000  }
.LBB2_10:
0xdb: {  	[spmem:s2] =	stream.indirect.scatter.add.f32 [tilespmem:s22], [sflag:$0x4], $0x80, s9, s19, $0xb8;
	[tilespmem:$0x1E800] =	vst v63  }
0xdc: {  	s9 =	smov.u32 s3  }
0xdd: {  	p3 =	sne.s32 s3, $0xFFFFFC00;
	s3 =	sadd.s32 $0x400, s3;
	_ =	swait.ge [sflag:s28], $0x4000  }
0xde: {  	s9 =	sshra.s32 s9, $0x2;
	[sflag:s28] =	ssyncset.done $0x0  }
0xdf: {  	s10 =	sadd.s32 $0x1380, s9;
	[sflag:s28] =	ssyncadd.s32 $0xFFFFC000  }
0xe0: {  	[tilespmem:s22], [sflag:$0x2] =	stream.indirect.gather [hbm4b:s6+s19], $0x80, s10, s19, $0xb8;
	[tilespmem:$0x1E800] =	vst v63  }
0xe1: {  	_ =	swait.ge [sflag:s23], $0x4000  }
0xe2: {  	[sflag:s23] =	ssyncset.done $0x0  }
0xe3: {  	s10 =	sadd.s32 $0x2700, s9;
	[sflag:s23] =	ssyncadd.s32 $0xFFFFC000  }
0xe4: {  	[spmem:s2] =	stream.indirect.scatter.add.f32 [tilespmem:s17], [sflag:$0x3], $0x80, s10, s19, $0xb8;
	[tilespmem:$0x1E800] =	vst v63  }
0xe5: {  	_ =	swait.ge [sflag:s24], $0x4000  }
0xe6: {  	[sflag:s24] =	ssyncset.done $0x0  }
.Ltmp13:
0xe7: {  	s10 =	sadd.s32 $0x1400, s9;
	[sflag:s24] =	ssyncadd.s32 $0xFFFFC000;
	(pc) =	sbr.rel @p3 .LBB2_10-.Ltmp13, $4  }
0xe8: {  	[tilespmem:s17], [sflag:$0x1] =	stream.indirect.gather [hbm4b:s6+s19], $0x80, s10, s19, $0xb8;
	[tilespmem:$0x1E800] =	vst v63  }
0xe9: {  	_ =	swait.ge [sflag:s25], $0x4000  }
0xea: {  	[sflag:s25] =	ssyncset.done $0x0  }
0xeb: {  	s9 =	sadd.s32 $0x2780, s9;
	[sflag:s25] =	ssyncadd.s32 $0xFFFFC000  }
0xec: {  	[spmem:s2] =	stream.indirect.scatter.add.f32 [tilespmem:s22], [sflag:$0x4], $0x80, s9, s19, $0xb8;
	[tilespmem:$0x1E800] =	vst v63  }
0xed: {  	_ =	swait.ge [sflag:s28], $0x4000  }
0xee: {  	[sflag:s28] =	ssyncset.done $0x0  }
0xef: {  	[sflag:s28] =	ssyncadd.s32 $0xFFFFC000  }
0xf0: {  	[tilespmem:s22], [sflag:$0x2] =	stream.indirect.gather [hbm4b:s6+s19], $0x80, s29, s19, $0xb8;
	[tilespmem:$0x1E800] =	vst v63  }
0xf1: {  	_ =	swait.ge [sflag:s23], $0x4000  }
0xf2: {  	[sflag:s23] =	ssyncset.done $0x0  }
0xf3: {  	[sflag:s23] =	ssyncadd.s32 $0xFFFFC000  }
0xf4: {  	[spmem:s2] =	stream.indirect.scatter.add.f32 [tilespmem:s17], [sflag:$0x3], $0x80, s30, s19, $0xb8;
	[tilespmem:$0x1E800] =	vst v63  }
0xf5: {  	_ =	swait.ge [sflag:s25], $0x4000  }
0xf6: {  	[sflag:s25] =	ssyncset.done $0x0  }
0xf7: {  	[sflag:s25] =	ssyncadd.s32 $0xFFFFC000  }
0xf8: {  	[spmem:s2] =	stream.indirect.scatter.add.f32 [tilespmem:s22], [sflag:$0x4], $0x80, s31, s19, $0xb8;
	[tilespmem:$0x1E800] =	vst v63  }
0xf9: {  	_ =	swait.ge [sflag:s24], $0x4000  }
.Ltmp14:
0xfa: {  	[sflag:s24] =	ssyncset.done $0x0;
	(pc) =	sbr.rel @p2 .LBB2_4-.Ltmp14, $4  }
.Ltmp15:
0xfb: {  	[sflag:s24] =	ssyncadd.s32 $0xFFFFC000;
	(pc) =	sbr.rel @!p2 .LBB2_20-.Ltmp15, $4  }
0xfc: {  	_ =	swait.ge [sflag:s28], $0x4000  }
0xfd: {  	s3 =	simm.s32 $0x1400;
	[sflag:s28] =	ssyncset.done $0x0  }
0xfe: {  	p4 =	por $0x0, $0x0;
	p3 =	por p1, p1;
	[sflag:s28] =	ssyncadd.s32 $0xFFFFC000  }
0xff: {  	_ = 	snop  }
.LBB2_21:
0x100: {  	_ =	sfence.sel $0x180000  }
0x101: {  	[bflag:$0x0] =	sbarrier.arrive $0xFFFF  }
0x102: {  	_ =	strace $0x9000004A  }
0x103: {  	s0 =	stileid.u32;
	[bflag:$0x2] =	sbarrier.arrive $0xFFFF  }
0x104: {  	p0 =	sne.s32 s0, $0x0;
	s0 =	rddreg [dreg:$0x3]  }
0x105: {  	s0 =	sadd.s32 @!p0 $0x100000, s0  }
0x106: {  	[sflag:s0] =	ssyncadd.tile.s32 @!p0 $0x1;
	_ =	shalt  }
.Lfunc_end2:
_tile_overlayer_lowered:
.L_overlay_start_2:
0x107: {  	(tag) =	ssettag $0x2  }
0x108: {  	s0 =	rddreg [dreg:$0x0];
	s2 =	stileid.u32  }
0x109: {  	s1 =	rddreg [dreg:$0x1];
	p0 =	sne.s32 s2, $0x0  }
0x10a: {  	s3 =	rddreg [dreg:$0x2];
	[bflag:$0x3] =	sbarrier.arrive $0xFFFF;
	s2 =	simm.s32 @!p0 $0x1C05  }
0x10b: {  	[timem:s3], [sflag:s2] =	dma.local @!p0 [hbm:s0], s1  }
0x10c: {  	s0 =	simm.s32 @!p0 $0x5  }
0x10d: {  	_ =	swait.ge @!p0 [sflag:s0], s1  }
0x10e: {  	s1 =	ssub.s32 @!p0 $0x0, s1;
	[sflag:s0] =	ssyncset.done @!p0 $0x0  }
0x10f: {  	[sflag:s0] =	ssyncadd.s32 @!p0 s1  }
0x110: {  	[bflag:$0x3] =	sbarrier.arrive $0xFFFF  }
0x111: {  	_ =	shalt  }

// kernel: kernel.16.cloned.1.call-start
scs
__scs_entry_jumppad:
0x0: {  	(pc) =	sbr.rel $0x88, $3  }
0x1: {  	(tag) =	ssettag $0x0;
	lr =	simm.s32 $0x1  }
0x2: {  	[smem:$0x3F99] =	sst lr;
	_ =	strace $0xD0000000  }
0x3: {  	_ = 	snop  }
0x4: {  	_ = 	snop  }
0x5: {  	_ = 	snop  }
0x6: {  	_ = 	snop  }
0x7: {  	_ = 	snop  }
__scs_overlays_trampoline_lowered:
0x8: {  	[smem:$0x3FA8] =	sst s0  }
0x9: {  	[smem:$0x3FA9] =	sst s1  }
0xa: {  	[smem:$0x3FAA] =	sst s2  }
0xb: {  	[smem:$0x3FAB] =	sst s3  }
0xc: {  	[smem:$0x3FAC] =	sst s4  }
0xd: {  	[smem:$0x3FAD] =	sst s5  }
0xe: {  	[smem:$0x3FAE] =	sst s6  }
0xf: {  	[smem:$0x3FAF] =	sst s7  }
0x10: {  	[smem:$0x3FB0] =	sst s8  }
0x11: {  	[smem:$0x3FB1] =	sst s9;
	s0 =	simm.s32 @!p0 $0x0  }
0x12: {  	s1 =	sld [smem:$0x3F97];
	s0 =	simm.s32 @p0 $0x1  }
0x13: {  	[smem:$0x3FB2] =	sst s0;
	s0 =	simm.s32 @!p1 $0x0  }
0x14: {  	s2 =	sld [smem:$0x3F96];
	s0 =	simm.s32 @p1 $0x1  }
0x15: {  	[smem:$0x3FB3] =	sst s0;
	s0 =	simm.s32 @!p2 $0x0  }
0x16: {  	s3 =	sld [smem:$0x3FDB];
	s0 =	simm.s32 @p2 $0x1  }
0x17: {  	s4 =	simm.s32 $0x1BF5;
	[smem:$0x3FB5] =	sst s0  }
0x18: {  	s0 =	sld [smem:$0x3F98];
	_ =	swait.ge [sflag:s4], $0x0  }
0x19: {  	s7 =	sld [smem:$0x3F99]  }
0x1a: {  	s8 =	sadd.s32 $0xFFFFE003, lr  }
0x1b: {  	s9 =	sadd.s32 $0xFFFFFEF7, lr;
	s5 =	simm.s32 $0xFFFFFFFF;
	p2 =	slt.u32 s8, $0xFFFFF086  }
0x1c: {  	p1 =	slt.u32 s9, $0xF7A;
	s5 =	simm.s32 @!p2 $0x0  }
0x1d: {  	s5 =	simm.s32 @p1 $0x1;
	p0 =	seq.s32 s7, s2  }
0x1e: {  	s7 =	smul.u32 @!p0 $0xF7A, s2;
	p2 =	seq.s32 @!p0 s5, $0x0  }
0x1f: {  	s9 =	smul.u32 $0xF7A, s1;
	s8 =	simm.s32 @!p0 $0x1BF5;
	p2 =	por !p2, p0  }
0x20: {  	[sflag:s8] =	ssyncset.s32 @!p0 $0xFFFFF086;
	s6 =	sadd.s32 @!p0 s3, s7;
	s7 =	simm.s32 @!p0 $0x108  }
0x21: {  	s3 =	sadd.s32 s3, s9;
	s6 =	sadd.s32 @!p0 $0x88, s6;
	s7 =	simm.s32 @p2 $0x1082  }
0x22: {  	[simem:s7], [sflag:s8] =	dma.local @!p0 [hbm:s6], $0xF7A  }
0x23: {  	s9 =	sor.u32 $0xD0000000, s2;
	s6 =	simm.s32 $0x108;
	_ =	swait.ge @!p0 [sflag:s8], $0x0  }
0x24: {  	s3 =	sadd.s32 $0x88, s3;
	s6 =	simm.s32 @!p1 $0x1082;
	[sflag:s4] =	ssyncset.s32 $0xFFFFF086  }
0x25: {  	[simem:s6], [sflag:s4] =	dma.local [hbm:s3], $0xF7A  }
0x26: {  	[smem:$0x3F99] =	sst s1;
	(tag) =	ssettag s2;
	_ =	strace s9  }
0x27: {  	s1 =	sld [smem:$0x3FA9]  }
0x28: {  	s2 =	sld [smem:$0x3FAA]  }
0x29: {  	s4 =	sld [smem:$0x3FAC]  }
0x2a: {  	p0 =	seq.s32 s5, $0x0;
	s5 =	sld [smem:$0x3FAD]  }
0x2b: {  	s6 =	sld [smem:$0x3FAE]  }
0x2c: {  	s7 =	sld [smem:$0x3FAF]  }
0x2d: {  	s3 =	simm.s32 $0x108;
	s8 =	sld [smem:$0x3FB0]  }
0x2e: {  	s3 =	simm.s32 @!p0 $0x1082;
	s9 =	sld [smem:$0x3FB1]  }
0x2f: {  	lr =	sadd.s32 s0, s3;
	s0 =	sld [smem:$0x3FA8]  }
0x30: {  	s3 =	sld [smem:$0x3FAB]  }
0x31: {  	[smem:$0x3FB4] =	sst s10  }
0x32: {  	s10 =	sld [smem:$0x3FB2];
	_ =	sdelay $0x3  }
0x33: {  	p0 =	seq.s32 s10, $0x1;
	s10 =	sld [smem:$0x3FB4];
	_ =	sdelay $0x3  }
0x34: {  	[smem:$0x3FB4] =	sst s10  }
0x35: {  	s10 =	sld [smem:$0x3FB3];
	_ =	sdelay $0x3  }
0x36: {  	p1 =	seq.s32 s10, $0x1;
	s10 =	sld [smem:$0x3FB4];
	_ =	sdelay $0x3  }
0x37: {  	[smem:$0x3FB4] =	sst s10  }
0x38: {  	s10 =	sld [smem:$0x3FB5]  }
0x39: {  	_ = 	snop;
	(pc) =	sbr.ind lr, $3  }
0x3a: {  	_ = 	snop  }
0x3b: {  	_ = 	snop  }
0x3c: {  	p2 =	seq.s32 s10, $0x1;
	s10 =	sld [smem:$0x3FB4]  }
0x3d: {  	_ =	shalt  }
0x3e: {  	_ =	shalt  }
0x3f: {  	_ =	shalt  }
0x40: {  	_ =	shalt  }
0x41: {  	_ =	shalt  }
0x42: {  	_ =	shalt  }
0x43: {  	_ =	shalt  }
0x44: {  	_ =	shalt  }
0x45: {  	_ =	shalt  }
0x46: {  	_ =	shalt  }
0x47: {  	_ =	shalt  }
0x48: {  	_ =	shalt  }
0x49: {  	_ =	shalt  }
0x4a: {  	_ =	shalt  }
0x4b: {  	_ =	shalt  }
0x4c: {  	_ =	shalt  }
0x4d: {  	_ =	shalt  }
0x4e: {  	_ =	shalt  }
0x4f: {  	_ =	shalt  }
0x50: {  	_ =	shalt  }
0x51: {  	_ =	shalt  }
0x52: {  	_ =	shalt  }
0x53: {  	_ =	shalt  }
0x54: {  	_ =	shalt  }
0x55: {  	_ =	shalt  }
0x56: {  	_ =	shalt  }
0x57: {  	_ =	shalt  }
0x58: {  	_ =	shalt  }
0x59: {  	_ =	shalt  }
0x5a: {  	_ =	shalt  }
0x5b: {  	_ =	shalt  }
0x5c: {  	_ =	shalt  }
0x5d: {  	_ =	shalt  }
0x5e: {  	_ =	shalt  }
0x5f: {  	_ =	shalt  }
0x60: {  	_ =	shalt  }
0x61: {  	_ =	shalt  }
0x62: {  	_ =	shalt  }
0x63: {  	_ =	shalt  }
0x64: {  	_ =	shalt  }
0x65: {  	_ =	shalt  }
0x66: {  	_ =	shalt  }
0x67: {  	_ =	shalt  }
0x68: {  	_ =	shalt  }
0x69: {  	_ =	shalt  }
0x6a: {  	_ =	shalt  }
0x6b: {  	_ =	shalt  }
0x6c: {  	_ =	shalt  }
0x6d: {  	_ =	shalt  }
0x6e: {  	_ =	shalt  }
0x6f: {  	_ =	shalt  }
0x70: {  	_ =	shalt  }
0x71: {  	_ =	shalt  }
0x72: {  	_ =	shalt  }
0x73: {  	_ =	shalt  }
0x74: {  	_ =	shalt  }
0x75: {  	_ =	shalt  }
0x76: {  	_ =	shalt  }
0x77: {  	_ =	shalt  }
0x78: {  	_ =	shalt  }
0x79: {  	_ =	shalt  }
0x7a: {  	_ =	shalt  }
0x7b: {  	_ =	shalt  }
0x7c: {  	_ =	shalt  }
0x7d: {  	_ =	shalt  }
0x7e: {  	_ =	shalt  }
0x7f: {  	_ =	shalt  }
0x80: {  	_ =	shalt  }
0x81: {  	_ =	shalt  }
0x82: {  	_ =	shalt  }
0x83: {  	_ =	shalt  }
0x84: {  	_ =	shalt  }
0x85: {  	_ =	shalt  }
0x86: {  	_ =	shalt  }
0x87: {  	_ =	shalt  }
.Lfunc_end0:
.L_simem_size_0:
called_computation.2_lowered:
.L_overlay_start_0:
0x88: {  	s2 =	sld [smem:$0x3FD9]  }
0x89: {  	s3 =	sld [smem:$0x3FFE];
	_ =	sdelay $0x1  }
0x8a: {  	s1 =	srdreg.scid  }
0x8b: {  	s0 =	sand.u32 $0x1, s1  }
0x8c: {  	s17 =	sshll.u32 s0, $0xA;
	s2 =	sadd.s32 s3, s2  }
0x8d: {  	s2 =	sadd.s32 s2, s17  }
0x8e: {  	[smem:$0x3FC0] =	sst s2  }
0x8f: {  	_ = 	snop  }
0x90: {  	s2 =	sld [smem:$0x3FC8];
	(tm) =	ssettm $0x1  }
0x91: {  	s18 =	sld [smem:$0x3FFB];
	_ =	sdelay $0x3  }
0x92: {  	_ =	strace s18  }
0x93: {  	s3 =	sld [smem:$0x3FFC];
	_ =	sdelay $0x3  }
0x94: {  	_ =	strace s3  }
0x95: {  	s3 =	sld [smem:$0x3FFD];
	_ =	sdelay $0x3  }
0x96: {  	_ =	strace s3  }
0x97: {  	_ =	strace $0x8FFFFFFF  }
0x98: {  	s19 =	sld [smem:$0x3FDB];
	_ =	sdelay $0x1  }
0x99: {  	s4 =	simm.s32 $_scs_section_size  }
0x9a: {  	s5 =	simm.s32 $_size__tile_overlayer_lowered;
	s6 =	simm.s32 $_tile_overlayer_lowered  }
0x9b: {  	s22 =	simm.s32 $0x1BFF;
	s21 =	sshll.u32 s6, $0x1;
	s3 =	sadd.s32 s4, s19  }
0x9c: {  	s7 =	simm.s32 $0x0;
	s20 =	sshll.u32 s5, $0x1;
	s5 =	sadd.s32 s21, s3  }
0x9d: {  	[timem:s7], [sflag:s22] =	dma.local [hbm:s5], s20  }
0x9e: {  	_ =	swait.ge [sflag:s22], s20  }
0x9f: {  	s4 =	ssub.s32 $0x0, s20;
	[sflag:s22] =	ssyncset.done $0x0  }
0xa0: {  	[sflag:s22] =	ssyncadd.s32 s4;
	_ =	sdelay $0x1  }
0xa1: {  	s23 =	simm.s32 $0x1B8B  }
0xa2: {  	_ =	swait.ge [sflag:s23], $0x1  }
0xa3: {  	[sflag:s23] =	ssyncset.done $0x0  }
0xa4: {  	s25 =	simm.s32 $0x1B8E;
	s24 =	sld [smem:$0x3FFE];
	[sflag:s23] =	ssyncadd.s32 $0xFFFFFFFF  }
0xa5: {  	s26 =	simm.s32 $execute0_lowered;
	[smem:$0x3FD2] =	sst s25  }
0xa6: {  	s5 =	sshll.u32 s26, $0x1;
	_ =	strace $0x8000004C;
	[dreg:$0x1] =	wrdreg $0xFFFFFFFF  }
0xa7: {  	s28 =	simm.s32 $_size_execute0_lowered;
	s3 =	sadd.s32 s3, s5;
	[dreg:$0x0] =	wrdreg $0x0  }
0xa8: {  	s5 =	sshll.u32 s28, $0x1;
	[dreg:$0x2] =	wrdreg s3  }
0xa9: {  	[dreg:$0x3] =	wrdreg s5  }
0xaa: {  	[dreg:$0x4] =	wrdreg $0xC0  }
0xab: {  	_ =	task [dreg:s7], $0x5FFFF  }
0xac: {  	[dreg:$0x1] =	wrdreg $0xFFFFFFFF  }
0xad: {  	[dreg:$0x0] =	wrdreg $0x60  }
0xae: {  	[dreg:$0x2] =	wrdreg s2  }
0xaf: {  	[dreg:$0x3] =	wrdreg s24  }
0xb0: {  	[dreg:$0x4] =	wrdreg $0xA8000  }
0xb1: {  	[dreg:$0x5] =	wrdreg $0x9  }
0xb2: {  	_ =	task.clear_ibuf [dreg:s7], $0x6FFFF;
	_ =	strace $0x9000004C  }
0xb3: {  	s29 =	simm.s32 $0x9;
	_ =	strace $0x8000004E  }
0xb4: {  	_ =	swait.ge [sflag:s29], $0x1  }
0xb5: {  	[sflag:s29] =	ssyncadd.s32 $0xFFFFFFFF  }
0xb6: {  	_ =	strace $0x9000004E  }
0xb7: {  	_ =	sfence  }
0xb8: {  	s30 =	sld [smem:$0x0];
	_ =	sdelay $0x2  }
0xb9: {  	s31 =	sshll.u32 s1, $0xD;
	s1 =	sshrl.u32 s1, $0x2  }
0xba: {  	s3 =	sand.u32 $0x4000, s31;
	s1 =	sadd.s32 s1, s30  }
0xbb: {  	s0 =	sor.u32 s3, s0;
	s1 =	sshll.u32 s1, $0x11  }
0xbc: {  	s0 =	sor.u32 s1, s0  }
0xbd: {  	s0 =	sadd.s32 $0x8F2B, s0  }
0xbe: {  	[sflag:s0] =	ssyncadd.remote.s32 $0x1  }
0xbf: {  	_ =	sfence.sel $0xFFFF  }
0xc0: {  	[dreg:$0x0] =	wrdreg $0xFFFFFFFF;
	(pc) =	sbr.abs _section_cstart, $3  }
0xc1: {  	[dreg:$0x1] =	wrdreg $0xFFFFFFFF  }
0xc2: {  	_ =	task.clear_ibuf [dreg:s7], $0x2FFFF;
	_ =	strace $0x9FFFFFFF  }
0xc3: {  	(tm) =	ssettm $0x7FFFFFFF  }
tec
execute0_lowered:
.L_overlay_start_1:
0x0: {  	(tag) =	ssettag $0x1  }
0x1: {  	s1 =	rddreg [dreg:$0x0]  }
0x2: {  	s0 =	rddreg [dreg:$0x1]  }
0x3: {  	s2 =	rddreg [dreg:$0x2];
	s3 =	srdreg.scid  }
0x4: {  	s4 =	simm.s32 $0x0;
	s14 =	stileid.u32;
	s17 =	simm.s32 $0x2800  }
0x5: {  	s18 =	simm.s32 $0x5;
	s19 =	simm.s32 $0x80;
	s20 =	simm.s32 $0x100  }
0x6: {  	s21 =	simm.s32 $0x1400;
	s22 =	simm.s32 $0x6800;
	s23 =	simm.s32 $0x1  }
0x7: {  	s28 =	simm.s32 $0x4;
	s29 =	simm.s32 $0x1380;
	s30 =	simm.s32 $0x2700  }
0x8: {  	s31 =	simm.s32 $0x2780;
	s3 =	sand.u32 $0x1, s3;
	s9 =	smul.u32 $0x14000, s14  }
0x9: {  	[smem:$0x7FF] =	sst s4;
	s10 =	smul.u32 $0x50000, s14;
	s5 =	sadd.s32 $0x3400, s0  }
0xa: {  	s6 =	sadd.s32 $0x8400, s0;
	s7 =	sadd.s32 $0x2F600, s0;
	s13 =	smul.u32 $0x2800, s14  }
0xb: {  	p1 =	seq.s32 s14, $0xF;
	s14 =	sadd.s32 $0x9B00, s1;
	s8 =	smul.u32 $0x140000, s3  }
0xc: {  	_ =	strace $0x8000004D;
	s24 =	ssub.s32 $0x2, s3;
	p0 =	seq.s32 s3, $0x1  }
0xd: {  	s10 =	sshrl.u32 s10, $0x2;
	s12 =	sshrl.u32 s24, $0x1;
	s8 =	sadd.s32 s9, s8  }
0xe: {  	s9 =	ssub.s32 s24, s12;
	s11 =	sshrl.u32 s8, $0x3;
	s8 =	sadd.s32 s10, s2  }
.Ltmp0:
0xf: {  	s24 =	simm.s32 $0x3;
	s10 =	sadd.s32 $0x4000, s8;
	(pc) =	sbr.rel .LBB2_1-.Ltmp0, $4  }
0x10: {  	s16 =	smax.u32 s9, $0x1;
	s25 =	sadd.s32 $0x8000, s8;
	[dreg:$0x4] =	wrdreg s10  }
0x11: {  	s0 =	sadd.s32 s11, s0;
	s26 =	sadd.s32 $0xC000, s8;
	[dreg:$0x5] =	wrdreg s25  }
0x12: {  	s12 =	sadd.s32 $0x10000, s8;
	[dreg:$0x6] =	wrdreg s26;
	s15 =	sadd.s32 $0xA7200, s0  }
0x13: {  	v0 =	vimm.f32 $0.0e+00;
	v1 =	vlaneseq.u32;
	s25 =	simm.s32 $0x2;
	s26 =	simm.s32 $0x1480;
	s0 =	simm.s32 $0x0  }
.LBB2_20:
0x14: {  	s3 =	stileid.u32;
	s0 =	sadd.s32 $0x1, s0  }
0x15: {  	[bflag:$0x0] =	sbarrier.arrive $0xFFFF;
	s3 =	sshll.u32 s3, $0x6;
	p2 =	sne.s32 s0, s16  }
.Ltmp1:
0x16: {  	s9 =	sshrl.u32 s8, $0x3;
	s3 =	sor.u32 $0x1C05, s3;
	(pc) =	sbr.rel @!p2 .LBB2_21-.Ltmp1, $4  }
0x17: {  	[hbm:s15], [sflag:s3] =	dma.local [spmem:s9], $0x2800  }
0x18: {  	_ =	swait.ge [sflag:s18], $0x2800  }
0x19: {  	[sflag:s18] =	ssyncset.done $0x0  }
0x1a: {  	[sflag:s18] =	ssyncadd.s32 $0xFFFFD800  }
.LBB2_1:
0x1b: {  	s3 =	simm.s32 $0x0;
	s9 =	simm.s32 $0x200  }
.LBB2_2:
0x1c: {  	p2 =	sne.s32 s9, $0xFE00;
	[tilespmem:s3+$0x2870] =	vst v0  }
0x1d: {  	[tilespmem:s3+$0x2800] =	vst v0  }
0x1e: {  	[tilespmem:s3+$0x2810] =	vst v0  }
.Ltmp2:
0x1f: {  	[tilespmem:s3+$0x2820] =	vst v0;
	(pc) =	sbr.rel @p2 .LBB2_2-.Ltmp2, $4  }
0x20: {  	[tilespmem:s3+$0x2830] =	vst v0  }
0x21: {  	[tilespmem:s3+$0x2840] =	vst v0  }
0x22: {  	[tilespmem:s3+$0x2850] =	vst v0  }
0x23: {  	[tilespmem:s3+$0x2860] =	vst v0;
	s3 =	sshra.s32 s9, $0x2;
	s9 =	sadd.s32 $0x200, s9  }
0x24: {  	[tilespmem:s3+$0x2870] =	vst v0  }
0x25: {  	[tilespmem:s3+$0x2800] =	vst v0  }
0x26: {  	[tilespmem:s3+$0x2810] =	vst v0  }
0x27: {  	[tilespmem:s3+$0x2820] =	vst v0  }
0x28: {  	[tilespmem:s3+$0x2830] =	vst v0  }
0x29: {  	[tilespmem:s3+$0x2840] =	vst v0  }
0x2a: {  	[tilespmem:s3+$0x2850] =	vst v0  }
0x2b: {  	[tilespmem:s3+$0x2860] =	vst v0  }
0x2c: {  	[spmem:s8] =	stream.linear.scatter [tilespmem:s17], [sflag:$0x5], $0x4000, $0x38;
	[tilespmem:$0x1E800] =	vst v63  }
0x2d: {  	_ =	swait.ge [sflag:s18], $0x4000  }
0x2e: {  	[sflag:s18] =	ssyncset.done $0x0  }
0x2f: {  	s9 =	rddreg [dreg:$0x4];
	[sflag:s18] =	ssyncadd.s32 $0xFFFFC000  }
0x30: {  	[spmem:s9] =	stream.linear.scatter [tilespmem:s17], [sflag:$0x5], $0x4000, $0x38;
	[tilespmem:$0x1E800] =	vst v63  }
0x31: {  	_ =	swait.ge [sflag:s18], $0x4000  }
0x32: {  	[sflag:s18] =	ssyncset.done $0x0  }
0x33: {  	s10 =	rddreg [dreg:$0x5];
	[sflag:s18] =	ssyncadd.s32 $0xFFFFC000  }
0x34: {  	[spmem:s10] =	stream.linear.scatter [tilespmem:s17], [sflag:$0x5], $0x4000, $0x38;
	[tilespmem:$0x1E800] =	vst v63  }
0x35: {  	_ =	swait.ge [sflag:s18], $0x4000  }
0x36: {  	[sflag:s18] =	ssyncset.done $0x0  }
0x37: {  	s11 =	rddreg [dreg:$0x6];
	[sflag:s18] =	ssyncadd.s32 $0xFFFFC000  }
0x38: {  	[spmem:s11] =	stream.linear.scatter [tilespmem:s17], [sflag:$0x5], $0x4000, $0x38;
	[tilespmem:$0x1E800] =	vst v63  }
0x39: {  	_ =	swait.ge [sflag:s18], $0x4000  }
0x3a: {  	[sflag:s18] =	ssyncset.done $0x0  }
0x3b: {  	[sflag:s18] =	ssyncadd.s32 $0xFFFFC000  }
0x3c: {  	[spmem:s12] =	stream.linear.scatter [tilespmem:s17], [sflag:$0x5], $0x4000, $0x38;
	[tilespmem:$0x1E800] =	vst v63  }
.Ltmp3:
0x3d: {  	_ =	swait.ge [sflag:s18], $0x4000;
	(pc) =	sbr.rel @!p0 .LBB2_4-.Ltmp3, $4  }
0x3e: {  	[sflag:s18] =	ssyncset.done $0x0  }
0x3f: {  	[sflag:s18] =	ssyncadd.s32 $0xFFFFC000  }
0x40: {  	[bflag:$0x0] =	sbarrier.arrive $0xFFFF  }
0x41: {  	s3 =	simm.s32 $0x0;
	p4 =	por $0x1, $0x1;
	p3 =	por $0x0, $0x0  }
.LBB2_12:
.Ltmp4:
0x42: {  	(pc) =	sbr.rel @!p3 .LBB2_16-.Ltmp4, $2  }
0x43: {  	_ =	sdelay $0x2  }
0x44: {  	p2 =	por p4, p4;
	s3 =	sadd.s32 s13, s3  }
0x45: {  	s10 =	simm.s32 $0x0  }
0x46: {  	[tilespmem:s10], [sflag:$0x5] =	stream.strided.gather [hbm4b:s14+s19], $0x500, s20, s19, $0x38;
	[tilespmem:$0x1E800] =	vst v63  }
0x47: {  	_ =	swait.ge [sflag:s18], $0x500  }
0x48: {  	s11 =	sand.u32 $0x70, s10;
	[sflag:s18] =	ssyncset.done $0x0  }
0x49: {  	s9 =	simm.s32 $0x10;
	s10 =	sand.u32 $0xFF0, s10;
	v2 =	vor.u32 s11, v1;
	[sflag:s18] =	ssyncadd.s32 $0xFFFFFB00  }
.LBB2_14:
0x4a: {  	p3 =	seq.s32 s9, $0xEF0;
	[tilespmem:s10+$0x500] =	vst v2;
	s10 =	smov.u32 s9;
	s9 =	sadd.s32 $0x10, s9  }
.Ltmp5:
0x4b: {  	(pc) =	sbr.rel @!p3 .LBB2_14-.Ltmp5, $3  }
0x4c: {  	_ =	sdelay $0x1  }
0x4d: {  	s11 =	sand.u32 $0x70, s10  }
0x4e: {  	s10 =	sand.u32 $0xFF0, s10;
	v2 =	vor.u32 s11, v1  }
.Ltmp6:
0x4f: {  	(pc) =	sbr.rel .LBB2_17-.Ltmp6, $2  }
0x50: {  	_ =	sdelay $0x2  }
0x51: {  	[tilespmem:s10+$0x500] =	vst v2  }
.LBB2_16:
0x52: {  	s9 =	sshrl.u32 s3, $0x2  }
0x53: {  	s9 =	sadd.s32 s1, s9  }
0x54: {  	[tilespmem:s4], [sflag:$0x5] =	stream.strided.gather [hbm4b:s9+s19], $0x1400, s20, s19, $0x38;
	[tilespmem:$0x1E800] =	vst v63  }
0x55: {  	_ =	swait.ge [sflag:s18], $0x1400  }
0x56: {  	[sflag:s18] =	ssyncset.done $0x0  }
0x57: {  	[sflag:s18] =	ssyncadd.s32 $0xFFFFEC00  }
.LBB2_17:
0x58: {  	s3 =	sshrl.u32 s3, $0x3  }
0x59: {  	s3 =	sadd.s32 s5, s3  }
0x5a: {  	[tilespmem:s21], [sflag:$0x5] =	stream.linear.gather [hbm4b:s3+s4], $0x1400, $0x38;
	[tilespmem:$0x1E800] =	vst v63  }
0x5b: {  	_ =	swait.ge [sflag:s18], $0x1400  }
0x5c: {  	[sflag:s18] =	ssyncset.done $0x0  }
0x5d: {  	[sflag:s18] =	ssyncadd.s32 $0xFFFFEC00  }
0x5e: {  	[tilespmem:s17], [sflag:$0x1] =	stream.indirect.gather [hbm4b:s7+s19], $0x80, s4, s19, $0xb8;
	[tilespmem:$0x1E800] =	vst v63  }
0x5f: {  	_ = 	snop  }
0x60: {  	[tilespmem:s22], [sflag:$0x2] =	stream.indirect.gather [hbm4b:s7+s19], $0x80, s19, s19, $0xb8;
	[tilespmem:$0x1E800] =	vst v63  }
0x61: {  	_ =	swait.ge [sflag:s23], $0x4000  }
0x62: {  	[sflag:s23] =	ssyncset.done $0x0  }
0x63: {  	[sflag:s23] =	ssyncadd.s32 $0xFFFFC000  }
0x64: {  	[spmem:s2] =	stream.indirect.scatter.add.f32 [tilespmem:s17], [sflag:$0x3], $0x80, s21, s19, $0xb8;
	[tilespmem:$0x1E800] =	vst v63  }
0x65: {  	_ =	swait.ge [sflag:s24], $0x4000  }
0x66: {  	[sflag:s24] =	ssyncset.done $0x0  }
0x67: {  	[sflag:s24] =	ssyncadd.s32 $0xFFFFC000  }
0x68: {  	[tilespmem:s17], [sflag:$0x1] =	stream.indirect.gather [hbm4b:s7+s19], $0x80, s20, s19, $0xb8;
	[tilespmem:$0x1E800] =	vst v63  }
0x69: {  	_ =	swait.ge [sflag:s25], $0x4000  }
0x6a: {  	[sflag:s25] =	ssyncset.done $0x0  }
0x6b: {  	[sflag:s25] =	ssyncadd.s32 $0xFFFFC000  }
0x6c: {  	[spmem:s2] =	stream.indirect.scatter.add.f32 [tilespmem:s22], [sflag:$0x4], $0x80, s26, s19, $0xb8;
	[tilespmem:$0x1E800] =	vst v63  }
0x6d: {  	_ =	swait.ge [sflag:s28], $0x4000  }
0x6e: {  	[sflag:s28] =	ssyncset.done $0x0  }
0x6f: {  	s9 =	simm.s32 $0x180;
	[sflag:s28] =	ssyncadd.s32 $0xFFFFC000  }
0x70: {  	[tilespmem:s22], [sflag:$0x2] =	stream.indirect.gather [hbm4b:s7+s19], $0x80, s9, s19, $0xb8;
	[tilespmem:$0x1E800] =	vst v63  }
0x71: {  	_ =	swait.ge [sflag:s23], $0x4000  }
0x72: {  	[sflag:s23] =	ssyncset.done $0x0  }
0x73: {  	s10 =	simm.s32 $0x1500;
	[sflag:s23] =	ssyncadd.s32 $0xFFFFC000  }
0x74: {  	[spmem:s2] =	stream.indirect.scatter.add.f32 [tilespmem:s17], [sflag:$0x3], $0x80, s10, s19, $0xb8;
	[tilespmem:$0x1E800] =	vst v63  }
0x75: {  	_ =	swait.ge [sflag:s24], $0x4000  }
0x76: {  	[sflag:s24] =	ssyncset.done $0x0  }
0x77: {  	s11 =	simm.s32 $0x200;
	[sflag:s24] =	ssyncadd.s32 $0xFFFFC000  }
0x78: {  	[tilespmem:s17], [sflag:$0x1] =	stream.indirect.gather [hbm4b:s7+s19], $0x80, s11, s19, $0xb8;
	[tilespmem:$0x1E800] =	vst v63  }
0x79: {  	_ =	swait.ge [sflag:s25], $0x4000  }
0x7a: {  	[sflag:s25] =	ssyncset.done $0x0  }
0x7b: {  	s3 =	simm.s32 $0xFFFFBC00;
	s9 =	simm.s32 $0x1580;
	[sflag:s25] =	ssyncadd.s32 $0xFFFFC000  }
.LBB2_18:
0x7c: {  	[spmem:s2] =	stream.indirect.scatter.add.f32 [tilespmem:s22], [sflag:$0x4], $0x80, s9, s19, $0xb8;
	[tilespmem:$0x1E800] =	vst v63  }
0x7d: {  	s9 =	smov.u32 s3  }
0x7e: {  	p3 =	sne.s32 s3, $0xFFFFFC00;
	s3 =	sadd.s32 $0x400, s3;
	_ =	swait.ge [sflag:s28], $0x4000  }
0x7f: {  	s9 =	sshra.s32 s9, $0x2;
	[sflag:s28] =	ssyncset.done $0x0  }
0x80: {  	s10 =	sadd.s32 $0x1380, s9;
	[sflag:s28] =	ssyncadd.s32 $0xFFFFC000  }
0x81: {  	[tilespmem:s22], [sflag:$0x2] =	stream.indirect.gather [hbm4b:s7+s19], $0x80, s10, s19, $0xb8;
	[tilespmem:$0x1E800] =	vst v63  }
0x82: {  	_ =	swait.ge [sflag:s23], $0x4000  }
0x83: {  	[sflag:s23] =	ssyncset.done $0x0  }
0x84: {  	s10 =	sadd.s32 $0x2700, s9;
	[sflag:s23] =	ssyncadd.s32 $0xFFFFC000  }
0x85: {  	[spmem:s2] =	stream.indirect.scatter.add.f32 [tilespmem:s17], [sflag:$0x3], $0x80, s10, s19, $0xb8;
	[tilespmem:$0x1E800] =	vst v63  }
0x86: {  	_ =	swait.ge [sflag:s24], $0x4000  }
0x87: {  	[sflag:s24] =	ssyncset.done $0x0  }
.Ltmp7:
0x88: {  	s10 =	sadd.s32 $0x1400, s9;
	[sflag:s24] =	ssyncadd.s32 $0xFFFFC000;
	(pc) =	sbr.rel @p3 .LBB2_18-.Ltmp7, $4  }
0x89: {  	[tilespmem:s17], [sflag:$0x1] =	stream.indirect.gather [hbm4b:s7+s19], $0x80, s10, s19, $0xb8;
	[tilespmem:$0x1E800] =	vst v63  }
0x8a: {  	_ =	swait.ge [sflag:s25], $0x4000  }
0x8b: {  	[sflag:s25] =	ssyncset.done $0x0  }
0x8c: {  	s9 =	sadd.s32 $0x2780, s9;
	[sflag:s25] =	ssyncadd.s32 $0xFFFFC000  }
0x8d: {  	[spmem:s2] =	stream.indirect.scatter.add.f32 [tilespmem:s22], [sflag:$0x4], $0x80, s9, s19, $0xb8;
	[tilespmem:$0x1E800] =	vst v63  }
0x8e: {  	_ =	swait.ge [sflag:s28], $0x4000  }
0x8f: {  	[sflag:s28] =	ssyncset.done $0x0  }
0x90: {  	[sflag:s28] =	ssyncadd.s32 $0xFFFFC000  }
0x91: {  	[tilespmem:s22], [sflag:$0x2] =	stream.indirect.gather [hbm4b:s7+s19], $0x80, s29, s19, $0xb8;
	[tilespmem:$0x1E800] =	vst v63  }
0x92: {  	_ =	swait.ge [sflag:s23], $0x4000  }
0x93: {  	[sflag:s23] =	ssyncset.done $0x0  }
0x94: {  	[sflag:s23] =	ssyncadd.s32 $0xFFFFC000  }
0x95: {  	[spmem:s2] =	stream.indirect.scatter.add.f32 [tilespmem:s17], [sflag:$0x3], $0x80, s30, s19, $0xb8;
	[tilespmem:$0x1E800] =	vst v63  }
0x96: {  	_ =	swait.ge [sflag:s25], $0x4000  }
0x97: {  	[sflag:s25] =	ssyncset.done $0x0  }
0x98: {  	[sflag:s25] =	ssyncadd.s32 $0xFFFFC000  }
0x99: {  	[spmem:s2] =	stream.indirect.scatter.add.f32 [tilespmem:s22], [sflag:$0x4], $0x80, s31, s19, $0xb8;
	[tilespmem:$0x1E800] =	vst v63  }
0x9a: {  	_ =	swait.ge [sflag:s24], $0x4000  }
.Ltmp8:
0x9b: {  	[sflag:s24] =	ssyncset.done $0x0;
	(pc) =	sbr.rel @p2 .LBB2_12-.Ltmp8, $4  }
.Ltmp9:
0x9c: {  	[sflag:s24] =	ssyncadd.s32 $0xFFFFC000;
	(pc) =	sbr.rel @!p2 .LBB2_20-.Ltmp9, $4  }
0x9d: {  	_ =	swait.ge [sflag:s28], $0x4000  }
0x9e: {  	s3 =	simm.s32 $0x1400;
	[sflag:s28] =	ssyncset.done $0x0  }
0x9f: {  	p4 =	por $0x0, $0x0;
	p3 =	por p1, p1;
	[sflag:s28] =	ssyncadd.s32 $0xFFFFC000  }
0xa0: {  	_ = 	snop  }
.LBB2_4:
.Ltmp10:
0xa1: {  	(pc) =	sbr.rel @!p3 .LBB2_8-.Ltmp10, $2  }
0xa2: {  	_ =	sdelay $0x2  }
0xa3: {  	p2 =	por p4, p4;
	s3 =	sadd.s32 s13, s3  }
0xa4: {  	s10 =	simm.s32 $0x0  }
0xa5: {  	[tilespmem:s10], [sflag:$0x5] =	stream.strided.gather [hbm4b:s14+s19], $0x500, s20, s19, $0x38;
	[tilespmem:$0x1E800] =	vst v63  }
0xa6: {  	_ =	swait.ge [sflag:s18], $0x500  }
0xa7: {  	s11 =	sand.u32 $0x70, s10;
	[sflag:s18] =	ssyncset.done $0x0  }
0xa8: {  	s9 =	simm.s32 $0x10;
	s10 =	sand.u32 $0xFF0, s10;
	v2 =	vor.u32 s11, v1;
	[sflag:s18] =	ssyncadd.s32 $0xFFFFFB00  }
.LBB2_6:
0xa9: {  	p3 =	seq.s32 s9, $0xEF0;
	[tilespmem:s10+$0x500] =	vst v2;
	s10 =	smov.u32 s9;
	s9 =	sadd.s32 $0x10, s9  }
.Ltmp11:
0xaa: {  	(pc) =	sbr.rel @!p3 .LBB2_6-.Ltmp11, $3  }
0xab: {  	_ =	sdelay $0x1  }
0xac: {  	s11 =	sand.u32 $0x70, s10  }
0xad: {  	s10 =	sand.u32 $0xFF0, s10;
	v2 =	vor.u32 s11, v1  }
.Ltmp12:
0xae: {  	(pc) =	sbr.rel .LBB2_9-.Ltmp12, $2  }
0xaf: {  	_ =	sdelay $0x2  }
0xb0: {  	[tilespmem:s10+$0x500] =	vst v2  }
.LBB2_8:
0xb1: {  	s9 =	sshrl.u32 s3, $0x2  }
0xb2: {  	s9 =	sadd.s32 s1, s9  }
0xb3: {  	[tilespmem:s4], [sflag:$0x5] =	stream.strided.gather [hbm4b:s9+s19], $0x1400, s20, s19, $0x38;
	[tilespmem:$0x1E800] =	vst v63  }
0xb4: {  	_ =	swait.ge [sflag:s18], $0x1400  }
0xb5: {  	[sflag:s18] =	ssyncset.done $0x0  }
0xb6: {  	[sflag:s18] =	ssyncadd.s32 $0xFFFFEC00  }
.LBB2_9:
0xb7: {  	s3 =	sshrl.u32 s3, $0x3  }
0xb8: {  	s3 =	sadd.s32 s5, s3  }
0xb9: {  	[tilespmem:s21], [sflag:$0x5] =	stream.linear.gather [hbm4b:s3+s4], $0x1400, $0x38;
	[tilespmem:$0x1E800] =	vst v63  }
0xba: {  	_ =	swait.ge [sflag:s18], $0x1400  }
0xbb: {  	[sflag:s18] =	ssyncset.done $0x0  }
0xbc: {  	[sflag:s18] =	ssyncadd.s32 $0xFFFFEC00  }
0xbd: {  	[tilespmem:s17], [sflag:$0x1] =	stream.indirect.gather [hbm4b:s6+s19], $0x80, s4, s19, $0xb8;
	[tilespmem:$0x1E800] =	vst v63  }
0xbe: {  	_ = 	snop  }
0xbf: {  	[tilespmem:s22], [sflag:$0x2] =	stream.indirect.gather [hbm4b:s6+s19], $0x80, s19, s19, $0xb8;
	[tilespmem:$0x1E800] =	vst v63  }
0xc0: {  	_ =	swait.ge [sflag:s23], $0x4000  }
0xc1: {  	[sflag:s23] =	ssyncset.done $0x0  }
0xc2: {  	[sflag:s23] =	ssyncadd.s32 $0xFFFFC000  }
0xc3: {  	[spmem:s2] =	stream.indirect.scatter.add.f32 [tilespmem:s17], [sflag:$0x3], $0x80, s21, s19, $0xb8;
	[tilespmem:$0x1E800] =	vst v63  }
0xc4: {  	_ =	swait.ge [sflag:s24], $0x4000  }
0xc5: {  	[sflag:s24] =	ssyncset.done $0x0  }
0xc6: {  	[sflag:s24] =	ssyncadd.s32 $0xFFFFC000  }
0xc7: {  	[tilespmem:s17], [sflag:$0x1] =	stream.indirect.gather [hbm4b:s6+s19], $0x80, s20, s19, $0xb8;
	[tilespmem:$0x1E800] =	vst v63  }
0xc8: {  	_ =	swait.ge [sflag:s25], $0x4000  }
0xc9: {  	[sflag:s25] =	ssyncset.done $0x0  }
0xca: {  	[sflag:s25] =	ssyncadd.s32 $0xFFFFC000  }
0xcb: {  	[spmem:s2] =	stream.indirect.scatter.add.f32 [tilespmem:s22], [sflag:$0x4], $0x80, s26, s19, $0xb8;
	[tilespmem:$0x1E800] =	vst v63  }
0xcc: {  	_ =	swait.ge [sflag:s28], $0x4000  }
0xcd: {  	[sflag:s28] =	ssyncset.done $0x0  }
0xce: {  	s9 =	simm.s32 $0x180;
	[sflag:s28] =	ssyncadd.s32 $0xFFFFC000  }
0xcf: {  	[tilespmem:s22], [sflag:$0x2] =	stream.indirect.gather [hbm4b:s6+s19], $0x80, s9, s19, $0xb8;
	[tilespmem:$0x1E800] =	vst v63  }
0xd0: {  	_ =	swait.ge [sflag:s23], $0x4000  }
0xd1: {  	[sflag:s23] =	ssyncset.done $0x0  }
0xd2: {  	s10 =	simm.s32 $0x1500;
	[sflag:s23] =	ssyncadd.s32 $0xFFFFC000  }
0xd3: {  	[spmem:s2] =	stream.indirect.scatter.add.f32 [tilespmem:s17], [sflag:$0x3], $0x80, s10, s19, $0xb8;
	[tilespmem:$0x1E800] =	vst v63  }
0xd4: {  	_ =	swait.ge [sflag:s24], $0x4000  }
0xd5: {  	[sflag:s24] =	ssyncset.done $0x0  }
0xd6: {  	s11 =	simm.s32 $0x200;
	[sflag:s24] =	ssyncadd.s32 $0xFFFFC000  }
0xd7: {  	[tilespmem:s17], [sflag:$0x1] =	stream.indirect.gather [hbm4b:s6+s19], $0x80, s11, s19, $0xb8;
	[tilespmem:$0x1E800] =	vst v63  }
0xd8: {  	_ =	swait.ge [sflag:s25], $0x4000  }
0xd9: {  	[sflag:s25] =	ssyncset.done $0x0  }
0xda: {  	s3 =	simm.s32 $0xFFFFBC00;
	s9 =	simm.s32 $0x1580;
	[sflag:s25] =	ssyncadd.s32 $0xFFFFC000  }
.LBB2_10:
0xdb: {  	[spmem:s2] =	stream.indirect.scatter.add.f32 [tilespmem:s22], [sflag:$0x4], $0x80, s9, s19, $0xb8;
	[tilespmem:$0x1E800] =	vst v63  }
0xdc: {  	s9 =	smov.u32 s3  }
0xdd: {  	p3 =	sne.s32 s3, $0xFFFFFC00;
	s3 =	sadd.s32 $0x400, s3;
	_ =	swait.ge [sflag:s28], $0x4000  }
0xde: {  	s9 =	sshra.s32 s9, $0x2;
	[sflag:s28] =	ssyncset.done $0x0  }
0xdf: {  	s10 =	sadd.s32 $0x1380, s9;
	[sflag:s28] =	ssyncadd.s32 $0xFFFFC000  }
0xe0: {  	[tilespmem:s22], [sflag:$0x2] =	stream.indirect.gather [hbm4b:s6+s19], $0x80, s10, s19, $0xb8;
	[tilespmem:$0x1E800] =	vst v63  }
0xe1: {  	_ =	swait.ge [sflag:s23], $0x4000  }
0xe2: {  	[sflag:s23] =	ssyncset.done $0x0  }
0xe3: {  	s10 =	sadd.s32 $0x2700, s9;
	[sflag:s23] =	ssyncadd.s32 $0xFFFFC000  }
0xe4: {  	[spmem:s2] =	stream.indirect.scatter.add.f32 [tilespmem:s17], [sflag:$0x3], $0x80, s10, s19, $0xb8;
	[tilespmem:$0x1E800] =	vst v63  }
0xe5: {  	_ =	swait.ge [sflag:s24], $0x4000  }
0xe6: {  	[sflag:s24] =	ssyncset.done $0x0  }
.Ltmp13:
0xe7: {  	s10 =	sadd.s32 $0x1400, s9;
	[sflag:s24] =	ssyncadd.s32 $0xFFFFC000;
	(pc) =	sbr.rel @p3 .LBB2_10-.Ltmp13, $4  }
0xe8: {  	[tilespmem:s17], [sflag:$0x1] =	stream.indirect.gather [hbm4b:s6+s19], $0x80, s10, s19, $0xb8;
	[tilespmem:$0x1E800] =	vst v63  }
0xe9: {  	_ =	swait.ge [sflag:s25], $0x4000  }
0xea: {  	[sflag:s25] =	ssyncset.done $0x0  }
0xeb: {  	s9 =	sadd.s32 $0x2780, s9;
	[sflag:s25] =	ssyncadd.s32 $0xFFFFC000  }
0xec: {  	[spmem:s2] =	stream.indirect.scatter.add.f32 [tilespmem:s22], [sflag:$0x4], $0x80, s9, s19, $0xb8;
	[tilespmem:$0x1E800] =	vst v63  }
0xed: {  	_ =	swait.ge [sflag:s28], $0x4000  }
0xee: {  	[sflag:s28] =	ssyncset.done $0x0  }
0xef: {  	[sflag:s28] =	ssyncadd.s32 $0xFFFFC000  }
0xf0: {  	[tilespmem:s22], [sflag:$0x2] =	stream.indirect.gather [hbm4b:s6+s19], $0x80, s29, s19, $0xb8;
	[tilespmem:$0x1E800] =	vst v63  }
0xf1: {  	_ =	swait.ge [sflag:s23], $0x4000  }
0xf2: {  	[sflag:s23] =	ssyncset.done $0x0  }
0xf3: {  	[sflag:s23] =	ssyncadd.s32 $0xFFFFC000  }
0xf4: {  	[spmem:s2] =	stream.indirect.scatter.add.f32 [tilespmem:s17], [sflag:$0x3], $0x80, s30, s19, $0xb8;
	[tilespmem:$0x1E800] =	vst v63  }
0xf5: {  	_ =	swait.ge [sflag:s25], $0x4000  }
0xf6: {  	[sflag:s25] =	ssyncset.done $0x0  }
0xf7: {  	[sflag:s25] =	ssyncadd.s32 $0xFFFFC000  }
0xf8: {  	[spmem:s2] =	stream.indirect.scatter.add.f32 [tilespmem:s22], [sflag:$0x4], $0x80, s31, s19, $0xb8;
	[tilespmem:$0x1E800] =	vst v63  }
0xf9: {  	_ =	swait.ge [sflag:s24], $0x4000  }
.Ltmp14:
0xfa: {  	[sflag:s24] =	ssyncset.done $0x0;
	(pc) =	sbr.rel @p2 .LBB2_4-.Ltmp14, $4  }
.Ltmp15:
0xfb: {  	[sflag:s24] =	ssyncadd.s32 $0xFFFFC000;
	(pc) =	sbr.rel @!p2 .LBB2_20-.Ltmp15, $4  }
0xfc: {  	_ =	swait.ge [sflag:s28], $0x4000  }
0xfd: {  	s3 =	simm.s32 $0x1400;
	[sflag:s28] =	ssyncset.done $0x0  }
0xfe: {  	p4 =	por $0x0, $0x0;
	p3 =	por p1, p1;
	[sflag:s28] =	ssyncadd.s32 $0xFFFFC000  }
0xff: {  	_ = 	snop  }
.LBB2_21:
0x100: {  	_ =	sfence.sel $0x180000  }
0x101: {  	[bflag:$0x0] =	sbarrier.arrive $0xFFFF  }
0x102: {  	_ =	strace $0x9000004D  }
0x103: {  	s0 =	stileid.u32;
	[bflag:$0x2] =	sbarrier.arrive $0xFFFF  }
0x104: {  	p0 =	sne.s32 s0, $0x0;
	s0 =	rddreg [dreg:$0x3]  }
0x105: {  	s0 =	sadd.s32 @!p0 $0x100000, s0  }
0x106: {  	[sflag:s0] =	ssyncadd.tile.s32 @!p0 $0x1;
	_ =	shalt  }
.Lfunc_end2:
_tile_overlayer_lowered:
.L_overlay_start_2:
0x107: {  	(tag) =	ssettag $0x2  }
0x108: {  	s0 =	rddreg [dreg:$0x0];
	s2 =	stileid.u32  }
0x109: {  	s1 =	rddreg [dreg:$0x1];
	p0 =	sne.s32 s2, $0x0  }
0x10a: {  	s3 =	rddreg [dreg:$0x2];
	[bflag:$0x3] =	sbarrier.arrive $0xFFFF;
	s2 =	simm.s32 @!p0 $0x1C05  }
0x10b: {  	[timem:s3], [sflag:s2] =	dma.local @!p0 [hbm:s0], s1  }
0x10c: {  	s0 =	simm.s32 @!p0 $0x5  }
0x10d: {  	_ =	swait.ge @!p0 [sflag:s0], s1  }
0x10e: {  	s1 =	ssub.s32 @!p0 $0x0, s1;
	[sflag:s0] =	ssyncset.done @!p0 $0x0  }
0x10f: {  	[sflag:s0] =	ssyncadd.s32 @!p0 s1  }
0x110: {  	[bflag:$0x3] =	sbarrier.arrive $0xFFFF  }
0x111: {  	_ =	shalt  }

</sc_bundles>
